<compile_context>
chip_gen: v7x
topology: tpu7x:2x2x1
jax: 0.10.2.dev20260603
libtpu: 0.0.44.dev20260713+nightly
codegen_flags: <defaults>
</compile_context>

<pallas_src>
import jax
import jax.numpy as jnp
from jax import lax
from jax.experimental import pallas as pl
from jax.experimental.pallas import tpu as pltpu
from jax.experimental.pallas import tpu_sc as plsc

B = 16384
D = 64
NH = 128
NV = 100000
NW = 32
RPW = B // NW
NCHUNK = 4
CH = RPW // NCHUNK
L = 16
NK = D // L


def _sc_kernel_body(tidx_hbm, midx_hbm, tt_hbm, mt_hbm, w_hbm, out_hbm,
                    idx_tv, idx_mv, et, em, wv, ov, *sems):
    wid = lax.axis_index("s") * 2 + lax.axis_index("c")
    base = wid * RPW
    pltpu.sync_copy(tidx_hbm.at[pl.ds(base, RPW)], idx_tv.at[pl.ds(0, RPW)])
    pltpu.sync_copy(midx_hbm.at[pl.ds(base, RPW)], idx_mv.at[pl.ds(0, RPW)])
    pltpu.sync_copy(w_hbm, wv)

    def gather(c, slot, sem_pair):
        cp_t = pltpu.async_copy(tt_hbm.at[idx_tv.at[pl.ds(c * CH, CH)]],
                                et.at[slot], sem_pair[0])
        cp_m = pltpu.async_copy(mt_hbm.at[idx_mv.at[pl.ds(c * CH, CH)]],
                                em.at[slot], sem_pair[1])
        return cp_t, cp_m

    copies = [None, None]
    copies[0] = gather(0, 0, sems[0:2])
    copies[1] = gather(1, 1, sems[2:4])

    lane = lax.iota(jnp.int32, 16)
    last_lane = lane == (L - 1)

    wvec = [[wv[pl.ds((tj * D) + k * L, L)] for k in range(NK)]
            for tj in range(9)]

    def row_mac(slot, r, rglob):
        e = [et[slot, r, pl.ds(k * L, L)] for k in range(NK)]
        m = [em[slot, r, pl.ds(k * L, L)] for k in range(NK)]
        p = [e[k] * m[k] for k in range(NK)]
        for j in range(3):
            s = e[0] * wvec[j][0]
            for k in range(1, NK):
                s = s + e[k] * wvec[j][k]
            for k in range(NK):
                s = s + m[k] * wvec[3 + j][k]
            for k in range(NK):
                s = s + p[k] * wvec[6 + j][k]
            tot = lax.cumsum(s, axis=0)
            plsc.store_scatter(ov, [jnp.full((L,), 1, jnp.int32)
                                    * (j * RPW + rglob)],
                               tot, mask=last_lane)

    for c in range(NCHUNK):
        slot = c % 2
        copies[slot][0].wait()
        copies[slot][1].wait()

        def pair_body(g, carry):
            for u in range(4):
                row_mac(slot, g * 4 + u, c * CH + g * 4 + u)
            return carry

        lax.fori_loop(0, CH // 4, pair_body, 0)
        if c + 2 < NCHUNK:
            copies[slot] = gather(c + 2, slot, sems[4 + 2 * slot:6 + 2 * slot])

    for j in range(3):
        pltpu.sync_copy(ov.at[pl.ds(j * RPW, RPW)],
                        out_hbm.at[pl.ds(j * B + base, RPW)])


@jax.jit
def _sc_part(tidx, midx, tt2, mt2, w_flat):
    mesh = plsc.VectorSubcoreMesh(core_axis_name="c", subcore_axis_name="s")
    scratch = [
        pltpu.VMEM((RPW,), jnp.int32),
        pltpu.VMEM((RPW,), jnp.int32),
        pltpu.VMEM((2, CH, D), jnp.float32),
        pltpu.VMEM((2, CH, D), jnp.float32),
        pltpu.VMEM((9 * D,), jnp.float32),
        pltpu.VMEM((3 * RPW,), jnp.float32),
    ] + [pltpu.SemaphoreType.DMA] * 8
    return pl.kernel(
        _sc_kernel_body,
        mesh=mesh,
        out_type=jax.ShapeDtypeStruct((3 * B,), jnp.float32),
        scratch_types=scratch,
        compiler_params=pltpu.CompilerParams(
            needs_layout_passes=False, use_tc_tiling_on_sc=False),
    )(tidx, midx, tt2, mt2, w_flat)


def _tc_body(h_ref, w_ref, b_ref, o_ref):
    o_ref[...] = lax.dot_general(
        w_ref[...], h_ref[...], (((1,), (1,)), ((), ())),
        preferred_element_type=jnp.float32) + b_ref[...]


@jax.jit
def _tc_part(h, w3, b3):
    blk = 2048
    return pl.pallas_call(
        _tc_body,
        grid=(B // blk,),
        in_specs=[
            pl.BlockSpec((blk, NH), lambda i: (i, 0)),
            pl.BlockSpec((3, NH), lambda i: (0, 0)),
            pl.BlockSpec((3, 1), lambda i: (0, 0)),
        ],
        out_specs=pl.BlockSpec((3, blk), lambda i: (0, i)),
        out_shape=jax.ShapeDtypeStruct((3, B), jnp.float32),
    )(h, w3, b3)


def kernel(h, teacher_idx, materia_idx, teacher_table, materia_table, W, b):
    tidx = teacher_idx.astype(jnp.int32)
    midx = materia_idx.astype(jnp.int32)
    w_emb = W[NH:].reshape(3, D, 3)
    w_cols = jnp.transpose(w_emb, (0, 2, 1)).reshape(9 * D)
    sc = _sc_part(tidx, midx, teacher_table, materia_table, w_cols)
    tc = _tc_part(h, W[:NH].T, b.reshape(3, 1))
    return (tc + sc.reshape(3, B)).T

# --- scband reference (transcript-rebuilt; emitter-appended) ---
"""Pipeline reference for scband-teacher-materia-head-9380208575389 (READ-ONLY COPY).

The authoritative reference and input builder live on the scoring server;
editing this copy changes nothing except your own understanding.
"""

import jax, jax.numpy as jnp
import numpy as np

N_HIDDEN = 128
EMB_DIM = 64
TEACHER_BUCKETS = 100000
MATERIA_BUCKETS = 100000
BATCH = 16384
IN_DIM = N_HIDDEN + 2 * EMB_DIM + EMB_DIM  # use_interaction=True -> 320


def setup_inputs(seed: int = 0) -> dict:
    key = jax.random.key(seed)
    k1, k2, k3, k4, k5, k6, k7 = jax.random.split(key, 7)
    h = jax.random.normal(k1, (BATCH, N_HIDDEN), dtype=jnp.float32)
    teacher_idx = jax.random.randint(k2, (BATCH,), 0, TEACHER_BUCKETS, dtype=jnp.int64 if jax.config.read('jax_enable_x64') else jnp.int32)
    materia_idx = jax.random.randint(k3, (BATCH,), 0, MATERIA_BUCKETS, dtype=jnp.int64 if jax.config.read('jax_enable_x64') else jnp.int32)
    teacher_table = jax.random.normal(k4, (TEACHER_BUCKETS, EMB_DIM), dtype=jnp.float32)
    materia_table = jax.random.normal(k5, (MATERIA_BUCKETS, EMB_DIM), dtype=jnp.float32)
    bound = 1.0 / np.sqrt(IN_DIM)
    W = jax.random.uniform(k6, (IN_DIM, 3), minval=-bound, maxval=bound, dtype=jnp.float32)
    b = jax.random.uniform(k7, (3,), minval=-bound, maxval=bound, dtype=jnp.float32)
    return {"h": h, "teacher_idx": teacher_idx, "materia_idx": materia_idx,
            "teacher_table": teacher_table, "materia_table": materia_table,
            "W": W, "b": b}


def reference(h, teacher_idx, materia_idx, teacher_table, materia_table, W, b):
    et = jnp.take(teacher_table, teacher_idx, axis=0)
    em = jnp.take(materia_table, materia_idx, axis=0)
    x = jnp.concatenate([h, et, em, et * em], axis=1)
    logits = x @ W + b
    return logits

if __name__ == "__main__":
    import jax
    _d = setup_inputs()
    print(jax.jit(kernel)(*tuple(_d.values())))

</pallas_src>

<mosaic_0001>
#map = affine_map<(d0, d1) -> (0)>
#map1 = affine_map<(d0, d1) -> (0, 0)>
module attributes {stable_mosaic.version = 14 : i64} {
  func.func @_sc_kernel_body(%arg0: i32, %arg1: i32, %arg2: memref<16384xi32, #tpu.memory_space<hbm>>, %arg3: memref<16384xi32, #tpu.memory_space<hbm>>, %arg4: memref<100000x64xf32, #tpu.memory_space<hbm>>, %arg5: memref<100000x64xf32, #tpu.memory_space<hbm>>, %arg6: memref<576xf32, #tpu.memory_space<hbm>>, %arg7: memref<49152xf32, #tpu.memory_space<hbm>>, %arg8: memref<512xi32, #tpu.memory_space<vmem>>, %arg9: memref<512xi32, #tpu.memory_space<vmem>>, %arg10: memref<2x128x64xf32, #tpu.memory_space<vmem>>, %arg11: memref<2x128x64xf32, #tpu.memory_space<vmem>>, %arg12: memref<576xf32, #tpu.memory_space<vmem>>, %arg13: memref<1536xf32, #tpu.memory_space<vmem>>, %arg14: memref<!tpu.dma_semaphore, #tpu.memory_space<semaphore_mem>>, %arg15: memref<!tpu.dma_semaphore, #tpu.memory_space<semaphore_mem>>, %arg16: memref<!tpu.dma_semaphore, #tpu.memory_space<semaphore_mem>>, %arg17: memref<!tpu.dma_semaphore, #tpu.memory_space<semaphore_mem>>, %arg18: memref<!tpu.dma_semaphore, #tpu.memory_space<semaphore_mem>>, %arg19: memref<!tpu.dma_semaphore, #tpu.memory_space<semaphore_mem>>, %arg20: memref<!tpu.dma_semaphore, #tpu.memory_space<semaphore_mem>>, %arg21: memref<!tpu.dma_semaphore, #tpu.memory_space<semaphore_mem>>) attributes {dimension_semantics = [#tpu.dimension_semantics<core_parallel>, #tpu.dimension_semantics<subcore_parallel>], iteration_bounds = array<i64: 2, 16>, scalar_prefetch = 0 : i64, scratch_operands = 14 : i64, tpu.core_type = #tpu.core_type<sc_vector_subcore>, window_params = [{transform_indices = #map}, {transform_indices = #map}, {transform_indices = #map1}, {transform_indices = #map1}, {transform_indices = #map}, {transform_indices = #map}]} {
    %mul3A = arith.constant 2 : i32
    %mul3A_0 = arith.muli %arg1, %mul3A : i32
    %add3A = arith.addi %mul3A_0, %arg0 : i32
    %mul3A_1 = arith.constant 512 : i32
    %mul3A_2 = arith.muli %add3A, %mul3A_1 : i32
    "tpu.region"() ({
      %run_scoped3A = tpu.sem_alloc : memref<!tpu.dma_semaphore, #tpu.memory_space<semaphore_mem>>
      %dma_start3A_263 = arith.constant 0 : i32
      %dma_start3A_264 = tpu.memref_slice %arg8[%dma_start3A_263] : memref<512xi32, #tpu.memory_space<vmem>> -> memref<512xi32, #tpu.memory_space<vmem>>
      %dma_start3A_265 = tpu.memref_slice %arg2[%mul3A_2] : memref<16384xi32, #tpu.memory_space<hbm>> -> memref<512xi32, #tpu.memory_space<hbm>>
      %dma_start3A_266 = arith.constant 0 : i32
      %dma_start3A_267 = tpu.memref_slice %arg8[%dma_start3A_266] : memref<512xi32, #tpu.memory_space<vmem>> -> memref<512xi32, #tpu.memory_space<vmem>>
      %dma_start3A_268 = tpu.memref_slice %arg2[%mul3A_2] : memref<16384xi32, #tpu.memory_space<hbm>> -> memref<512xi32, #tpu.memory_space<hbm>>
      tpu.enqueue_dma source(%dma_start3A_268 : memref<512xi32, #tpu.memory_space<hbm>>) target(%dma_start3A_267 : memref<512xi32, #tpu.memory_space<vmem>>) target_semaphore(%run_scoped3A : memref<!tpu.dma_semaphore, #tpu.memory_space<semaphore_mem>>)
      %dma_wait3A_269 = arith.constant 0 : i32
      %dma_wait3A_270 = tpu.memref_slice %arg8[%dma_wait3A_269] : memref<512xi32, #tpu.memory_space<vmem>> -> memref<512xi32, #tpu.memory_space<vmem>>
      %dma_wait3A_271 = tpu.memref_slice %arg2[%mul3A_2] : memref<16384xi32, #tpu.memory_space<hbm>> -> memref<512xi32, #tpu.memory_space<hbm>>
      %dma_wait3A_272 = arith.constant 0 : i32
      %dma_wait3A_273 = tpu.memref_slice %arg8[%dma_wait3A_272] : memref<512xi32, #tpu.memory_space<vmem>> -> memref<512xi32, #tpu.memory_space<vmem>>
      %dma_wait3A_274 = tpu.memref_slice %arg2[%mul3A_2] : memref<16384xi32, #tpu.memory_space<hbm>> -> memref<512xi32, #tpu.memory_space<hbm>>
      tpu.wait_dma2 semaphore(%run_scoped3A : memref<!tpu.dma_semaphore, #tpu.memory_space<semaphore_mem>>) src(%dma_wait3A_274 : memref<512xi32, #tpu.memory_space<hbm>>) dst(%dma_wait3A_273 : memref<512xi32, #tpu.memory_space<vmem>>)
      tpu.yield
    }) : () -> ()
    "tpu.region"() ({
      %run_scoped3A = tpu.sem_alloc : memref<!tpu.dma_semaphore, #tpu.memory_space<semaphore_mem>>
      %dma_start3A_263 = arith.constant 0 : i32
      %dma_start3A_264 = tpu.memref_slice %arg9[%dma_start3A_263] : memref<512xi32, #tpu.memory_space<vmem>> -> memref<512xi32, #tpu.memory_space<vmem>>
      %dma_start3A_265 = tpu.memref_slice %arg3[%mul3A_2] : memref<16384xi32, #tpu.memory_space<hbm>> -> memref<512xi32, #tpu.memory_space<hbm>>
      %dma_start3A_266 = arith.constant 0 : i32
      %dma_start3A_267 = tpu.memref_slice %arg9[%dma_start3A_266] : memref<512xi32, #tpu.memory_space<vmem>> -> memref<512xi32, #tpu.memory_space<vmem>>
      %dma_start3A_268 = tpu.memref_slice %arg3[%mul3A_2] : memref<16384xi32, #tpu.memory_space<hbm>> -> memref<512xi32, #tpu.memory_space<hbm>>
      tpu.enqueue_dma source(%dma_start3A_268 : memref<512xi32, #tpu.memory_space<hbm>>) target(%dma_start3A_267 : memref<512xi32, #tpu.memory_space<vmem>>) target_semaphore(%run_scoped3A : memref<!tpu.dma_semaphore, #tpu.memory_space<semaphore_mem>>)
      %dma_wait3A_269 = arith.constant 0 : i32
      %dma_wait3A_270 = tpu.memref_slice %arg9[%dma_wait3A_269] : memref<512xi32, #tpu.memory_space<vmem>> -> memref<512xi32, #tpu.memory_space<vmem>>
      %dma_wait3A_271 = tpu.memref_slice %arg3[%mul3A_2] : memref<16384xi32, #tpu.memory_space<hbm>> -> memref<512xi32, #tpu.memory_space<hbm>>
      %dma_wait3A_272 = arith.constant 0 : i32
      %dma_wait3A_273 = tpu.memref_slice %arg9[%dma_wait3A_272] : memref<512xi32, #tpu.memory_space<vmem>> -> memref<512xi32, #tpu.memory_space<vmem>>
      %dma_wait3A_274 = tpu.memref_slice %arg3[%mul3A_2] : memref<16384xi32, #tpu.memory_space<hbm>> -> memref<512xi32, #tpu.memory_space<hbm>>
      tpu.wait_dma2 semaphore(%run_scoped3A : memref<!tpu.dma_semaphore, #tpu.memory_space<semaphore_mem>>) src(%dma_wait3A_274 : memref<512xi32, #tpu.memory_space<hbm>>) dst(%dma_wait3A_273 : memref<512xi32, #tpu.memory_space<vmem>>)
      tpu.yield
    }) : () -> ()
    "tpu.region"() ({
      %run_scoped3A = tpu.sem_alloc : memref<!tpu.dma_semaphore, #tpu.memory_space<semaphore_mem>>
      tpu.enqueue_dma source(%arg6 : memref<576xf32, #tpu.memory_space<hbm>>) target(%arg12 : memref<576xf32, #tpu.memory_space<vmem>>) target_semaphore(%run_scoped3A : memref<!tpu.dma_semaphore, #tpu.memory_space<semaphore_mem>>)
      tpu.wait_dma2 semaphore(%run_scoped3A : memref<!tpu.dma_semaphore, #tpu.memory_space<semaphore_mem>>) src(%arg6 : memref<576xf32, #tpu.memory_space<hbm>>) dst(%arg12 : memref<576xf32, #tpu.memory_space<vmem>>)
      tpu.yield
    }) : () -> ()
    %dma_start3A = arith.constant 0 : i32
    %dma_start3A_3 = arith.constant 0 : i32
    %dma_start3A_4 = arith.constant 0 : i32
    %dma_start3A_5 = tpu.memref_slice %arg10[%dma_start3A, %dma_start3A_3, %dma_start3A_4] : memref<2x128x64xf32, #tpu.memory_space<vmem>> -> memref<1x128x64xf32, #tpu.memory_space<vmem>>
    %dma_start3A_6 = tpu.memref_squeeze %dma_start3A_5 : memref<1x128x64xf32, #tpu.memory_space<vmem>> -> memref<128x64xf32, #tpu.memory_space<vmem>>
    %dma_start3A_7 = arith.constant 0 : i32
    %dma_start3A_8 = tpu.memref_slice %arg8[%dma_start3A_7] : memref<512xi32, #tpu.memory_space<vmem>> -> memref<128xi32, #tpu.memory_space<vmem>>
    %dma_start3A_9 = arith.constant 0 : i32
    %dma_start3A_10 = arith.constant 0 : i32
    %dma_start3A_11 = tpu.memref_slice %arg4[%dma_start3A_9, %dma_start3A_10] : memref<100000x64xf32, #tpu.memory_space<hbm>> -> memref<100000x64xf32, #tpu.memory_space<hbm>>
    tpu.enqueue_indirect_dma source(%dma_start3A_11 : memref<100000x64xf32, #tpu.memory_space<hbm>>) target(%dma_start3A_6 : memref<128x64xf32, #tpu.memory_space<vmem>>) offsets(%dma_start3A_8 : memref<128xi32, #tpu.memory_space<vmem>>) semaphore(%arg14 : memref<!tpu.dma_semaphore, #tpu.memory_space<semaphore_mem>>)
    %dma_start3A_12 = arith.constant 0 : i32
    %dma_start3A_13 = arith.constant 0 : i32
    %dma_start3A_14 = arith.constant 0 : i32
    %dma_start3A_15 = tpu.memref_slice %arg11[%dma_start3A_12, %dma_start3A_13, %dma_start3A_14] : memref<2x128x64xf32, #tpu.memory_space<vmem>> -> memref<1x128x64xf32, #tpu.memory_space<vmem>>
    %dma_start3A_16 = tpu.memref_squeeze %dma_start3A_15 : memref<1x128x64xf32, #tpu.memory_space<vmem>> -> memref<128x64xf32, #tpu.memory_space<vmem>>
    %dma_start3A_17 = arith.constant 0 : i32
    %dma_start3A_18 = tpu.memref_slice %arg9[%dma_start3A_17] : memref<512xi32, #tpu.memory_space<vmem>> -> memref<128xi32, #tpu.memory_space<vmem>>
    %dma_start3A_19 = arith.constant 0 : i32
    %dma_start3A_20 = arith.constant 0 : i32
    %dma_start3A_21 = tpu.memref_slice %arg5[%dma_start3A_19, %dma_start3A_20] : memref<100000x64xf32, #tpu.memory_space<hbm>> -> memref<100000x64xf32, #tpu.memory_space<hbm>>
    tpu.enqueue_indirect_dma source(%dma_start3A_21 : memref<100000x64xf32, #tpu.memory_space<hbm>>) target(%dma_start3A_16 : memref<128x64xf32, #tpu.memory_space<vmem>>) offsets(%dma_start3A_18 : memref<128xi32, #tpu.memory_space<vmem>>) semaphore(%arg15 : memref<!tpu.dma_semaphore, #tpu.memory_space<semaphore_mem>>)
    %dma_start3A_22 = arith.constant 1 : i32
    %dma_start3A_23 = arith.constant 0 : i32
    %dma_start3A_24 = arith.constant 0 : i32
    %dma_start3A_25 = tpu.memref_slice %arg10[%dma_start3A_22, %dma_start3A_23, %dma_start3A_24] : memref<2x128x64xf32, #tpu.memory_space<vmem>> -> memref<1x128x64xf32, #tpu.memory_space<vmem>>
    %dma_start3A_26 = tpu.memref_squeeze %dma_start3A_25 : memref<1x128x64xf32, #tpu.memory_space<vmem>> -> memref<128x64xf32, #tpu.memory_space<vmem>>
    %dma_start3A_27 = arith.constant 128 : i32
    %dma_start3A_28 = tpu.memref_slice %arg8[%dma_start3A_27] : memref<512xi32, #tpu.memory_space<vmem>> -> memref<128xi32, #tpu.memory_space<vmem>>
    %dma_start3A_29 = arith.constant 0 : i32
    %dma_start3A_30 = arith.constant 0 : i32
    %dma_start3A_31 = tpu.memref_slice %arg4[%dma_start3A_29, %dma_start3A_30] : memref<100000x64xf32, #tpu.memory_space<hbm>> -> memref<100000x64xf32, #tpu.memory_space<hbm>>
    tpu.enqueue_indirect_dma source(%dma_start3A_31 : memref<100000x64xf32, #tpu.memory_space<hbm>>) target(%dma_start3A_26 : memref<128x64xf32, #tpu.memory_space<vmem>>) offsets(%dma_start3A_28 : memref<128xi32, #tpu.memory_space<vmem>>) semaphore(%arg16 : memref<!tpu.dma_semaphore, #tpu.memory_space<semaphore_mem>>)
    %dma_start3A_32 = arith.constant 1 : i32
    %dma_start3A_33 = arith.constant 0 : i32
    %dma_start3A_34 = arith.constant 0 : i32
    %dma_start3A_35 = tpu.memref_slice %arg11[%dma_start3A_32, %dma_start3A_33, %dma_start3A_34] : memref<2x128x64xf32, #tpu.memory_space<vmem>> -> memref<1x128x64xf32, #tpu.memory_space<vmem>>
    %dma_start3A_36 = tpu.memref_squeeze %dma_start3A_35 : memref<1x128x64xf32, #tpu.memory_space<vmem>> -> memref<128x64xf32, #tpu.memory_space<vmem>>
    %dma_start3A_37 = arith.constant 128 : i32
    %dma_start3A_38 = tpu.memref_slice %arg9[%dma_start3A_37] : memref<512xi32, #tpu.memory_space<vmem>> -> memref<128xi32, #tpu.memory_space<vmem>>
    %dma_start3A_39 = arith.constant 0 : i32
    %dma_start3A_40 = arith.constant 0 : i32
    %dma_start3A_41 = tpu.memref_slice %arg5[%dma_start3A_39, %dma_start3A_40] : memref<100000x64xf32, #tpu.memory_space<hbm>> -> memref<100000x64xf32, #tpu.memory_space<hbm>>
    tpu.enqueue_indirect_dma source(%dma_start3A_41 : memref<100000x64xf32, #tpu.memory_space<hbm>>) target(%dma_start3A_36 : memref<128x64xf32, #tpu.memory_space<vmem>>) offsets(%dma_start3A_38 : memref<128xi32, #tpu.memory_space<vmem>>) semaphore(%arg17 : memref<!tpu.dma_semaphore, #tpu.memory_space<semaphore_mem>>)
    %iota3A = tpu.iota {dimensions = array<i32: 0>} : vector<16xi32>
    %eq3A = arith.constant 15 : i32
    %eq3A_42 = vector.broadcast %eq3A : i32 to vector<16xi32>
    %eq3A_43 = arith.cmpi eq, %iota3A, %eq3A_42 : vector<16xi32>
    %get3A = arith.constant 0 : index
    %get3A_44 = tpu.vector_load %arg12[%get3A] {strides = array<i32>} : memref<576xf32, #tpu.memory_space<vmem>>, vector<16xf32>,
    %get3A_45 = arith.constant 16 : index
    %get3A_46 = tpu.vector_load %arg12[%get3A_45] {strides = array<i32>} : memref<576xf32, #tpu.memory_space<vmem>>, vector<16xf32>,
    %get3A_47 = arith.constant 32 : index
    %get3A_48 = tpu.vector_load %arg12[%get3A_47] {strides = array<i32>} : memref<576xf32, #tpu.memory_space<vmem>>, vector<16xf32>,
    %get3A_49 = arith.constant 48 : index
    %get3A_50 = tpu.vector_load %arg12[%get3A_49] {strides = array<i32>} : memref<576xf32, #tpu.memory_space<vmem>>, vector<16xf32>,
    %get3A_51 = arith.constant 64 : index
    %get3A_52 = tpu.vector_load %arg12[%get3A_51] {strides = array<i32>} : memref<576xf32, #tpu.memory_space<vmem>>, vector<16xf32>,
    %get3A_53 = arith.constant 80 : index
    %get3A_54 = tpu.vector_load %arg12[%get3A_53] {strides = array<i32>} : memref<576xf32, #tpu.memory_space<vmem>>, vector<16xf32>,
    %get3A_55 = arith.constant 96 : index
    %get3A_56 = tpu.vector_load %arg12[%get3A_55] {strides = array<i32>} : memref<576xf32, #tpu.memory_space<vmem>>, vector<16xf32>,
    %get3A_57 = arith.constant 112 : index
    %get3A_58 = tpu.vector_load %arg12[%get3A_57] {strides = array<i32>} : memref<576xf32, #tpu.memory_space<vmem>>, vector<16xf32>,
    %get3A_59 = arith.constant 128 : index
    %get3A_60 = tpu.vector_load %arg12[%get3A_59] {strides = array<i32>} : memref<576xf32, #tpu.memory_space<vmem>>, vector<16xf32>,
    %get3A_61 = arith.constant 144 : index
    %get3A_62 = tpu.vector_load %arg12[%get3A_61] {strides = array<i32>} : memref<576xf32, #tpu.memory_space<vmem>>, vector<16xf32>,
    %get3A_63 = arith.constant 160 : index
    %get3A_64 = tpu.vector_load %arg12[%get3A_63] {strides = array<i32>} : memref<576xf32, #tpu.memory_space<vmem>>, vector<16xf32>,
    %get3A_65 = arith.constant 176 : index
    %get3A_66 = tpu.vector_load %arg12[%get3A_65] {strides = array<i32>} : memref<576xf32, #tpu.memory_space<vmem>>, vector<16xf32>,
    %get3A_67 = arith.constant 192 : index
    %get3A_68 = tpu.vector_load %arg12[%get3A_67] {strides = array<i32>} : memref<576xf32, #tpu.memory_space<vmem>>, vector<16xf32>,
    %get3A_69 = arith.constant 208 : index
    %get3A_70 = tpu.vector_load %arg12[%get3A_69] {strides = array<i32>} : memref<576xf32, #tpu.memory_space<vmem>>, vector<16xf32>,
    %get3A_71 = arith.constant 224 : index
    %get3A_72 = tpu.vector_load %arg12[%get3A_71] {strides = array<i32>} : memref<576xf32, #tpu.memory_space<vmem>>, vector<16xf32>,
    %get3A_73 = arith.constant 240 : index
    %get3A_74 = tpu.vector_load %arg12[%get3A_73] {strides = array<i32>} : memref<576xf32, #tpu.memory_space<vmem>>, vector<16xf32>,
    %get3A_75 = arith.constant 256 : index
    %get3A_76 = tpu.vector_load %arg12[%get3A_75] {strides = array<i32>} : memref<576xf32, #tpu.memory_space<vmem>>, vector<16xf32>,
    %get3A_77 = arith.constant 272 : index
    %get3A_78 = tpu.vector_load %arg12[%get3A_77] {strides = array<i32>} : memref<576xf32, #tpu.memory_space<vmem>>, vector<16xf32>,
    %get3A_79 = arith.constant 288 : index
    %get3A_80 = tpu.vector_load %arg12[%get3A_79] {strides = array<i32>} : memref<576xf32, #tpu.memory_space<vmem>>, vector<16xf32>,
    %get3A_81 = arith.constant 304 : index
    %get3A_82 = tpu.vector_load %arg12[%get3A_81] {strides = array<i32>} : memref<576xf32, #tpu.memory_space<vmem>>, vector<16xf32>,
    %get3A_83 = arith.constant 320 : index
    %get3A_84 = tpu.vector_load %arg12[%get3A_83] {strides = array<i32>} : memref<576xf32, #tpu.memory_space<vmem>>, vector<16xf32>,
    %get3A_85 = arith.constant 336 : index
    %get3A_86 = tpu.vector_load %arg12[%get3A_85] {strides = array<i32>} : memref<576xf32, #tpu.memory_space<vmem>>, vector<16xf32>,
    %get3A_87 = arith.constant 352 : index
    %get3A_88 = tpu.vector_load %arg12[%get3A_87] {strides = array<i32>} : memref<576xf32, #tpu.memory_space<vmem>>, vector<16xf32>,
    %get3A_89 = arith.constant 368 : index
    %get3A_90 = tpu.vector_load %arg12[%get3A_89] {strides = array<i32>} : memref<576xf32, #tpu.memory_space<vmem>>, vector<16xf32>,
    %get3A_91 = arith.constant 384 : index
    %get3A_92 = tpu.vector_load %arg12[%get3A_91] {strides = array<i32>} : memref<576xf32, #tpu.memory_space<vmem>>, vector<16xf32>,
    %get3A_93 = arith.constant 400 : index
    %get3A_94 = tpu.vector_load %arg12[%get3A_93] {strides = array<i32>} : memref<576xf32, #tpu.memory_space<vmem>>, vector<16xf32>,
    %get3A_95 = arith.constant 416 : index
    %get3A_96 = tpu.vector_load %arg12[%get3A_95] {strides = array<i32>} : memref<576xf32, #tpu.memory_space<vmem>>, vector<16xf32>,
    %get3A_97 = arith.constant 432 : index
    %get3A_98 = tpu.vector_load %arg12[%get3A_97] {strides = array<i32>} : memref<576xf32, #tpu.memory_space<vmem>>, vector<16xf32>,
    %get3A_99 = arith.constant 448 : index
    %get3A_100 = tpu.vector_load %arg12[%get3A_99] {strides = array<i32>} : memref<576xf32, #tpu.memory_space<vmem>>, vector<16xf32>,
    %get3A_101 = arith.constant 464 : index
    %get3A_102 = tpu.vector_load %arg12[%get3A_101] {strides = array<i32>} : memref<576xf32, #tpu.memory_space<vmem>>, vector<16xf32>,
    %get3A_103 = arith.constant 480 : index
    %get3A_104 = tpu.vector_load %arg12[%get3A_103] {strides = array<i32>} : memref<576xf32, #tpu.memory_space<vmem>>, vector<16xf32>,
    %get3A_105 = arith.constant 496 : index
    %get3A_106 = tpu.vector_load %arg12[%get3A_105] {strides = array<i32>} : memref<576xf32, #tpu.memory_space<vmem>>, vector<16xf32>,
    %get3A_107 = arith.constant 512 : index
    %get3A_108 = tpu.vector_load %arg12[%get3A_107] {strides = array<i32>} : memref<576xf32, #tpu.memory_space<vmem>>, vector<16xf32>,
    %get3A_109 = arith.constant 528 : index
    %get3A_110 = tpu.vector_load %arg12[%get3A_109] {strides = array<i32>} : memref<576xf32, #tpu.memory_space<vmem>>, vector<16xf32>,
    %get3A_111 = arith.constant 544 : index
    %get3A_112 = tpu.vector_load %arg12[%get3A_111] {strides = array<i32>} : memref<576xf32, #tpu.memory_space<vmem>>, vector<16xf32>,
    %get3A_113 = arith.constant 560 : index
    %get3A_114 = tpu.vector_load %arg12[%get3A_113] {strides = array<i32>} : memref<576xf32, #tpu.memory_space<vmem>>, vector<16xf32>,
    %dma_wait3A = arith.constant 0 : i32
    %dma_wait3A_115 = arith.constant 0 : i32
    %dma_wait3A_116 = arith.constant 0 : i32
    %dma_wait3A_117 = tpu.memref_slice %arg10[%dma_wait3A, %dma_wait3A_115, %dma_wait3A_116] : memref<2x128x64xf32, #tpu.memory_space<vmem>> -> memref<1x128x64xf32, #tpu.memory_space<vmem>>
    %dma_wait3A_118 = tpu.memref_squeeze %dma_wait3A_117 : memref<1x128x64xf32, #tpu.memory_space<vmem>> -> memref<128x64xf32, #tpu.memory_space<vmem>>
    %dma_wait3A_119 = arith.constant 0 : i32
    %dma_wait3A_120 = tpu.memref_slice %arg8[%dma_wait3A_119] : memref<512xi32, #tpu.memory_space<vmem>> -> memref<128xi32, #tpu.memory_space<vmem>>
    %dma_wait3A_121 = arith.constant 0 : i32
    %dma_wait3A_122 = arith.constant 0 : i32
    %dma_wait3A_123 = tpu.memref_slice %arg4[%dma_wait3A_121, %dma_wait3A_122] : memref<100000x64xf32, #tpu.memory_space<hbm>> -> memref<100000x64xf32, #tpu.memory_space<hbm>>
    tpu.wait_indirect_dma semaphore(%arg14 : memref<!tpu.dma_semaphore, #tpu.memory_space<semaphore_mem>>) src(%dma_wait3A_123 : memref<100000x64xf32, #tpu.memory_space<hbm>>) dst(%dma_wait3A_118 : memref<128x64xf32, #tpu.memory_space<vmem>>)
    %dma_wait3A_124 = arith.constant 0 : i32
    %dma_wait3A_125 = arith.constant 0 : i32
    %dma_wait3A_126 = arith.constant 0 : i32
    %dma_wait3A_127 = tpu.memref_slice %arg11[%dma_wait3A_124, %dma_wait3A_125, %dma_wait3A_126] : memref<2x128x64xf32, #tpu.memory_space<vmem>> -> memref<1x128x64xf32, #tpu.memory_space<vmem>>
    %dma_wait3A_128 = tpu.memref_squeeze %dma_wait3A_127 : memref<1x128x64xf32, #tpu.memory_space<vmem>> -> memref<128x64xf32, #tpu.memory_space<vmem>>
    %dma_wait3A_129 = arith.constant 0 : i32
    %dma_wait3A_130 = tpu.memref_slice %arg9[%dma_wait3A_129] : memref<512xi32, #tpu.memory_space<vmem>> -> memref<128xi32, #tpu.memory_space<vmem>>
    %dma_wait3A_131 = arith.constant 0 : i32
    %dma_wait3A_132 = arith.constant 0 : i32
    %dma_wait3A_133 = tpu.memref_slice %arg5[%dma_wait3A_131, %dma_wait3A_132] : memref<100000x64xf32, #tpu.memory_space<hbm>> -> memref<100000x64xf32, #tpu.memory_space<hbm>>
    tpu.wait_indirect_dma semaphore(%arg15 : memref<!tpu.dma_semaphore, #tpu.memory_space<semaphore_mem>>) src(%dma_wait3A_133 : memref<100000x64xf32, #tpu.memory_space<hbm>>) dst(%dma_wait3A_128 : memref<128x64xf32, #tpu.memory_space<vmem>>)
    %scan3A = arith.constant 0 : i32
    %scan3A_134 = arith.constant 0 : i32
    %scan3A_135 = arith.constant 32 : i32
    %scan3A_136 = arith.addi %scan3A_134, %scan3A_135 : i32
    %scan3A_137 = arith.constant 1 : i32
    scf.for %scan3A_263 = %scan3A_134 to %scan3A_136 step %scan3A_137  : i32 {
      %mul3A_264 = arith.constant 4 : i32
      %mul3A_265 = arith.muli %scan3A_263, %mul3A_264 : i32
      %add3A_266 = arith.constant 0 : i32
      %add3A_267 = arith.addi %mul3A_265, %add3A_266 : i32
      %mul3A_268 = arith.constant 4 : i32
      %mul3A_269 = arith.muli %scan3A_263, %mul3A_268 : i32
      %add3A_270 = arith.constant 0 : i32
      %add3A_271 = arith.addi %add3A_270, %mul3A_269 : i32
      %add3A_272 = arith.constant 0 : i32
      %add3A_273 = arith.addi %add3A_271, %add3A_272 : i32
      %get3A_274 = arith.constant 0 : i32
      %get3A_275 = arith.index_cast %get3A_274 : i32 to index
      %get3A_276 = arith.index_cast %add3A_267 : i32 to index
      %get3A_277 = arith.constant 0 : index
      %get3A_278 = tpu.vector_load %arg10[%get3A_275, %get3A_276, %get3A_277] {strides = array<i32>} : memref<2x128x64xf32, #tpu.memory_space<vmem>>, vector<16xf32>,
      %get3A_279 = arith.constant 0 : i32
      %get3A_280 = arith.index_cast %get3A_279 : i32 to index
      %get3A_281 = arith.index_cast %add3A_267 : i32 to index
      %get3A_282 = arith.constant 16 : index
      %get3A_283 = tpu.vector_load %arg10[%get3A_280, %get3A_281, %get3A_282] {strides = array<i32>} : memref<2x128x64xf32, #tpu.memory_space<vmem>>, vector<16xf32>,
      %get3A_284 = arith.constant 0 : i32
      %get3A_285 = arith.index_cast %get3A_284 : i32 to index
      %get3A_286 = arith.index_cast %add3A_267 : i32 to index
      %get3A_287 = arith.constant 32 : index
      %get3A_288 = tpu.vector_load %arg10[%get3A_285, %get3A_286, %get3A_287] {strides = array<i32>} : memref<2x128x64xf32, #tpu.memory_space<vmem>>, vector<16xf32>,
      %get3A_289 = arith.constant 0 : i32
      %get3A_290 = arith.index_cast %get3A_289 : i32 to index
      %get3A_291 = arith.index_cast %add3A_267 : i32 to index
      %get3A_292 = arith.constant 48 : index
      %get3A_293 = tpu.vector_load %arg10[%get3A_290, %get3A_291, %get3A_292] {strides = array<i32>} : memref<2x128x64xf32, #tpu.memory_space<vmem>>, vector<16xf32>,
      %get3A_294 = arith.constant 0 : i32
      %get3A_295 = arith.index_cast %get3A_294 : i32 to index
      %get3A_296 = arith.index_cast %add3A_267 : i32 to index
      %get3A_297 = arith.constant 0 : index
      %get3A_298 = tpu.vector_load %arg11[%get3A_295, %get3A_296, %get3A_297] {strides = array<i32>} : memref<2x128x64xf32, #tpu.memory_space<vmem>>, vector<16xf32>,
      %get3A_299 = arith.constant 0 : i32
      %get3A_300 = arith.index_cast %get3A_299 : i32 to index
      %get3A_301 = arith.index_cast %add3A_267 : i32 to index
      %get3A_302 = arith.constant 16 : index
      %get3A_303 = tpu.vector_load %arg11[%get3A_300, %get3A_301, %get3A_302] {strides = array<i32>} : memref<2x128x64xf32, #tpu.memory_space<vmem>>, vector<16xf32>,
      %get3A_304 = arith.constant 0 : i32
      %get3A_305 = arith.index_cast %get3A_304 : i32 to index
      %get3A_306 = arith.index_cast %add3A_267 : i32 to index
      %get3A_307 = arith.constant 32 : index
      %get3A_308 = tpu.vector_load %arg11[%get3A_305, %get3A_306, %get3A_307] {strides = array<i32>} : memref<2x128x64xf32, #tpu.memory_space<vmem>>, vector<16xf32>,
      %get3A_309 = arith.constant 0 : i32
      %get3A_310 = arith.index_cast %get3A_309 : i32 to index
      %get3A_311 = arith.index_cast %add3A_267 : i32 to index
      %get3A_312 = arith.constant 48 : index
      %get3A_313 = tpu.vector_load %arg11[%get3A_310, %get3A_311, %get3A_312] {strides = array<i32>} : memref<2x128x64xf32, #tpu.memory_space<vmem>>, vector<16xf32>,
      %mul3A_314 = arith.mulf %get3A_278, %get3A_298 : vector<16xf32>
      %mul3A_315 = arith.mulf %get3A_283, %get3A_303 : vector<16xf32>
      %mul3A_316 = arith.mulf %get3A_288, %get3A_308 : vector<16xf32>
      %mul3A_317 = arith.mulf %get3A_293, %get3A_313 : vector<16xf32>
      %mul3A_318 = arith.mulf %get3A_278, %get3A_44 : vector<16xf32>
      %mul3A_319 = arith.mulf %get3A_283, %get3A_46 : vector<16xf32>
      %add3A_320 = arith.addf %mul3A_318, %mul3A_319 : vector<16xf32>
      %mul3A_321 = arith.mulf %get3A_288, %get3A_48 : vector<16xf32>
      %add3A_322 = arith.addf %add3A_320, %mul3A_321 : vector<16xf32>
      %mul3A_323 = arith.mulf %get3A_293, %get3A_50 : vector<16xf32>
      %add3A_324 = arith.addf %add3A_322, %mul3A_323 : vector<16xf32>
      %mul3A_325 = arith.mulf %get3A_298, %get3A_68 : vector<16xf32>
      %add3A_326 = arith.addf %add3A_324, %mul3A_325 : vector<16xf32>
      %mul3A_327 = arith.mulf %get3A_303, %get3A_70 : vector<16xf32>
      %add3A_328 = arith.addf %add3A_326, %mul3A_327 : vector<16xf32>
      %mul3A_329 = arith.mulf %get3A_308, %get3A_72 : vector<16xf32>
      %add3A_330 = arith.addf %add3A_328, %mul3A_329 : vector<16xf32>
      %mul3A_331 = arith.mulf %get3A_313, %get3A_74 : vector<16xf32>
      %add3A_332 = arith.addf %add3A_330, %mul3A_331 : vector<16xf32>
      %mul3A_333 = arith.mulf %mul3A_314, %get3A_92 : vector<16xf32>
      %add3A_334 = arith.addf %add3A_332, %mul3A_333 : vector<16xf32>
      %mul3A_335 = arith.mulf %mul3A_315, %get3A_94 : vector<16xf32>
      %add3A_336 = arith.addf %add3A_334, %mul3A_335 : vector<16xf32>
      %mul3A_337 = arith.mulf %mul3A_316, %get3A_96 : vector<16xf32>
      %add3A_338 = arith.addf %add3A_336, %mul3A_337 : vector<16xf32>
      %mul3A_339 = arith.mulf %mul3A_317, %get3A_98 : vector<16xf32>
      %add3A_340 = arith.addf %add3A_338, %mul3A_339 : vector<16xf32>
      %cumsum3A = arith.constant true
      %cumsum3A_341 = vector.broadcast %cumsum3A : i1 to vector<16xi1>
      %cumsum3A_342 = tpu.scan <sum>, %add3A_340 masked %cumsum3A_341 : vector<16xf32>, vector<16xi1> -> vector<16xf32>
      %broadcast_in_dim3A = arith.constant 1 : i32
      %broadcast_in_dim3A_343 = vector.broadcast %broadcast_in_dim3A : i32 to vector<16xi32>
      %add3A_344 = arith.constant 0 : i32
      %add3A_345 = arith.addi %add3A_344, %add3A_273 : i32
      %mul3A_346 = vector.broadcast %add3A_345 : i32 to vector<16xi32>
      %mul3A_347 = arith.muli %broadcast_in_dim3A_343, %mul3A_346 : vector<16xi32>
      tpu.vector_store_idx %arg13[%mul3A_347], %cumsum3A_342 masked %eq3A_43 : memref<1536xf32, #tpu.memory_space<vmem>>[vector<16xi32>], vector<16xf32>, vector<16xi1>
      %mul3A_348 = arith.mulf %get3A_278, %get3A_52 : vector<16xf32>
      %mul3A_349 = arith.mulf %get3A_283, %get3A_54 : vector<16xf32>
      %add3A_350 = arith.addf %mul3A_348, %mul3A_349 : vector<16xf32>
      %mul3A_351 = arith.mulf %get3A_288, %get3A_56 : vector<16xf32>
      %add3A_352 = arith.addf %add3A_350, %mul3A_351 : vector<16xf32>
      %mul3A_353 = arith.mulf %get3A_293, %get3A_58 : vector<16xf32>
      %add3A_354 = arith.addf %add3A_352, %mul3A_353 : vector<16xf32>
      %mul3A_355 = arith.mulf %get3A_298, %get3A_76 : vector<16xf32>
      %add3A_356 = arith.addf %add3A_354, %mul3A_355 : vector<16xf32>
      %mul3A_357 = arith.mulf %get3A_303, %get3A_78 : vector<16xf32>
      %add3A_358 = arith.addf %add3A_356, %mul3A_357 : vector<16xf32>
      %mul3A_359 = arith.mulf %get3A_308, %get3A_80 : vector<16xf32>
      %add3A_360 = arith.addf %add3A_358, %mul3A_359 : vector<16xf32>
      %mul3A_361 = arith.mulf %get3A_313, %get3A_82 : vector<16xf32>
      %add3A_362 = arith.addf %add3A_360, %mul3A_361 : vector<16xf32>
      %mul3A_363 = arith.mulf %mul3A_314, %get3A_100 : vector<16xf32>
      %add3A_364 = arith.addf %add3A_362, %mul3A_363 : vector<16xf32>
      %mul3A_365 = arith.mulf %mul3A_315, %get3A_102 : vector<16xf32>
      %add3A_366 = arith.addf %add3A_364, %mul3A_365 : vector<16xf32>
      %mul3A_367 = arith.mulf %mul3A_316, %get3A_104 : vector<16xf32>
      %add3A_368 = arith.addf %add3A_366, %mul3A_367 : vector<16xf32>
      %mul3A_369 = arith.mulf %mul3A_317, %get3A_106 : vector<16xf32>
      %add3A_370 = arith.addf %add3A_368, %mul3A_369 : vector<16xf32>
      %cumsum3A_371 = arith.constant true
      %cumsum3A_372 = vector.broadcast %cumsum3A_371 : i1 to vector<16xi1>
      %cumsum3A_373 = tpu.scan <sum>, %add3A_370 masked %cumsum3A_372 : vector<16xf32>, vector<16xi1> -> vector<16xf32>
      %broadcast_in_dim3A_374 = arith.constant 1 : i32
      %broadcast_in_dim3A_375 = vector.broadcast %broadcast_in_dim3A_374 : i32 to vector<16xi32>
      %add3A_376 = arith.constant 512 : i32
      %add3A_377 = arith.addi %add3A_376, %add3A_273 : i32
      %mul3A_378 = vector.broadcast %add3A_377 : i32 to vector<16xi32>
      %mul3A_379 = arith.muli %broadcast_in_dim3A_375, %mul3A_378 : vector<16xi32>
      tpu.vector_store_idx %arg13[%mul3A_379], %cumsum3A_373 masked %eq3A_43 : memref<1536xf32, #tpu.memory_space<vmem>>[vector<16xi32>], vector<16xf32>, vector<16xi1>
      %mul3A_380 = arith.mulf %get3A_278, %get3A_60 : vector<16xf32>
      %mul3A_381 = arith.mulf %get3A_283, %get3A_62 : vector<16xf32>
      %add3A_382 = arith.addf %mul3A_380, %mul3A_381 : vector<16xf32>
      %mul3A_383 = arith.mulf %get3A_288, %get3A_64 : vector<16xf32>
      %add3A_384 = arith.addf %add3A_382, %mul3A_383 : vector<16xf32>
      %mul3A_385 = arith.mulf %get3A_293, %get3A_66 : vector<16xf32>
      %add3A_386 = arith.addf %add3A_384, %mul3A_385 : vector<16xf32>
      %mul3A_387 = arith.mulf %get3A_298, %get3A_84 : vector<16xf32>
      %add3A_388 = arith.addf %add3A_386, %mul3A_387 : vector<16xf32>
      %mul3A_389 = arith.mulf %get3A_303, %get3A_86 : vector<16xf32>
      %add3A_390 = arith.addf %add3A_388, %mul3A_389 : vector<16xf32>
      %mul3A_391 = arith.mulf %get3A_308, %get3A_88 : vector<16xf32>
      %add3A_392 = arith.addf %add3A_390, %mul3A_391 : vector<16xf32>
      %mul3A_393 = arith.mulf %get3A_313, %get3A_90 : vector<16xf32>
      %add3A_394 = arith.addf %add3A_392, %mul3A_393 : vector<16xf32>
      %mul3A_395 = arith.mulf %mul3A_314, %get3A_108 : vector<16xf32>
      %add3A_396 = arith.addf %add3A_394, %mul3A_395 : vector<16xf32>
      %mul3A_397 = arith.mulf %mul3A_315, %get3A_110 : vector<16xf32>
      %add3A_398 = arith.addf %add3A_396, %mul3A_397 : vector<16xf32>
      %mul3A_399 = arith.mulf %mul3A_316, %get3A_112 : vector<16xf32>
      %add3A_400 = arith.addf %add3A_398, %mul3A_399 : vector<16xf32>
      %mul3A_401 = arith.mulf %mul3A_317, %get3A_114 : vector<16xf32>
      %add3A_402 = arith.addf %add3A_400, %mul3A_401 : vector<16xf32>
      %cumsum3A_403 = arith.constant true
      %cumsum3A_404 = vector.broadcast %cumsum3A_403 : i1 to vector<16xi1>
      %cumsum3A_405 = tpu.scan <sum>, %add3A_402 masked %cumsum3A_404 : vector<16xf32>, vector<16xi1> -> vector<16xf32>
      %broadcast_in_dim3A_406 = arith.constant 1 : i32
      %broadcast_in_dim3A_407 = vector.broadcast %broadcast_in_dim3A_406 : i32 to vector<16xi32>
      %add3A_408 = arith.constant 1024 : i32
      %add3A_409 = arith.addi %add3A_408, %add3A_273 : i32
      %mul3A_410 = vector.broadcast %add3A_409 : i32 to vector<16xi32>
      %mul3A_411 = arith.muli %broadcast_in_dim3A_407, %mul3A_410 : vector<16xi32>
      tpu.vector_store_idx %arg13[%mul3A_411], %cumsum3A_405 masked %eq3A_43 : memref<1536xf32, #tpu.memory_space<vmem>>[vector<16xi32>], vector<16xf32>, vector<16xi1>
      %mul3A_412 = arith.constant 4 : i32
      %mul3A_413 = arith.muli %scan3A_263, %mul3A_412 : i32
      %add3A_414 = arith.constant 1 : i32
      %add3A_415 = arith.addi %mul3A_413, %add3A_414 : i32
      %mul3A_416 = arith.constant 4 : i32
      %mul3A_417 = arith.muli %scan3A_263, %mul3A_416 : i32
      %add3A_418 = arith.constant 0 : i32
      %add3A_419 = arith.addi %add3A_418, %mul3A_417 : i32
      %add3A_420 = arith.constant 1 : i32
      %add3A_421 = arith.addi %add3A_419, %add3A_420 : i32
      %get3A_422 = arith.constant 0 : i32
      %get3A_423 = arith.index_cast %get3A_422 : i32 to index
      %get3A_424 = arith.index_cast %add3A_415 : i32 to index
      %get3A_425 = arith.constant 0 : index
      %get3A_426 = tpu.vector_load %arg10[%get3A_423, %get3A_424, %get3A_425] {strides = array<i32>} : memref<2x128x64xf32, #tpu.memory_space<vmem>>, vector<16xf32>,
      %get3A_427 = arith.constant 0 : i32
      %get3A_428 = arith.index_cast %get3A_427 : i32 to index
      %get3A_429 = arith.index_cast %add3A_415 : i32 to index
      %get3A_430 = arith.constant 16 : index
      %get3A_431 = tpu.vector_load %arg10[%get3A_428, %get3A_429, %get3A_430] {strides = array<i32>} : memref<2x128x64xf32, #tpu.memory_space<vmem>>, vector<16xf32>,
      %get3A_432 = arith.constant 0 : i32
      %get3A_433 = arith.index_cast %get3A_432 : i32 to index
      %get3A_434 = arith.index_cast %add3A_415 : i32 to index
      %get3A_435 = arith.constant 32 : index
      %get3A_436 = tpu.vector_load %arg10[%get3A_433, %get3A_434, %get3A_435] {strides = array<i32>} : memref<2x128x64xf32, #tpu.memory_space<vmem>>, vector<16xf32>,
      %get3A_437 = arith.constant 0 : i32
      %get3A_438 = arith.index_cast %get3A_437 : i32 to index
      %get3A_439 = arith.index_cast %add3A_415 : i32 to index
      %get3A_440 = arith.constant 48 : index
      %get3A_441 = tpu.vector_load %arg10[%get3A_438, %get3A_439, %get3A_440] {strides = array<i32>} : memref<2x128x64xf32, #tpu.memory_space<vmem>>, vector<16xf32>,
      %get3A_442 = arith.constant 0 : i32
      %get3A_443 = arith.index_cast %get3A_442 : i32 to index
      %get3A_444 = arith.index_cast %add3A_415 : i32 to index
      %get3A_445 = arith.constant 0 : index
      %get3A_446 = tpu.vector_load %arg11[%get3A_443, %get3A_444, %get3A_445] {strides = array<i32>} : memref<2x128x64xf32, #tpu.memory_space<vmem>>, vector<16xf32>,
      %get3A_447 = arith.constant 0 : i32
      %get3A_448 = arith.index_cast %get3A_447 : i32 to index
      %get3A_449 = arith.index_cast %add3A_415 : i32 to index
      %get3A_450 = arith.constant 16 : index
      %get3A_451 = tpu.vector_load %arg11[%get3A_448, %get3A_449, %get3A_450] {strides = array<i32>} : memref<2x128x64xf32, #tpu.memory_space<vmem>>, vector<16xf32>,
      %get3A_452 = arith.constant 0 : i32
      %get3A_453 = arith.index_cast %get3A_452 : i32 to index
      %get3A_454 = arith.index_cast %add3A_415 : i32 to index
      %get3A_455 = arith.constant 32 : index
      %get3A_456 = tpu.vector_load %arg11[%get3A_453, %get3A_454, %get3A_455] {strides = array<i32>} : memref<2x128x64xf32, #tpu.memory_space<vmem>>, vector<16xf32>,
      %get3A_457 = arith.constant 0 : i32
      %get3A_458 = arith.index_cast %get3A_457 : i32 to index
      %get3A_459 = arith.index_cast %add3A_415 : i32 to index
      %get3A_460 = arith.constant 48 : index
      %get3A_461 = tpu.vector_load %arg11[%get3A_458, %get3A_459, %get3A_460] {strides = array<i32>} : memref<2x128x64xf32, #tpu.memory_space<vmem>>, vector<16xf32>,
      %mul3A_462 = arith.mulf %get3A_426, %get3A_446 : vector<16xf32>
      %mul3A_463 = arith.mulf %get3A_431, %get3A_451 : vector<16xf32>
      %mul3A_464 = arith.mulf %get3A_436, %get3A_456 : vector<16xf32>
      %mul3A_465 = arith.mulf %get3A_441, %get3A_461 : vector<16xf32>
      %mul3A_466 = arith.mulf %get3A_426, %get3A_44 : vector<16xf32>
      %mul3A_467 = arith.mulf %get3A_431, %get3A_46 : vector<16xf32>
      %add3A_468 = arith.addf %mul3A_466, %mul3A_467 : vector<16xf32>
      %mul3A_469 = arith.mulf %get3A_436, %get3A_48 : vector<16xf32>
      %add3A_470 = arith.addf %add3A_468, %mul3A_469 : vector<16xf32>
      %mul3A_471 = arith.mulf %get3A_441, %get3A_50 : vector<16xf32>
      %add3A_472 = arith.addf %add3A_470, %mul3A_471 : vector<16xf32>
      %mul3A_473 = arith.mulf %get3A_446, %get3A_68 : vector<16xf32>
      %add3A_474 = arith.addf %add3A_472, %mul3A_473 : vector<16xf32>
      %mul3A_475 = arith.mulf %get3A_451, %get3A_70 : vector<16xf32>
      %add3A_476 = arith.addf %add3A_474, %mul3A_475 : vector<16xf32>
      %mul3A_477 = arith.mulf %get3A_456, %get3A_72 : vector<16xf32>
      %add3A_478 = arith.addf %add3A_476, %mul3A_477 : vector<16xf32>
      %mul3A_479 = arith.mulf %get3A_461, %get3A_74 : vector<16xf32>
      %add3A_480 = arith.addf %add3A_478, %mul3A_479 : vector<16xf32>
      %mul3A_481 = arith.mulf %mul3A_462, %get3A_92 : vector<16xf32>
      %add3A_482 = arith.addf %add3A_480, %mul3A_481 : vector<16xf32>
      %mul3A_483 = arith.mulf %mul3A_463, %get3A_94 : vector<16xf32>
      %add3A_484 = arith.addf %add3A_482, %mul3A_483 : vector<16xf32>
      %mul3A_485 = arith.mulf %mul3A_464, %get3A_96 : vector<16xf32>
      %add3A_486 = arith.addf %add3A_484, %mul3A_485 : vector<16xf32>
      %mul3A_487 = arith.mulf %mul3A_465, %get3A_98 : vector<16xf32>
      %add3A_488 = arith.addf %add3A_486, %mul3A_487 : vector<16xf32>
      %cumsum3A_489 = arith.constant true
      %cumsum3A_490 = vector.broadcast %cumsum3A_489 : i1 to vector<16xi1>
      %cumsum3A_491 = tpu.scan <sum>, %add3A_488 masked %cumsum3A_490 : vector<16xf32>, vector<16xi1> -> vector<16xf32>
      %broadcast_in_dim3A_492 = arith.constant 1 : i32
      %broadcast_in_dim3A_493 = vector.broadcast %broadcast_in_dim3A_492 : i32 to vector<16xi32>
      %add3A_494 = arith.constant 0 : i32
      %add3A_495 = arith.addi %add3A_494, %add3A_421 : i32
      %mul3A_496 = vector.broadcast %add3A_495 : i32 to vector<16xi32>
      %mul3A_497 = arith.muli %broadcast_in_dim3A_493, %mul3A_496 : vector<16xi32>
      tpu.vector_store_idx %arg13[%mul3A_497], %cumsum3A_491 masked %eq3A_43 : memref<1536xf32, #tpu.memory_space<vmem>>[vector<16xi32>], vector<16xf32>, vector<16xi1>
      %mul3A_498 = arith.mulf %get3A_426, %get3A_52 : vector<16xf32>
      %mul3A_499 = arith.mulf %get3A_431, %get3A_54 : vector<16xf32>
      %add3A_500 = arith.addf %mul3A_498, %mul3A_499 : vector<16xf32>
      %mul3A_501 = arith.mulf %get3A_436, %get3A_56 : vector<16xf32>
      %add3A_502 = arith.addf %add3A_500, %mul3A_501 : vector<16xf32>
      %mul3A_503 = arith.mulf %get3A_441, %get3A_58 : vector<16xf32>
      %add3A_504 = arith.addf %add3A_502, %mul3A_503 : vector<16xf32>
      %mul3A_505 = arith.mulf %get3A_446, %get3A_76 : vector<16xf32>
      %add3A_506 = arith.addf %add3A_504, %mul3A_505 : vector<16xf32>
      %mul3A_507 = arith.mulf %get3A_451, %get3A_78 : vector<16xf32>
      %add3A_508 = arith.addf %add3A_506, %mul3A_507 : vector<16xf32>
      %mul3A_509 = arith.mulf %get3A_456, %get3A_80 : vector<16xf32>
      %add3A_510 = arith.addf %add3A_508, %mul3A_509 : vector<16xf32>
      %mul3A_511 = arith.mulf %get3A_461, %get3A_82 : vector<16xf32>
      %add3A_512 = arith.addf %add3A_510, %mul3A_511 : vector<16xf32>
      %mul3A_513 = arith.mulf %mul3A_462, %get3A_100 : vector<16xf32>
      %add3A_514 = arith.addf %add3A_512, %mul3A_513 : vector<16xf32>
      %mul3A_515 = arith.mulf %mul3A_463, %get3A_102 : vector<16xf32>
      %add3A_516 = arith.addf %add3A_514, %mul3A_515 : vector<16xf32>
      %mul3A_517 = arith.mulf %mul3A_464, %get3A_104 : vector<16xf32>
      %add3A_518 = arith.addf %add3A_516, %mul3A_517 : vector<16xf32>
      %mul3A_519 = arith.mulf %mul3A_465, %get3A_106 : vector<16xf32>
      %add3A_520 = arith.addf %add3A_518, %mul3A_519 : vector<16xf32>
      %cumsum3A_521 = arith.constant true
      %cumsum3A_522 = vector.broadcast %cumsum3A_521 : i1 to vector<16xi1>
      %cumsum3A_523 = tpu.scan <sum>, %add3A_520 masked %cumsum3A_522 : vector<16xf32>, vector<16xi1> -> vector<16xf32>
      %broadcast_in_dim3A_524 = arith.constant 1 : i32
      %broadcast_in_dim3A_525 = vector.broadcast %broadcast_in_dim3A_524 : i32 to vector<16xi32>
      %add3A_526 = arith.constant 512 : i32
      %add3A_527 = arith.addi %add3A_526, %add3A_421 : i32
      %mul3A_528 = vector.broadcast %add3A_527 : i32 to vector<16xi32>
      %mul3A_529 = arith.muli %broadcast_in_dim3A_525, %mul3A_528 : vector<16xi32>
      tpu.vector_store_idx %arg13[%mul3A_529], %cumsum3A_523 masked %eq3A_43 : memref<1536xf32, #tpu.memory_space<vmem>>[vector<16xi32>], vector<16xf32>, vector<16xi1>
      %mul3A_530 = arith.mulf %get3A_426, %get3A_60 : vector<16xf32>
      %mul3A_531 = arith.mulf %get3A_431, %get3A_62 : vector<16xf32>
      %add3A_532 = arith.addf %mul3A_530, %mul3A_531 : vector<16xf32>
      %mul3A_533 = arith.mulf %get3A_436, %get3A_64 : vector<16xf32>
      %add3A_534 = arith.addf %add3A_532, %mul3A_533 : vector<16xf32>
      %mul3A_535 = arith.mulf %get3A_441, %get3A_66 : vector<16xf32>
      %add3A_536 = arith.addf %add3A_534, %mul3A_535 : vector<16xf32>
      %mul3A_537 = arith.mulf %get3A_446, %get3A_84 : vector<16xf32>
      %add3A_538 = arith.addf %add3A_536, %mul3A_537 : vector<16xf32>
      %mul3A_539 = arith.mulf %get3A_451, %get3A_86 : vector<16xf32>
      %add3A_540 = arith.addf %add3A_538, %mul3A_539 : vector<16xf32>
      %mul3A_541 = arith.mulf %get3A_456, %get3A_88 : vector<16xf32>
      %add3A_542 = arith.addf %add3A_540, %mul3A_541 : vector<16xf32>
      %mul3A_543 = arith.mulf %get3A_461, %get3A_90 : vector<16xf32>
      %add3A_544 = arith.addf %add3A_542, %mul3A_543 : vector<16xf32>
      %mul3A_545 = arith.mulf %mul3A_462, %get3A_108 : vector<16xf32>
      %add3A_546 = arith.addf %add3A_544, %mul3A_545 : vector<16xf32>
      %mul3A_547 = arith.mulf %mul3A_463, %get3A_110 : vector<16xf32>
      %add3A_548 = arith.addf %add3A_546, %mul3A_547 : vector<16xf32>
      %mul3A_549 = arith.mulf %mul3A_464, %get3A_112 : vector<16xf32>
      %add3A_550 = arith.addf %add3A_548, %mul3A_549 : vector<16xf32>
      %mul3A_551 = arith.mulf %mul3A_465, %get3A_114 : vector<16xf32>
      %add3A_552 = arith.addf %add3A_550, %mul3A_551 : vector<16xf32>
      %cumsum3A_553 = arith.constant true
      %cumsum3A_554 = vector.broadcast %cumsum3A_553 : i1 to vector<16xi1>
      %cumsum3A_555 = tpu.scan <sum>, %add3A_552 masked %cumsum3A_554 : vector<16xf32>, vector<16xi1> -> vector<16xf32>
      %broadcast_in_dim3A_556 = arith.constant 1 : i32
      %broadcast_in_dim3A_557 = vector.broadcast %broadcast_in_dim3A_556 : i32 to vector<16xi32>
      %add3A_558 = arith.constant 1024 : i32
      %add3A_559 = arith.addi %add3A_558, %add3A_421 : i32
      %mul3A_560 = vector.broadcast %add3A_559 : i32 to vector<16xi32>
      %mul3A_561 = arith.muli %broadcast_in_dim3A_557, %mul3A_560 : vector<16xi32>
      tpu.vector_store_idx %arg13[%mul3A_561], %cumsum3A_555 masked %eq3A_43 : memref<1536xf32, #tpu.memory_space<vmem>>[vector<16xi32>], vector<16xf32>, vector<16xi1>
      %mul3A_562 = arith.constant 4 : i32
      %mul3A_563 = arith.muli %scan3A_263, %mul3A_562 : i32
      %add3A_564 = arith.constant 2 : i32
      %add3A_565 = arith.addi %mul3A_563, %add3A_564 : i32
      %mul3A_566 = arith.constant 4 : i32
      %mul3A_567 = arith.muli %scan3A_263, %mul3A_566 : i32
      %add3A_568 = arith.constant 0 : i32
      %add3A_569 = arith.addi %add3A_568, %mul3A_567 : i32
      %add3A_570 = arith.constant 2 : i32
      %add3A_571 = arith.addi %add3A_569, %add3A_570 : i32
      %get3A_572 = arith.constant 0 : i32
      %get3A_573 = arith.index_cast %get3A_572 : i32 to index
      %get3A_574 = arith.index_cast %add3A_565 : i32 to index
      %get3A_575 = arith.constant 0 : index
      %get3A_576 = tpu.vector_load %arg10[%get3A_573, %get3A_574, %get3A_575] {strides = array<i32>} : memref<2x128x64xf32, #tpu.memory_space<vmem>>, vector<16xf32>,
      %get3A_577 = arith.constant 0 : i32
      %get3A_578 = arith.index_cast %get3A_577 : i32 to index
      %get3A_579 = arith.index_cast %add3A_565 : i32 to index
      %get3A_580 = arith.constant 16 : index
      %get3A_581 = tpu.vector_load %arg10[%get3A_578, %get3A_579, %get3A_580] {strides = array<i32>} : memref<2x128x64xf32, #tpu.memory_space<vmem>>, vector<16xf32>,
      %get3A_582 = arith.constant 0 : i32
      %get3A_583 = arith.index_cast %get3A_582 : i32 to index
      %get3A_584 = arith.index_cast %add3A_565 : i32 to index
      %get3A_585 = arith.constant 32 : index
      %get3A_586 = tpu.vector_load %arg10[%get3A_583, %get3A_584, %get3A_585] {strides = array<i32>} : memref<2x128x64xf32, #tpu.memory_space<vmem>>, vector<16xf32>,
      %get3A_587 = arith.constant 0 : i32
      %get3A_588 = arith.index_cast %get3A_587 : i32 to index
      %get3A_589 = arith.index_cast %add3A_565 : i32 to index
      %get3A_590 = arith.constant 48 : index
      %get3A_591 = tpu.vector_load %arg10[%get3A_588, %get3A_589, %get3A_590] {strides = array<i32>} : memref<2x128x64xf32, #tpu.memory_space<vmem>>, vector<16xf32>,
      %get3A_592 = arith.constant 0 : i32
      %get3A_593 = arith.index_cast %get3A_592 : i32 to index
      %get3A_594 = arith.index_cast %add3A_565 : i32 to index
      %get3A_595 = arith.constant 0 : index
      %get3A_596 = tpu.vector_load %arg11[%get3A_593, %get3A_594, %get3A_595] {strides = array<i32>} : memref<2x128x64xf32, #tpu.memory_space<vmem>>, vector<16xf32>,
      %get3A_597 = arith.constant 0 : i32
      %get3A_598 = arith.index_cast %get3A_597 : i32 to index
      %get3A_599 = arith.index_cast %add3A_565 : i32 to index
      %get3A_600 = arith.constant 16 : index
      %get3A_601 = tpu.vector_load %arg11[%get3A_598, %get3A_599, %get3A_600] {strides = array<i32>} : memref<2x128x64xf32, #tpu.memory_space<vmem>>, vector<16xf32>,
      %get3A_602 = arith.constant 0 : i32
      %get3A_603 = arith.index_cast %get3A_602 : i32 to index
      %get3A_604 = arith.index_cast %add3A_565 : i32 to index
      %get3A_605 = arith.constant 32 : index
      %get3A_606 = tpu.vector_load %arg11[%get3A_603, %get3A_604, %get3A_605] {strides = array<i32>} : memref<2x128x64xf32, #tpu.memory_space<vmem>>, vector<16xf32>,
      %get3A_607 = arith.constant 0 : i32
      %get3A_608 = arith.index_cast %get3A_607 : i32 to index
      %get3A_609 = arith.index_cast %add3A_565 : i32 to index
      %get3A_610 = arith.constant 48 : index
      %get3A_611 = tpu.vector_load %arg11[%get3A_608, %get3A_609, %get3A_610] {strides = array<i32>} : memref<2x128x64xf32, #tpu.memory_space<vmem>>, vector<16xf32>,
      %mul3A_612 = arith.mulf %get3A_576, %get3A_596 : vector<16xf32>
      %mul3A_613 = arith.mulf %get3A_581, %get3A_601 : vector<16xf32>
      %mul3A_614 = arith.mulf %get3A_586, %get3A_606 : vector<16xf32>
      %mul3A_615 = arith.mulf %get3A_591, %get3A_611 : vector<16xf32>
      %mul3A_616 = arith.mulf %get3A_576, %get3A_44 : vector<16xf32>
      %mul3A_617 = arith.mulf %get3A_581, %get3A_46 : vector<16xf32>
      %add3A_618 = arith.addf %mul3A_616, %mul3A_617 : vector<16xf32>
      %mul3A_619 = arith.mulf %get3A_586, %get3A_48 : vector<16xf32>
      %add3A_620 = arith.addf %add3A_618, %mul3A_619 : vector<16xf32>
      %mul3A_621 = arith.mulf %get3A_591, %get3A_50 : vector<16xf32>
      %add3A_622 = arith.addf %add3A_620, %mul3A_621 : vector<16xf32>
      %mul3A_623 = arith.mulf %get3A_596, %get3A_68 : vector<16xf32>
      %add3A_624 = arith.addf %add3A_622, %mul3A_623 : vector<16xf32>
      %mul3A_625 = arith.mulf %get3A_601, %get3A_70 : vector<16xf32>
      %add3A_626 = arith.addf %add3A_624, %mul3A_625 : vector<16xf32>
      %mul3A_627 = arith.mulf %get3A_606, %get3A_72 : vector<16xf32>
      %add3A_628 = arith.addf %add3A_626, %mul3A_627 : vector<16xf32>
      %mul3A_629 = arith.mulf %get3A_611, %get3A_74 : vector<16xf32>
      %add3A_630 = arith.addf %add3A_628, %mul3A_629 : vector<16xf32>
      %mul3A_631 = arith.mulf %mul3A_612, %get3A_92 : vector<16xf32>
      %add3A_632 = arith.addf %add3A_630, %mul3A_631 : vector<16xf32>
      %mul3A_633 = arith.mulf %mul3A_613, %get3A_94 : vector<16xf32>
      %add3A_634 = arith.addf %add3A_632, %mul3A_633 : vector<16xf32>
      %mul3A_635 = arith.mulf %mul3A_614, %get3A_96 : vector<16xf32>
      %add3A_636 = arith.addf %add3A_634, %mul3A_635 : vector<16xf32>
      %mul3A_637 = arith.mulf %mul3A_615, %get3A_98 : vector<16xf32>
      %add3A_638 = arith.addf %add3A_636, %mul3A_637 : vector<16xf32>
      %cumsum3A_639 = arith.constant true
      %cumsum3A_640 = vector.broadcast %cumsum3A_639 : i1 to vector<16xi1>
      %cumsum3A_641 = tpu.scan <sum>, %add3A_638 masked %cumsum3A_640 : vector<16xf32>, vector<16xi1> -> vector<16xf32>
      %broadcast_in_dim3A_642 = arith.constant 1 : i32
      %broadcast_in_dim3A_643 = vector.broadcast %broadcast_in_dim3A_642 : i32 to vector<16xi32>
      %add3A_644 = arith.constant 0 : i32
      %add3A_645 = arith.addi %add3A_644, %add3A_571 : i32
      %mul3A_646 = vector.broadcast %add3A_645 : i32 to vector<16xi32>
      %mul3A_647 = arith.muli %broadcast_in_dim3A_643, %mul3A_646 : vector<16xi32>
      tpu.vector_store_idx %arg13[%mul3A_647], %cumsum3A_641 masked %eq3A_43 : memref<1536xf32, #tpu.memory_space<vmem>>[vector<16xi32>], vector<16xf32>, vector<16xi1>
      %mul3A_648 = arith.mulf %get3A_576, %get3A_52 : vector<16xf32>
      %mul3A_649 = arith.mulf %get3A_581, %get3A_54 : vector<16xf32>
      %add3A_650 = arith.addf %mul3A_648, %mul3A_649 : vector<16xf32>
      %mul3A_651 = arith.mulf %get3A_586, %get3A_56 : vector<16xf32>
      %add3A_652 = arith.addf %add3A_650, %mul3A_651 : vector<16xf32>
      %mul3A_653 = arith.mulf %get3A_591, %get3A_58 : vector<16xf32>
      %add3A_654 = arith.addf %add3A_652, %mul3A_653 : vector<16xf32>
      %mul3A_655 = arith.mulf %get3A_596, %get3A_76 : vector<16xf32>
      %add3A_656 = arith.addf %add3A_654, %mul3A_655 : vector<16xf32>
      %mul3A_657 = arith.mulf %get3A_601, %get3A_78 : vector<16xf32>
      %add3A_658 = arith.addf %add3A_656, %mul3A_657 : vector<16xf32>
      %mul3A_659 = arith.mulf %get3A_606, %get3A_80 : vector<16xf32>
      %add3A_660 = arith.addf %add3A_658, %mul3A_659 : vector<16xf32>
      %mul3A_661 = arith.mulf %get3A_611, %get3A_82 : vector<16xf32>
      %add3A_662 = arith.addf %add3A_660, %mul3A_661 : vector<16xf32>
      %mul3A_663 = arith.mulf %mul3A_612, %get3A_100 : vector<16xf32>
      %add3A_664 = arith.addf %add3A_662, %mul3A_663 : vector<16xf32>
      %mul3A_665 = arith.mulf %mul3A_613, %get3A_102 : vector<16xf32>
      %add3A_666 = arith.addf %add3A_664, %mul3A_665 : vector<16xf32>
      %mul3A_667 = arith.mulf %mul3A_614, %get3A_104 : vector<16xf32>
      %add3A_668 = arith.addf %add3A_666, %mul3A_667 : vector<16xf32>
      %mul3A_669 = arith.mulf %mul3A_615, %get3A_106 : vector<16xf32>
      %add3A_670 = arith.addf %add3A_668, %mul3A_669 : vector<16xf32>
      %cumsum3A_671 = arith.constant true
      %cumsum3A_672 = vector.broadcast %cumsum3A_671 : i1 to vector<16xi1>
      %cumsum3A_673 = tpu.scan <sum>, %add3A_670 masked %cumsum3A_672 : vector<16xf32>, vector<16xi1> -> vector<16xf32>
      %broadcast_in_dim3A_674 = arith.constant 1 : i32
      %broadcast_in_dim3A_675 = vector.broadcast %broadcast_in_dim3A_674 : i32 to vector<16xi32>
      %add3A_676 = arith.constant 512 : i32
      %add3A_677 = arith.addi %add3A_676, %add3A_571 : i32
      %mul3A_678 = vector.broadcast %add3A_677 : i32 to vector<16xi32>
      %mul3A_679 = arith.muli %broadcast_in_dim3A_675, %mul3A_678 : vector<16xi32>
      tpu.vector_store_idx %arg13[%mul3A_679], %cumsum3A_673 masked %eq3A_43 : memref<1536xf32, #tpu.memory_space<vmem>>[vector<16xi32>], vector<16xf32>, vector<16xi1>
      %mul3A_680 = arith.mulf %get3A_576, %get3A_60 : vector<16xf32>
      %mul3A_681 = arith.mulf %get3A_581, %get3A_62 : vector<16xf32>
      %add3A_682 = arith.addf %mul3A_680, %mul3A_681 : vector<16xf32>
      %mul3A_683 = arith.mulf %get3A_586, %get3A_64 : vector<16xf32>
      %add3A_684 = arith.addf %add3A_682, %mul3A_683 : vector<16xf32>
      %mul3A_685 = arith.mulf %get3A_591, %get3A_66 : vector<16xf32>
      %add3A_686 = arith.addf %add3A_684, %mul3A_685 : vector<16xf32>
      %mul3A_687 = arith.mulf %get3A_596, %get3A_84 : vector<16xf32>
      %add3A_688 = arith.addf %add3A_686, %mul3A_687 : vector<16xf32>
      %mul3A_689 = arith.mulf %get3A_601, %get3A_86 : vector<16xf32>
      %add3A_690 = arith.addf %add3A_688, %mul3A_689 : vector<16xf32>
      %mul3A_691 = arith.mulf %get3A_606, %get3A_88 : vector<16xf32>
      %add3A_692 = arith.addf %add3A_690, %mul3A_691 : vector<16xf32>
      %mul3A_693 = arith.mulf %get3A_611, %get3A_90 : vector<16xf32>
      %add3A_694 = arith.addf %add3A_692, %mul3A_693 : vector<16xf32>
      %mul3A_695 = arith.mulf %mul3A_612, %get3A_108 : vector<16xf32>
      %add3A_696 = arith.addf %add3A_694, %mul3A_695 : vector<16xf32>
      %mul3A_697 = arith.mulf %mul3A_613, %get3A_110 : vector<16xf32>
      %add3A_698 = arith.addf %add3A_696, %mul3A_697 : vector<16xf32>
      %mul3A_699 = arith.mulf %mul3A_614, %get3A_112 : vector<16xf32>
      %add3A_700 = arith.addf %add3A_698, %mul3A_699 : vector<16xf32>
      %mul3A_701 = arith.mulf %mul3A_615, %get3A_114 : vector<16xf32>
      %add3A_702 = arith.addf %add3A_700, %mul3A_701 : vector<16xf32>
      %cumsum3A_703 = arith.constant true
      %cumsum3A_704 = vector.broadcast %cumsum3A_703 : i1 to vector<16xi1>
      %cumsum3A_705 = tpu.scan <sum>, %add3A_702 masked %cumsum3A_704 : vector<16xf32>, vector<16xi1> -> vector<16xf32>
      %broadcast_in_dim3A_706 = arith.constant 1 : i32
      %broadcast_in_dim3A_707 = vector.broadcast %broadcast_in_dim3A_706 : i32 to vector<16xi32>
      %add3A_708 = arith.constant 1024 : i32
      %add3A_709 = arith.addi %add3A_708, %add3A_571 : i32
      %mul3A_710 = vector.broadcast %add3A_709 : i32 to vector<16xi32>
      %mul3A_711 = arith.muli %broadcast_in_dim3A_707, %mul3A_710 : vector<16xi32>
      tpu.vector_store_idx %arg13[%mul3A_711], %cumsum3A_705 masked %eq3A_43 : memref<1536xf32, #tpu.memory_space<vmem>>[vector<16xi32>], vector<16xf32>, vector<16xi1>
      %mul3A_712 = arith.constant 4 : i32
      %mul3A_713 = arith.muli %scan3A_263, %mul3A_712 : i32
      %add3A_714 = arith.constant 3 : i32
      %add3A_715 = arith.addi %mul3A_713, %add3A_714 : i32
      %mul3A_716 = arith.constant 4 : i32
      %mul3A_717 = arith.muli %scan3A_263, %mul3A_716 : i32
      %add3A_718 = arith.constant 0 : i32
      %add3A_719 = arith.addi %add3A_718, %mul3A_717 : i32
      %add3A_720 = arith.constant 3 : i32
      %add3A_721 = arith.addi %add3A_719, %add3A_720 : i32
      %get3A_722 = arith.constant 0 : i32
      %get3A_723 = arith.index_cast %get3A_722 : i32 to index
      %get3A_724 = arith.index_cast %add3A_715 : i32 to index
      %get3A_725 = arith.constant 0 : index
      %get3A_726 = tpu.vector_load %arg10[%get3A_723, %get3A_724, %get3A_725] {strides = array<i32>} : memref<2x128x64xf32, #tpu.memory_space<vmem>>, vector<16xf32>,
      %get3A_727 = arith.constant 0 : i32
      %get3A_728 = arith.index_cast %get3A_727 : i32 to index
      %get3A_729 = arith.index_cast %add3A_715 : i32 to index
      %get3A_730 = arith.constant 16 : index
      %get3A_731 = tpu.vector_load %arg10[%get3A_728, %get3A_729, %get3A_730] {strides = array<i32>} : memref<2x128x64xf32, #tpu.memory_space<vmem>>, vector<16xf32>,
      %get3A_732 = arith.constant 0 : i32
      %get3A_733 = arith.index_cast %get3A_732 : i32 to index
      %get3A_734 = arith.index_cast %add3A_715 : i32 to index
      %get3A_735 = arith.constant 32 : index
      %get3A_736 = tpu.vector_load %arg10[%get3A_733, %get3A_734, %get3A_735] {strides = array<i32>} : memref<2x128x64xf32, #tpu.memory_space<vmem>>, vector<16xf32>,
      %get3A_737 = arith.constant 0 : i32
      %get3A_738 = arith.index_cast %get3A_737 : i32 to index
      %get3A_739 = arith.index_cast %add3A_715 : i32 to index
      %get3A_740 = arith.constant 48 : index
      %get3A_741 = tpu.vector_load %arg10[%get3A_738, %get3A_739, %get3A_740] {strides = array<i32>} : memref<2x128x64xf32, #tpu.memory_space<vmem>>, vector<16xf32>,
      %get3A_742 = arith.constant 0 : i32
      %get3A_743 = arith.index_cast %get3A_742 : i32 to index
      %get3A_744 = arith.index_cast %add3A_715 : i32 to index
      %get3A_745 = arith.constant 0 : index
      %get3A_746 = tpu.vector_load %arg11[%get3A_743, %get3A_744, %get3A_745] {strides = array<i32>} : memref<2x128x64xf32, #tpu.memory_space<vmem>>, vector<16xf32>,
      %get3A_747 = arith.constant 0 : i32
      %get3A_748 = arith.index_cast %get3A_747 : i32 to index
      %get3A_749 = arith.index_cast %add3A_715 : i32 to index
      %get3A_750 = arith.constant 16 : index
      %get3A_751 = tpu.vector_load %arg11[%get3A_748, %get3A_749, %get3A_750] {strides = array<i32>} : memref<2x128x64xf32, #tpu.memory_space<vmem>>, vector<16xf32>,
      %get3A_752 = arith.constant 0 : i32
      %get3A_753 = arith.index_cast %get3A_752 : i32 to index
      %get3A_754 = arith.index_cast %add3A_715 : i32 to index
      %get3A_755 = arith.constant 32 : index
      %get3A_756 = tpu.vector_load %arg11[%get3A_753, %get3A_754, %get3A_755] {strides = array<i32>} : memref<2x128x64xf32, #tpu.memory_space<vmem>>, vector<16xf32>,
      %get3A_757 = arith.constant 0 : i32
      %get3A_758 = arith.index_cast %get3A_757 : i32 to index
      %get3A_759 = arith.index_cast %add3A_715 : i32 to index
      %get3A_760 = arith.constant 48 : index
      %get3A_761 = tpu.vector_load %arg11[%get3A_758, %get3A_759, %get3A_760] {strides = array<i32>} : memref<2x128x64xf32, #tpu.memory_space<vmem>>, vector<16xf32>,
      %mul3A_762 = arith.mulf %get3A_726, %get3A_746 : vector<16xf32>
      %mul3A_763 = arith.mulf %get3A_731, %get3A_751 : vector<16xf32>
      %mul3A_764 = arith.mulf %get3A_736, %get3A_756 : vector<16xf32>
      %mul3A_765 = arith.mulf %get3A_741, %get3A_761 : vector<16xf32>
      %mul3A_766 = arith.mulf %get3A_726, %get3A_44 : vector<16xf32>
      %mul3A_767 = arith.mulf %get3A_731, %get3A_46 : vector<16xf32>
      %add3A_768 = arith.addf %mul3A_766, %mul3A_767 : vector<16xf32>
      %mul3A_769 = arith.mulf %get3A_736, %get3A_48 : vector<16xf32>
      %add3A_770 = arith.addf %add3A_768, %mul3A_769 : vector<16xf32>
      %mul3A_771 = arith.mulf %get3A_741, %get3A_50 : vector<16xf32>
      %add3A_772 = arith.addf %add3A_770, %mul3A_771 : vector<16xf32>
      %mul3A_773 = arith.mulf %get3A_746, %get3A_68 : vector<16xf32>
      %add3A_774 = arith.addf %add3A_772, %mul3A_773 : vector<16xf32>
      %mul3A_775 = arith.mulf %get3A_751, %get3A_70 : vector<16xf32>
      %add3A_776 = arith.addf %add3A_774, %mul3A_775 : vector<16xf32>
      %mul3A_777 = arith.mulf %get3A_756, %get3A_72 : vector<16xf32>
      %add3A_778 = arith.addf %add3A_776, %mul3A_777 : vector<16xf32>
      %mul3A_779 = arith.mulf %get3A_761, %get3A_74 : vector<16xf32>
      %add3A_780 = arith.addf %add3A_778, %mul3A_779 : vector<16xf32>
      %mul3A_781 = arith.mulf %mul3A_762, %get3A_92 : vector<16xf32>
      %add3A_782 = arith.addf %add3A_780, %mul3A_781 : vector<16xf32>
      %mul3A_783 = arith.mulf %mul3A_763, %get3A_94 : vector<16xf32>
      %add3A_784 = arith.addf %add3A_782, %mul3A_783 : vector<16xf32>
      %mul3A_785 = arith.mulf %mul3A_764, %get3A_96 : vector<16xf32>
      %add3A_786 = arith.addf %add3A_784, %mul3A_785 : vector<16xf32>
      %mul3A_787 = arith.mulf %mul3A_765, %get3A_98 : vector<16xf32>
      %add3A_788 = arith.addf %add3A_786, %mul3A_787 : vector<16xf32>
      %cumsum3A_789 = arith.constant true
      %cumsum3A_790 = vector.broadcast %cumsum3A_789 : i1 to vector<16xi1>
      %cumsum3A_791 = tpu.scan <sum>, %add3A_788 masked %cumsum3A_790 : vector<16xf32>, vector<16xi1> -> vector<16xf32>
      %broadcast_in_dim3A_792 = arith.constant 1 : i32
      %broadcast_in_dim3A_793 = vector.broadcast %broadcast_in_dim3A_792 : i32 to vector<16xi32>
      %add3A_794 = arith.constant 0 : i32
      %add3A_795 = arith.addi %add3A_794, %add3A_721 : i32
      %mul3A_796 = vector.broadcast %add3A_795 : i32 to vector<16xi32>
      %mul3A_797 = arith.muli %broadcast_in_dim3A_793, %mul3A_796 : vector<16xi32>
      tpu.vector_store_idx %arg13[%mul3A_797], %cumsum3A_791 masked %eq3A_43 : memref<1536xf32, #tpu.memory_space<vmem>>[vector<16xi32>], vector<16xf32>, vector<16xi1>
      %mul3A_798 = arith.mulf %get3A_726, %get3A_52 : vector<16xf32>
      %mul3A_799 = arith.mulf %get3A_731, %get3A_54 : vector<16xf32>
      %add3A_800 = arith.addf %mul3A_798, %mul3A_799 : vector<16xf32>
      %mul3A_801 = arith.mulf %get3A_736, %get3A_56 : vector<16xf32>
      %add3A_802 = arith.addf %add3A_800, %mul3A_801 : vector<16xf32>
      %mul3A_803 = arith.mulf %get3A_741, %get3A_58 : vector<16xf32>
      %add3A_804 = arith.addf %add3A_802, %mul3A_803 : vector<16xf32>
      %mul3A_805 = arith.mulf %get3A_746, %get3A_76 : vector<16xf32>
      %add3A_806 = arith.addf %add3A_804, %mul3A_805 : vector<16xf32>
      %mul3A_807 = arith.mulf %get3A_751, %get3A_78 : vector<16xf32>
      %add3A_808 = arith.addf %add3A_806, %mul3A_807 : vector<16xf32>
      %mul3A_809 = arith.mulf %get3A_756, %get3A_80 : vector<16xf32>
      %add3A_810 = arith.addf %add3A_808, %mul3A_809 : vector<16xf32>
      %mul3A_811 = arith.mulf %get3A_761, %get3A_82 : vector<16xf32>
      %add3A_812 = arith.addf %add3A_810, %mul3A_811 : vector<16xf32>
      %mul3A_813 = arith.mulf %mul3A_762, %get3A_100 : vector<16xf32>
      %add3A_814 = arith.addf %add3A_812, %mul3A_813 : vector<16xf32>
      %mul3A_815 = arith.mulf %mul3A_763, %get3A_102 : vector<16xf32>
      %add3A_816 = arith.addf %add3A_814, %mul3A_815 : vector<16xf32>
      %mul3A_817 = arith.mulf %mul3A_764, %get3A_104 : vector<16xf32>
      %add3A_818 = arith.addf %add3A_816, %mul3A_817 : vector<16xf32>
      %mul3A_819 = arith.mulf %mul3A_765, %get3A_106 : vector<16xf32>
      %add3A_820 = arith.addf %add3A_818, %mul3A_819 : vector<16xf32>
      %cumsum3A_821 = arith.constant true
      %cumsum3A_822 = vector.broadcast %cumsum3A_821 : i1 to vector<16xi1>
      %cumsum3A_823 = tpu.scan <sum>, %add3A_820 masked %cumsum3A_822 : vector<16xf32>, vector<16xi1> -> vector<16xf32>
      %broadcast_in_dim3A_824 = arith.constant 1 : i32
      %broadcast_in_dim3A_825 = vector.broadcast %broadcast_in_dim3A_824 : i32 to vector<16xi32>
      %add3A_826 = arith.constant 512 : i32
      %add3A_827 = arith.addi %add3A_826, %add3A_721 : i32
      %mul3A_828 = vector.broadcast %add3A_827 : i32 to vector<16xi32>
      %mul3A_829 = arith.muli %broadcast_in_dim3A_825, %mul3A_828 : vector<16xi32>
      tpu.vector_store_idx %arg13[%mul3A_829], %cumsum3A_823 masked %eq3A_43 : memref<1536xf32, #tpu.memory_space<vmem>>[vector<16xi32>], vector<16xf32>, vector<16xi1>
      %mul3A_830 = arith.mulf %get3A_726, %get3A_60 : vector<16xf32>
      %mul3A_831 = arith.mulf %get3A_731, %get3A_62 : vector<16xf32>
      %add3A_832 = arith.addf %mul3A_830, %mul3A_831 : vector<16xf32>
      %mul3A_833 = arith.mulf %get3A_736, %get3A_64 : vector<16xf32>
      %add3A_834 = arith.addf %add3A_832, %mul3A_833 : vector<16xf32>
      %mul3A_835 = arith.mulf %get3A_741, %get3A_66 : vector<16xf32>
      %add3A_836 = arith.addf %add3A_834, %mul3A_835 : vector<16xf32>
      %mul3A_837 = arith.mulf %get3A_746, %get3A_84 : vector<16xf32>
      %add3A_838 = arith.addf %add3A_836, %mul3A_837 : vector<16xf32>
      %mul3A_839 = arith.mulf %get3A_751, %get3A_86 : vector<16xf32>
      %add3A_840 = arith.addf %add3A_838, %mul3A_839 : vector<16xf32>
      %mul3A_841 = arith.mulf %get3A_756, %get3A_88 : vector<16xf32>
      %add3A_842 = arith.addf %add3A_840, %mul3A_841 : vector<16xf32>
      %mul3A_843 = arith.mulf %get3A_761, %get3A_90 : vector<16xf32>
      %add3A_844 = arith.addf %add3A_842, %mul3A_843 : vector<16xf32>
      %mul3A_845 = arith.mulf %mul3A_762, %get3A_108 : vector<16xf32>
      %add3A_846 = arith.addf %add3A_844, %mul3A_845 : vector<16xf32>
      %mul3A_847 = arith.mulf %mul3A_763, %get3A_110 : vector<16xf32>
      %add3A_848 = arith.addf %add3A_846, %mul3A_847 : vector<16xf32>
      %mul3A_849 = arith.mulf %mul3A_764, %get3A_112 : vector<16xf32>
      %add3A_850 = arith.addf %add3A_848, %mul3A_849 : vector<16xf32>
      %mul3A_851 = arith.mulf %mul3A_765, %get3A_114 : vector<16xf32>
      %add3A_852 = arith.addf %add3A_850, %mul3A_851 : vector<16xf32>
      %cumsum3A_853 = arith.constant true
      %cumsum3A_854 = vector.broadcast %cumsum3A_853 : i1 to vector<16xi1>
      %cumsum3A_855 = tpu.scan <sum>, %add3A_852 masked %cumsum3A_854 : vector<16xf32>, vector<16xi1> -> vector<16xf32>
      %broadcast_in_dim3A_856 = arith.constant 1 : i32
      %broadcast_in_dim3A_857 = vector.broadcast %broadcast_in_dim3A_856 : i32 to vector<16xi32>
      %add3A_858 = arith.constant 1024 : i32
      %add3A_859 = arith.addi %add3A_858, %add3A_721 : i32
      %mul3A_860 = vector.broadcast %add3A_859 : i32 to vector<16xi32>
      %mul3A_861 = arith.muli %broadcast_in_dim3A_857, %mul3A_860 : vector<16xi32>
      tpu.vector_store_idx %arg13[%mul3A_861], %cumsum3A_855 masked %eq3A_43 : memref<1536xf32, #tpu.memory_space<vmem>>[vector<16xi32>], vector<16xf32>, vector<16xi1>
    }
    %scan3A_138 = arith.constant 32 : i32
    %dma_start3A_139 = arith.constant 0 : i32
    %dma_start3A_140 = arith.constant 0 : i32
    %dma_start3A_141 = arith.constant 0 : i32
    %dma_start3A_142 = tpu.memref_slice %arg10[%dma_start3A_139, %dma_start3A_140, %dma_start3A_141] : memref<2x128x64xf32, #tpu.memory_space<vmem>> -> memref<1x128x64xf32, #tpu.memory_space<vmem>>
    %dma_start3A_143 = tpu.memref_squeeze %dma_start3A_142 : memref<1x128x64xf32, #tpu.memory_space<vmem>> -> memref<128x64xf32, #tpu.memory_space<vmem>>
    %dma_start3A_144 = arith.constant 256 : i32
    %dma_start3A_145 = tpu.memref_slice %arg8[%dma_start3A_144] : memref<512xi32, #tpu.memory_space<vmem>> -> memref<128xi32, #tpu.memory_space<vmem>>
    %dma_start3A_146 = arith.constant 0 : i32
    %dma_start3A_147 = arith.constant 0 : i32
    %dma_start3A_148 = tpu.memref_slice %arg4[%dma_start3A_146, %dma_start3A_147] : memref<100000x64xf32, #tpu.memory_space<hbm>> -> memref<100000x64xf32, #tpu.memory_space<hbm>>
    tpu.enqueue_indirect_dma source(%dma_start3A_148 : memref<100000x64xf32, #tpu.memory_space<hbm>>) target(%dma_start3A_143 : memref<128x64xf32, #tpu.memory_space<vmem>>) offsets(%dma_start3A_145 : memref<128xi32, #tpu.memory_space<vmem>>) semaphore(%arg18 : memref<!tpu.dma_semaphore, #tpu.memory_space<semaphore_mem>>)
    %dma_start3A_149 = arith.constant 0 : i32
    %dma_start3A_150 = arith.constant 0 : i32
    %dma_start3A_151 = arith.constant 0 : i32
    %dma_start3A_152 = tpu.memref_slice %arg11[%dma_start3A_149, %dma_start3A_150, %dma_start3A_151] : memref<2x128x64xf32, #tpu.memory_space<vmem>> -> memref<1x128x64xf32, #tpu.memory_space<vmem>>
    %dma_start3A_153 = tpu.memref_squeeze %dma_start3A_152 : memref<1x128x64xf32, #tpu.memory_space<vmem>> -> memref<128x64xf32, #tpu.memory_space<vmem>>
    %dma_start3A_154 = arith.constant 256 : i32
    %dma_start3A_155 = tpu.memref_slice %arg9[%dma_start3A_154] : memref<512xi32, #tpu.memory_space<vmem>> -> memref<128xi32, #tpu.memory_space<vmem>>
    %dma_start3A_156 = arith.constant 0 : i32
    %dma_start3A_157 = arith.constant 0 : i32
    %dma_start3A_158 = tpu.memref_slice %arg5[%dma_start3A_156, %dma_start3A_157] : memref<100000x64xf32, #tpu.memory_space<hbm>> -> memref<100000x64xf32, #tpu.memory_space<hbm>>
    tpu.enqueue_indirect_dma source(%dma_start3A_158 : memref<100000x64xf32, #tpu.memory_space<hbm>>) target(%dma_start3A_153 : memref<128x64xf32, #tpu.memory_space<vmem>>) offsets(%dma_start3A_155 : memref<128xi32, #tpu.memory_space<vmem>>) semaphore(%arg19 : memref<!tpu.dma_semaphore, #tpu.memory_space<semaphore_mem>>)
    %dma_wait3A_159 = arith.constant 1 : i32
    %dma_wait3A_160 = arith.constant 0 : i32
    %dma_wait3A_161 = arith.constant 0 : i32
    %dma_wait3A_162 = tpu.memref_slice %arg10[%dma_wait3A_159, %dma_wait3A_160, %dma_wait3A_161] : memref<2x128x64xf32, #tpu.memory_space<vmem>> -> memref<1x128x64xf32, #tpu.memory_space<vmem>>
    %dma_wait3A_163 = tpu.memref_squeeze %dma_wait3A_162 : memref<1x128x64xf32, #tpu.memory_space<vmem>> -> memref<128x64xf32, #tpu.memory_space<vmem>>
    %dma_wait3A_164 = arith.constant 128 : i32
    %dma_wait3A_165 = tpu.memref_slice %arg8[%dma_wait3A_164] : memref<512xi32, #tpu.memory_space<vmem>> -> memref<128xi32, #tpu.memory_space<vmem>>
    %dma_wait3A_166 = arith.constant 0 : i32
    %dma_wait3A_167 = arith.constant 0 : i32
    %dma_wait3A_168 = tpu.memref_slice %arg4[%dma_wait3A_166, %dma_wait3A_167] : memref<100000x64xf32, #tpu.memory_space<hbm>> -> memref<100000x64xf32, #tpu.memory_space<hbm>>
    tpu.wait_indirect_dma semaphore(%arg16 : memref<!tpu.dma_semaphore, #tpu.memory_space<semaphore_mem>>) src(%dma_wait3A_168 : memref<100000x64xf32, #tpu.memory_space<hbm>>) dst(%dma_wait3A_163 : memref<128x64xf32, #tpu.memory_space<vmem>>)
    %dma_wait3A_169 = arith.constant 1 : i32
    %dma_wait3A_170 = arith.constant 0 : i32
    %dma_wait3A_171 = arith.constant 0 : i32
    %dma_wait3A_172 = tpu.memref_slice %arg11[%dma_wait3A_169, %dma_wait3A_170, %dma_wait3A_171] : memref<2x128x64xf32, #tpu.memory_space<vmem>> -> memref<1x128x64xf32, #tpu.memory_space<vmem>>
    %dma_wait3A_173 = tpu.memref_squeeze %dma_wait3A_172 : memref<1x128x64xf32, #tpu.memory_space<vmem>> -> memref<128x64xf32, #tpu.memory_space<vmem>>
    %dma_wait3A_174 = arith.constant 128 : i32
    %dma_wait3A_175 = tpu.memref_slice %arg9[%dma_wait3A_174] : memref<512xi32, #tpu.memory_space<vmem>> -> memref<128xi32, #tpu.memory_space<vmem>>
    %dma_wait3A_176 = arith.constant 0 : i32
    %dma_wait3A_177 = arith.constant 0 : i32
    %dma_wait3A_178 = tpu.memref_slice %arg5[%dma_wait3A_176, %dma_wait3A_177] : memref<100000x64xf32, #tpu.memory_space<hbm>> -> memref<100000x64xf32, #tpu.memory_space<hbm>>
    tpu.wait_indirect_dma semaphore(%arg17 : memref<!tpu.dma_semaphore, #tpu.memory_space<semaphore_mem>>) src(%dma_wait3A_178 : memref<100000x64xf32, #tpu.memory_space<hbm>>) dst(%dma_wait3A_173 : memref<128x64xf32, #tpu.memory_space<vmem>>)
    %scan3A_179 = arith.constant 0 : i32
    %scan3A_180 = arith.constant 0 : i32
    %scan3A_181 = arith.constant 32 : i32
    %scan3A_182 = arith.addi %scan3A_180, %scan3A_181 : i32
    %scan3A_183 = arith.constant 1 : i32
    scf.for %scan3A_263 = %scan3A_180 to %scan3A_182 step %scan3A_183  : i32 {
      %mul3A_264 = arith.constant 4 : i32
      %mul3A_265 = arith.muli %scan3A_263, %mul3A_264 : i32
      %add3A_266 = arith.constant 0 : i32
      %add3A_267 = arith.addi %mul3A_265, %add3A_266 : i32
      %mul3A_268 = arith.constant 4 : i32
      %mul3A_269 = arith.muli %scan3A_263, %mul3A_268 : i32
      %add3A_270 = arith.constant 128 : i32
      %add3A_271 = arith.addi %add3A_270, %mul3A_269 : i32
      %add3A_272 = arith.constant 0 : i32
      %add3A_273 = arith.addi %add3A_271, %add3A_272 : i32
      %get3A_274 = arith.constant 1 : i32
      %get3A_275 = arith.index_cast %get3A_274 : i32 to index
      %get3A_276 = arith.index_cast %add3A_267 : i32 to index
      %get3A_277 = arith.constant 0 : index
      %get3A_278 = tpu.vector_load %arg10[%get3A_275, %get3A_276, %get3A_277] {strides = array<i32>} : memref<2x128x64xf32, #tpu.memory_space<vmem>>, vector<16xf32>,
      %get3A_279 = arith.constant 1 : i32
      %get3A_280 = arith.index_cast %get3A_279 : i32 to index
      %get3A_281 = arith.index_cast %add3A_267 : i32 to index
      %get3A_282 = arith.constant 16 : index
      %get3A_283 = tpu.vector_load %arg10[%get3A_280, %get3A_281, %get3A_282] {strides = array<i32>} : memref<2x128x64xf32, #tpu.memory_space<vmem>>, vector<16xf32>,
      %get3A_284 = arith.constant 1 : i32
      %get3A_285 = arith.index_cast %get3A_284 : i32 to index
      %get3A_286 = arith.index_cast %add3A_267 : i32 to index
      %get3A_287 = arith.constant 32 : index
      %get3A_288 = tpu.vector_load %arg10[%get3A_285, %get3A_286, %get3A_287] {strides = array<i32>} : memref<2x128x64xf32, #tpu.memory_space<vmem>>, vector<16xf32>,
      %get3A_289 = arith.constant 1 : i32
      %get3A_290 = arith.index_cast %get3A_289 : i32 to index
      %get3A_291 = arith.index_cast %add3A_267 : i32 to index
      %get3A_292 = arith.constant 48 : index
      %get3A_293 = tpu.vector_load %arg10[%get3A_290, %get3A_291, %get3A_292] {strides = array<i32>} : memref<2x128x64xf32, #tpu.memory_space<vmem>>, vector<16xf32>,
      %get3A_294 = arith.constant 1 : i32
      %get3A_295 = arith.index_cast %get3A_294 : i32 to index
      %get3A_296 = arith.index_cast %add3A_267 : i32 to index
      %get3A_297 = arith.constant 0 : index
      %get3A_298 = tpu.vector_load %arg11[%get3A_295, %get3A_296, %get3A_297] {strides = array<i32>} : memref<2x128x64xf32, #tpu.memory_space<vmem>>, vector<16xf32>,
      %get3A_299 = arith.constant 1 : i32
      %get3A_300 = arith.index_cast %get3A_299 : i32 to index
      %get3A_301 = arith.index_cast %add3A_267 : i32 to index
      %get3A_302 = arith.constant 16 : index
      %get3A_303 = tpu.vector_load %arg11[%get3A_300, %get3A_301, %get3A_302] {strides = array<i32>} : memref<2x128x64xf32, #tpu.memory_space<vmem>>, vector<16xf32>,
      %get3A_304 = arith.constant 1 : i32
      %get3A_305 = arith.index_cast %get3A_304 : i32 to index
      %get3A_306 = arith.index_cast %add3A_267 : i32 to index
      %get3A_307 = arith.constant 32 : index
      %get3A_308 = tpu.vector_load %arg11[%get3A_305, %get3A_306, %get3A_307] {strides = array<i32>} : memref<2x128x64xf32, #tpu.memory_space<vmem>>, vector<16xf32>,
      %get3A_309 = arith.constant 1 : i32
      %get3A_310 = arith.index_cast %get3A_309 : i32 to index
      %get3A_311 = arith.index_cast %add3A_267 : i32 to index
      %get3A_312 = arith.constant 48 : index
      %get3A_313 = tpu.vector_load %arg11[%get3A_310, %get3A_311, %get3A_312] {strides = array<i32>} : memref<2x128x64xf32, #tpu.memory_space<vmem>>, vector<16xf32>,
      %mul3A_314 = arith.mulf %get3A_278, %get3A_298 : vector<16xf32>
      %mul3A_315 = arith.mulf %get3A_283, %get3A_303 : vector<16xf32>
      %mul3A_316 = arith.mulf %get3A_288, %get3A_308 : vector<16xf32>
      %mul3A_317 = arith.mulf %get3A_293, %get3A_313 : vector<16xf32>
      %mul3A_318 = arith.mulf %get3A_278, %get3A_44 : vector<16xf32>
      %mul3A_319 = arith.mulf %get3A_283, %get3A_46 : vector<16xf32>
      %add3A_320 = arith.addf %mul3A_318, %mul3A_319 : vector<16xf32>
      %mul3A_321 = arith.mulf %get3A_288, %get3A_48 : vector<16xf32>
      %add3A_322 = arith.addf %add3A_320, %mul3A_321 : vector<16xf32>
      %mul3A_323 = arith.mulf %get3A_293, %get3A_50 : vector<16xf32>
      %add3A_324 = arith.addf %add3A_322, %mul3A_323 : vector<16xf32>
      %mul3A_325 = arith.mulf %get3A_298, %get3A_68 : vector<16xf32>
      %add3A_326 = arith.addf %add3A_324, %mul3A_325 : vector<16xf32>
      %mul3A_327 = arith.mulf %get3A_303, %get3A_70 : vector<16xf32>
      %add3A_328 = arith.addf %add3A_326, %mul3A_327 : vector<16xf32>
      %mul3A_329 = arith.mulf %get3A_308, %get3A_72 : vector<16xf32>
      %add3A_330 = arith.addf %add3A_328, %mul3A_329 : vector<16xf32>
      %mul3A_331 = arith.mulf %get3A_313, %get3A_74 : vector<16xf32>
      %add3A_332 = arith.addf %add3A_330, %mul3A_331 : vector<16xf32>
      %mul3A_333 = arith.mulf %mul3A_314, %get3A_92 : vector<16xf32>
      %add3A_334 = arith.addf %add3A_332, %mul3A_333 : vector<16xf32>
      %mul3A_335 = arith.mulf %mul3A_315, %get3A_94 : vector<16xf32>
      %add3A_336 = arith.addf %add3A_334, %mul3A_335 : vector<16xf32>
      %mul3A_337 = arith.mulf %mul3A_316, %get3A_96 : vector<16xf32>
      %add3A_338 = arith.addf %add3A_336, %mul3A_337 : vector<16xf32>
      %mul3A_339 = arith.mulf %mul3A_317, %get3A_98 : vector<16xf32>
      %add3A_340 = arith.addf %add3A_338, %mul3A_339 : vector<16xf32>
      %cumsum3A = arith.constant true
      %cumsum3A_341 = vector.broadcast %cumsum3A : i1 to vector<16xi1>
      %cumsum3A_342 = tpu.scan <sum>, %add3A_340 masked %cumsum3A_341 : vector<16xf32>, vector<16xi1> -> vector<16xf32>
      %broadcast_in_dim3A = arith.constant 1 : i32
      %broadcast_in_dim3A_343 = vector.broadcast %broadcast_in_dim3A : i32 to vector<16xi32>
      %add3A_344 = arith.constant 0 : i32
      %add3A_345 = arith.addi %add3A_344, %add3A_273 : i32
      %mul3A_346 = vector.broadcast %add3A_345 : i32 to vector<16xi32>
      %mul3A_347 = arith.muli %broadcast_in_dim3A_343, %mul3A_346 : vector<16xi32>
      tpu.vector_store_idx %arg13[%mul3A_347], %cumsum3A_342 masked %eq3A_43 : memref<1536xf32, #tpu.memory_space<vmem>>[vector<16xi32>], vector<16xf32>, vector<16xi1>
      %mul3A_348 = arith.mulf %get3A_278, %get3A_52 : vector<16xf32>
      %mul3A_349 = arith.mulf %get3A_283, %get3A_54 : vector<16xf32>
      %add3A_350 = arith.addf %mul3A_348, %mul3A_349 : vector<16xf32>
      %mul3A_351 = arith.mulf %get3A_288, %get3A_56 : vector<16xf32>
      %add3A_352 = arith.addf %add3A_350, %mul3A_351 : vector<16xf32>
      %mul3A_353 = arith.mulf %get3A_293, %get3A_58 : vector<16xf32>
      %add3A_354 = arith.addf %add3A_352, %mul3A_353 : vector<16xf32>
      %mul3A_355 = arith.mulf %get3A_298, %get3A_76 : vector<16xf32>
      %add3A_356 = arith.addf %add3A_354, %mul3A_355 : vector<16xf32>
      %mul3A_357 = arith.mulf %get3A_303, %get3A_78 : vector<16xf32>
      %add3A_358 = arith.addf %add3A_356, %mul3A_357 : vector<16xf32>
      %mul3A_359 = arith.mulf %get3A_308, %get3A_80 : vector<16xf32>
      %add3A_360 = arith.addf %add3A_358, %mul3A_359 : vector<16xf32>
      %mul3A_361 = arith.mulf %get3A_313, %get3A_82 : vector<16xf32>
      %add3A_362 = arith.addf %add3A_360, %mul3A_361 : vector<16xf32>
      %mul3A_363 = arith.mulf %mul3A_314, %get3A_100 : vector<16xf32>
      %add3A_364 = arith.addf %add3A_362, %mul3A_363 : vector<16xf32>
      %mul3A_365 = arith.mulf %mul3A_315, %get3A_102 : vector<16xf32>
      %add3A_366 = arith.addf %add3A_364, %mul3A_365 : vector<16xf32>
      %mul3A_367 = arith.mulf %mul3A_316, %get3A_104 : vector<16xf32>
      %add3A_368 = arith.addf %add3A_366, %mul3A_367 : vector<16xf32>
      %mul3A_369 = arith.mulf %mul3A_317, %get3A_106 : vector<16xf32>
      %add3A_370 = arith.addf %add3A_368, %mul3A_369 : vector<16xf32>
      %cumsum3A_371 = arith.constant true
      %cumsum3A_372 = vector.broadcast %cumsum3A_371 : i1 to vector<16xi1>
      %cumsum3A_373 = tpu.scan <sum>, %add3A_370 masked %cumsum3A_372 : vector<16xf32>, vector<16xi1> -> vector<16xf32>
      %broadcast_in_dim3A_374 = arith.constant 1 : i32
      %broadcast_in_dim3A_375 = vector.broadcast %broadcast_in_dim3A_374 : i32 to vector<16xi32>
      %add3A_376 = arith.constant 512 : i32
      %add3A_377 = arith.addi %add3A_376, %add3A_273 : i32
      %mul3A_378 = vector.broadcast %add3A_377 : i32 to vector<16xi32>
      %mul3A_379 = arith.muli %broadcast_in_dim3A_375, %mul3A_378 : vector<16xi32>
      tpu.vector_store_idx %arg13[%mul3A_379], %cumsum3A_373 masked %eq3A_43 : memref<1536xf32, #tpu.memory_space<vmem>>[vector<16xi32>], vector<16xf32>, vector<16xi1>
      %mul3A_380 = arith.mulf %get3A_278, %get3A_60 : vector<16xf32>
      %mul3A_381 = arith.mulf %get3A_283, %get3A_62 : vector<16xf32>
      %add3A_382 = arith.addf %mul3A_380, %mul3A_381 : vector<16xf32>
      %mul3A_383 = arith.mulf %get3A_288, %get3A_64 : vector<16xf32>
      %add3A_384 = arith.addf %add3A_382, %mul3A_383 : vector<16xf32>
      %mul3A_385 = arith.mulf %get3A_293, %get3A_66 : vector<16xf32>
      %add3A_386 = arith.addf %add3A_384, %mul3A_385 : vector<16xf32>
      %mul3A_387 = arith.mulf %get3A_298, %get3A_84 : vector<16xf32>
      %add3A_388 = arith.addf %add3A_386, %mul3A_387 : vector<16xf32>
      %mul3A_389 = arith.mulf %get3A_303, %get3A_86 : vector<16xf32>
      %add3A_390 = arith.addf %add3A_388, %mul3A_389 : vector<16xf32>
      %mul3A_391 = arith.mulf %get3A_308, %get3A_88 : vector<16xf32>
      %add3A_392 = arith.addf %add3A_390, %mul3A_391 : vector<16xf32>
      %mul3A_393 = arith.mulf %get3A_313, %get3A_90 : vector<16xf32>
      %add3A_394 = arith.addf %add3A_392, %mul3A_393 : vector<16xf32>
      %mul3A_395 = arith.mulf %mul3A_314, %get3A_108 : vector<16xf32>
      %add3A_396 = arith.addf %add3A_394, %mul3A_395 : vector<16xf32>
      %mul3A_397 = arith.mulf %mul3A_315, %get3A_110 : vector<16xf32>
      %add3A_398 = arith.addf %add3A_396, %mul3A_397 : vector<16xf32>
      %mul3A_399 = arith.mulf %mul3A_316, %get3A_112 : vector<16xf32>
      %add3A_400 = arith.addf %add3A_398, %mul3A_399 : vector<16xf32>
      %mul3A_401 = arith.mulf %mul3A_317, %get3A_114 : vector<16xf32>
      %add3A_402 = arith.addf %add3A_400, %mul3A_401 : vector<16xf32>
      %cumsum3A_403 = arith.constant true
      %cumsum3A_404 = vector.broadcast %cumsum3A_403 : i1 to vector<16xi1>
      %cumsum3A_405 = tpu.scan <sum>, %add3A_402 masked %cumsum3A_404 : vector<16xf32>, vector<16xi1> -> vector<16xf32>
      %broadcast_in_dim3A_406 = arith.constant 1 : i32
      %broadcast_in_dim3A_407 = vector.broadcast %broadcast_in_dim3A_406 : i32 to vector<16xi32>
      %add3A_408 = arith.constant 1024 : i32
      %add3A_409 = arith.addi %add3A_408, %add3A_273 : i32
      %mul3A_410 = vector.broadcast %add3A_409 : i32 to vector<16xi32>
      %mul3A_411 = arith.muli %broadcast_in_dim3A_407, %mul3A_410 : vector<16xi32>
      tpu.vector_store_idx %arg13[%mul3A_411], %cumsum3A_405 masked %eq3A_43 : memref<1536xf32, #tpu.memory_space<vmem>>[vector<16xi32>], vector<16xf32>, vector<16xi1>
      %mul3A_412 = arith.constant 4 : i32
      %mul3A_413 = arith.muli %scan3A_263, %mul3A_412 : i32
      %add3A_414 = arith.constant 1 : i32
      %add3A_415 = arith.addi %mul3A_413, %add3A_414 : i32
      %mul3A_416 = arith.constant 4 : i32
      %mul3A_417 = arith.muli %scan3A_263, %mul3A_416 : i32
      %add3A_418 = arith.constant 128 : i32
      %add3A_419 = arith.addi %add3A_418, %mul3A_417 : i32
      %add3A_420 = arith.constant 1 : i32
      %add3A_421 = arith.addi %add3A_419, %add3A_420 : i32
      %get3A_422 = arith.constant 1 : i32
      %get3A_423 = arith.index_cast %get3A_422 : i32 to index
      %get3A_424 = arith.index_cast %add3A_415 : i32 to index
      %get3A_425 = arith.constant 0 : index
      %get3A_426 = tpu.vector_load %arg10[%get3A_423, %get3A_424, %get3A_425] {strides = array<i32>} : memref<2x128x64xf32, #tpu.memory_space<vmem>>, vector<16xf32>,
      %get3A_427 = arith.constant 1 : i32
      %get3A_428 = arith.index_cast %get3A_427 : i32 to index
      %get3A_429 = arith.index_cast %add3A_415 : i32 to index
      %get3A_430 = arith.constant 16 : index
      %get3A_431 = tpu.vector_load %arg10[%get3A_428, %get3A_429, %get3A_430] {strides = array<i32>} : memref<2x128x64xf32, #tpu.memory_space<vmem>>, vector<16xf32>,
      %get3A_432 = arith.constant 1 : i32
      %get3A_433 = arith.index_cast %get3A_432 : i32 to index
      %get3A_434 = arith.index_cast %add3A_415 : i32 to index
      %get3A_435 = arith.constant 32 : index
      %get3A_436 = tpu.vector_load %arg10[%get3A_433, %get3A_434, %get3A_435] {strides = array<i32>} : memref<2x128x64xf32, #tpu.memory_space<vmem>>, vector<16xf32>,
      %get3A_437 = arith.constant 1 : i32
      %get3A_438 = arith.index_cast %get3A_437 : i32 to index
      %get3A_439 = arith.index_cast %add3A_415 : i32 to index
      %get3A_440 = arith.constant 48 : index
      %get3A_441 = tpu.vector_load %arg10[%get3A_438, %get3A_439, %get3A_440] {strides = array<i32>} : memref<2x128x64xf32, #tpu.memory_space<vmem>>, vector<16xf32>,
      %get3A_442 = arith.constant 1 : i32
      %get3A_443 = arith.index_cast %get3A_442 : i32 to index
      %get3A_444 = arith.index_cast %add3A_415 : i32 to index
      %get3A_445 = arith.constant 0 : index
      %get3A_446 = tpu.vector_load %arg11[%get3A_443, %get3A_444, %get3A_445] {strides = array<i32>} : memref<2x128x64xf32, #tpu.memory_space<vmem>>, vector<16xf32>,
      %get3A_447 = arith.constant 1 : i32
      %get3A_448 = arith.index_cast %get3A_447 : i32 to index
      %get3A_449 = arith.index_cast %add3A_415 : i32 to index
      %get3A_450 = arith.constant 16 : index
      %get3A_451 = tpu.vector_load %arg11[%get3A_448, %get3A_449, %get3A_450] {strides = array<i32>} : memref<2x128x64xf32, #tpu.memory_space<vmem>>, vector<16xf32>,
      %get3A_452 = arith.constant 1 : i32
      %get3A_453 = arith.index_cast %get3A_452 : i32 to index
      %get3A_454 = arith.index_cast %add3A_415 : i32 to index
      %get3A_455 = arith.constant 32 : index
      %get3A_456 = tpu.vector_load %arg11[%get3A_453, %get3A_454, %get3A_455] {strides = array<i32>} : memref<2x128x64xf32, #tpu.memory_space<vmem>>, vector<16xf32>,
      %get3A_457 = arith.constant 1 : i32
      %get3A_458 = arith.index_cast %get3A_457 : i32 to index
      %get3A_459 = arith.index_cast %add3A_415 : i32 to index
      %get3A_460 = arith.constant 48 : index
      %get3A_461 = tpu.vector_load %arg11[%get3A_458, %get3A_459, %get3A_460] {strides = array<i32>} : memref<2x128x64xf32, #tpu.memory_space<vmem>>, vector<16xf32>,
      %mul3A_462 = arith.mulf %get3A_426, %get3A_446 : vector<16xf32>
      %mul3A_463 = arith.mulf %get3A_431, %get3A_451 : vector<16xf32>
      %mul3A_464 = arith.mulf %get3A_436, %get3A_456 : vector<16xf32>
      %mul3A_465 = arith.mulf %get3A_441, %get3A_461 : vector<16xf32>
      %mul3A_466 = arith.mulf %get3A_426, %get3A_44 : vector<16xf32>
      %mul3A_467 = arith.mulf %get3A_431, %get3A_46 : vector<16xf32>
      %add3A_468 = arith.addf %mul3A_466, %mul3A_467 : vector<16xf32>
      %mul3A_469 = arith.mulf %get3A_436, %get3A_48 : vector<16xf32>
      %add3A_470 = arith.addf %add3A_468, %mul3A_469 : vector<16xf32>
      %mul3A_471 = arith.mulf %get3A_441, %get3A_50 : vector<16xf32>
      %add3A_472 = arith.addf %add3A_470, %mul3A_471 : vector<16xf32>
      %mul3A_473 = arith.mulf %get3A_446, %get3A_68 : vector<16xf32>
      %add3A_474 = arith.addf %add3A_472, %mul3A_473 : vector<16xf32>
      %mul3A_475 = arith.mulf %get3A_451, %get3A_70 : vector<16xf32>
      %add3A_476 = arith.addf %add3A_474, %mul3A_475 : vector<16xf32>
      %mul3A_477 = arith.mulf %get3A_456, %get3A_72 : vector<16xf32>
      %add3A_478 = arith.addf %add3A_476, %mul3A_477 : vector<16xf32>
      %mul3A_479 = arith.mulf %get3A_461, %get3A_74 : vector<16xf32>
      %add3A_480 = arith.addf %add3A_478, %mul3A_479 : vector<16xf32>
      %mul3A_481 = arith.mulf %mul3A_462, %get3A_92 : vector<16xf32>
      %add3A_482 = arith.addf %add3A_480, %mul3A_481 : vector<16xf32>
      %mul3A_483 = arith.mulf %mul3A_463, %get3A_94 : vector<16xf32>
      %add3A_484 = arith.addf %add3A_482, %mul3A_483 : vector<16xf32>
      %mul3A_485 = arith.mulf %mul3A_464, %get3A_96 : vector<16xf32>
      %add3A_486 = arith.addf %add3A_484, %mul3A_485 : vector<16xf32>
      %mul3A_487 = arith.mulf %mul3A_465, %get3A_98 : vector<16xf32>
      %add3A_488 = arith.addf %add3A_486, %mul3A_487 : vector<16xf32>
      %cumsum3A_489 = arith.constant true
      %cumsum3A_490 = vector.broadcast %cumsum3A_489 : i1 to vector<16xi1>
      %cumsum3A_491 = tpu.scan <sum>, %add3A_488 masked %cumsum3A_490 : vector<16xf32>, vector<16xi1> -> vector<16xf32>
      %broadcast_in_dim3A_492 = arith.constant 1 : i32
      %broadcast_in_dim3A_493 = vector.broadcast %broadcast_in_dim3A_492 : i32 to vector<16xi32>
      %add3A_494 = arith.constant 0 : i32
      %add3A_495 = arith.addi %add3A_494, %add3A_421 : i32
      %mul3A_496 = vector.broadcast %add3A_495 : i32 to vector<16xi32>
      %mul3A_497 = arith.muli %broadcast_in_dim3A_493, %mul3A_496 : vector<16xi32>
      tpu.vector_store_idx %arg13[%mul3A_497], %cumsum3A_491 masked %eq3A_43 : memref<1536xf32, #tpu.memory_space<vmem>>[vector<16xi32>], vector<16xf32>, vector<16xi1>
      %mul3A_498 = arith.mulf %get3A_426, %get3A_52 : vector<16xf32>
      %mul3A_499 = arith.mulf %get3A_431, %get3A_54 : vector<16xf32>
      %add3A_500 = arith.addf %mul3A_498, %mul3A_499 : vector<16xf32>
      %mul3A_501 = arith.mulf %get3A_436, %get3A_56 : vector<16xf32>
      %add3A_502 = arith.addf %add3A_500, %mul3A_501 : vector<16xf32>
      %mul3A_503 = arith.mulf %get3A_441, %get3A_58 : vector<16xf32>
      %add3A_504 = arith.addf %add3A_502, %mul3A_503 : vector<16xf32>
      %mul3A_505 = arith.mulf %get3A_446, %get3A_76 : vector<16xf32>
      %add3A_506 = arith.addf %add3A_504, %mul3A_505 : vector<16xf32>
      %mul3A_507 = arith.mulf %get3A_451, %get3A_78 : vector<16xf32>
      %add3A_508 = arith.addf %add3A_506, %mul3A_507 : vector<16xf32>
      %mul3A_509 = arith.mulf %get3A_456, %get3A_80 : vector<16xf32>
      %add3A_510 = arith.addf %add3A_508, %mul3A_509 : vector<16xf32>
      %mul3A_511 = arith.mulf %get3A_461, %get3A_82 : vector<16xf32>
      %add3A_512 = arith.addf %add3A_510, %mul3A_511 : vector<16xf32>
      %mul3A_513 = arith.mulf %mul3A_462, %get3A_100 : vector<16xf32>
      %add3A_514 = arith.addf %add3A_512, %mul3A_513 : vector<16xf32>
      %mul3A_515 = arith.mulf %mul3A_463, %get3A_102 : vector<16xf32>
      %add3A_516 = arith.addf %add3A_514, %mul3A_515 : vector<16xf32>
      %mul3A_517 = arith.mulf %mul3A_464, %get3A_104 : vector<16xf32>
      %add3A_518 = arith.addf %add3A_516, %mul3A_517 : vector<16xf32>
      %mul3A_519 = arith.mulf %mul3A_465, %get3A_106 : vector<16xf32>
      %add3A_520 = arith.addf %add3A_518, %mul3A_519 : vector<16xf32>
      %cumsum3A_521 = arith.constant true
      %cumsum3A_522 = vector.broadcast %cumsum3A_521 : i1 to vector<16xi1>
      %cumsum3A_523 = tpu.scan <sum>, %add3A_520 masked %cumsum3A_522 : vector<16xf32>, vector<16xi1> -> vector<16xf32>
      %broadcast_in_dim3A_524 = arith.constant 1 : i32
      %broadcast_in_dim3A_525 = vector.broadcast %broadcast_in_dim3A_524 : i32 to vector<16xi32>
      %add3A_526 = arith.constant 512 : i32
      %add3A_527 = arith.addi %add3A_526, %add3A_421 : i32
      %mul3A_528 = vector.broadcast %add3A_527 : i32 to vector<16xi32>
      %mul3A_529 = arith.muli %broadcast_in_dim3A_525, %mul3A_528 : vector<16xi32>
      tpu.vector_store_idx %arg13[%mul3A_529], %cumsum3A_523 masked %eq3A_43 : memref<1536xf32, #tpu.memory_space<vmem>>[vector<16xi32>], vector<16xf32>, vector<16xi1>
      %mul3A_530 = arith.mulf %get3A_426, %get3A_60 : vector<16xf32>
      %mul3A_531 = arith.mulf %get3A_431, %get3A_62 : vector<16xf32>
      %add3A_532 = arith.addf %mul3A_530, %mul3A_531 : vector<16xf32>
      %mul3A_533 = arith.mulf %get3A_436, %get3A_64 : vector<16xf32>
      %add3A_534 = arith.addf %add3A_532, %mul3A_533 : vector<16xf32>
      %mul3A_535 = arith.mulf %get3A_441, %get3A_66 : vector<16xf32>
      %add3A_536 = arith.addf %add3A_534, %mul3A_535 : vector<16xf32>
      %mul3A_537 = arith.mulf %get3A_446, %get3A_84 : vector<16xf32>
      %add3A_538 = arith.addf %add3A_536, %mul3A_537 : vector<16xf32>
      %mul3A_539 = arith.mulf %get3A_451, %get3A_86 : vector<16xf32>
      %add3A_540 = arith.addf %add3A_538, %mul3A_539 : vector<16xf32>
      %mul3A_541 = arith.mulf %get3A_456, %get3A_88 : vector<16xf32>
      %add3A_542 = arith.addf %add3A_540, %mul3A_541 : vector<16xf32>
      %mul3A_543 = arith.mulf %get3A_461, %get3A_90 : vector<16xf32>
      %add3A_544 = arith.addf %add3A_542, %mul3A_543 : vector<16xf32>
      %mul3A_545 = arith.mulf %mul3A_462, %get3A_108 : vector<16xf32>
      %add3A_546 = arith.addf %add3A_544, %mul3A_545 : vector<16xf32>
      %mul3A_547 = arith.mulf %mul3A_463, %get3A_110 : vector<16xf32>
      %add3A_548 = arith.addf %add3A_546, %mul3A_547 : vector<16xf32>
      %mul3A_549 = arith.mulf %mul3A_464, %get3A_112 : vector<16xf32>
      %add3A_550 = arith.addf %add3A_548, %mul3A_549 : vector<16xf32>
      %mul3A_551 = arith.mulf %mul3A_465, %get3A_114 : vector<16xf32>
      %add3A_552 = arith.addf %add3A_550, %mul3A_551 : vector<16xf32>
      %cumsum3A_553 = arith.constant true
      %cumsum3A_554 = vector.broadcast %cumsum3A_553 : i1 to vector<16xi1>
      %cumsum3A_555 = tpu.scan <sum>, %add3A_552 masked %cumsum3A_554 : vector<16xf32>, vector<16xi1> -> vector<16xf32>
      %broadcast_in_dim3A_556 = arith.constant 1 : i32
      %broadcast_in_dim3A_557 = vector.broadcast %broadcast_in_dim3A_556 : i32 to vector<16xi32>
      %add3A_558 = arith.constant 1024 : i32
      %add3A_559 = arith.addi %add3A_558, %add3A_421 : i32
      %mul3A_560 = vector.broadcast %add3A_559 : i32 to vector<16xi32>
      %mul3A_561 = arith.muli %broadcast_in_dim3A_557, %mul3A_560 : vector<16xi32>
      tpu.vector_store_idx %arg13[%mul3A_561], %cumsum3A_555 masked %eq3A_43 : memref<1536xf32, #tpu.memory_space<vmem>>[vector<16xi32>], vector<16xf32>, vector<16xi1>
      %mul3A_562 = arith.constant 4 : i32
      %mul3A_563 = arith.muli %scan3A_263, %mul3A_562 : i32
      %add3A_564 = arith.constant 2 : i32
      %add3A_565 = arith.addi %mul3A_563, %add3A_564 : i32
      %mul3A_566 = arith.constant 4 : i32
      %mul3A_567 = arith.muli %scan3A_263, %mul3A_566 : i32
      %add3A_568 = arith.constant 128 : i32
      %add3A_569 = arith.addi %add3A_568, %mul3A_567 : i32
      %add3A_570 = arith.constant 2 : i32
      %add3A_571 = arith.addi %add3A_569, %add3A_570 : i32
      %get3A_572 = arith.constant 1 : i32
      %get3A_573 = arith.index_cast %get3A_572 : i32 to index
      %get3A_574 = arith.index_cast %add3A_565 : i32 to index
      %get3A_575 = arith.constant 0 : index
      %get3A_576 = tpu.vector_load %arg10[%get3A_573, %get3A_574, %get3A_575] {strides = array<i32>} : memref<2x128x64xf32, #tpu.memory_space<vmem>>, vector<16xf32>,
      %get3A_577 = arith.constant 1 : i32
      %get3A_578 = arith.index_cast %get3A_577 : i32 to index
      %get3A_579 = arith.index_cast %add3A_565 : i32 to index
      %get3A_580 = arith.constant 16 : index
      %get3A_581 = tpu.vector_load %arg10[%get3A_578, %get3A_579, %get3A_580] {strides = array<i32>} : memref<2x128x64xf32, #tpu.memory_space<vmem>>, vector<16xf32>,
      %get3A_582 = arith.constant 1 : i32
      %get3A_583 = arith.index_cast %get3A_582 : i32 to index
      %get3A_584 = arith.index_cast %add3A_565 : i32 to index
      %get3A_585 = arith.constant 32 : index
      %get3A_586 = tpu.vector_load %arg10[%get3A_583, %get3A_584, %get3A_585] {strides = array<i32>} : memref<2x128x64xf32, #tpu.memory_space<vmem>>, vector<16xf32>,
      %get3A_587 = arith.constant 1 : i32
      %get3A_588 = arith.index_cast %get3A_587 : i32 to index
      %get3A_589 = arith.index_cast %add3A_565 : i32 to index
      %get3A_590 = arith.constant 48 : index
      %get3A_591 = tpu.vector_load %arg10[%get3A_588, %get3A_589, %get3A_590] {strides = array<i32>} : memref<2x128x64xf32, #tpu.memory_space<vmem>>, vector<16xf32>,
      %get3A_592 = arith.constant 1 : i32
      %get3A_593 = arith.index_cast %get3A_592 : i32 to index
      %get3A_594 = arith.index_cast %add3A_565 : i32 to index
      %get3A_595 = arith.constant 0 : index
      %get3A_596 = tpu.vector_load %arg11[%get3A_593, %get3A_594, %get3A_595] {strides = array<i32>} : memref<2x128x64xf32, #tpu.memory_space<vmem>>, vector<16xf32>,
      %get3A_597 = arith.constant 1 : i32
      %get3A_598 = arith.index_cast %get3A_597 : i32 to index
      %get3A_599 = arith.index_cast %add3A_565 : i32 to index
      %get3A_600 = arith.constant 16 : index
      %get3A_601 = tpu.vector_load %arg11[%get3A_598, %get3A_599, %get3A_600] {strides = array<i32>} : memref<2x128x64xf32, #tpu.memory_space<vmem>>, vector<16xf32>,
      %get3A_602 = arith.constant 1 : i32
      %get3A_603 = arith.index_cast %get3A_602 : i32 to index
      %get3A_604 = arith.index_cast %add3A_565 : i32 to index
      %get3A_605 = arith.constant 32 : index
      %get3A_606 = tpu.vector_load %arg11[%get3A_603, %get3A_604, %get3A_605] {strides = array<i32>} : memref<2x128x64xf32, #tpu.memory_space<vmem>>, vector<16xf32>,
      %get3A_607 = arith.constant 1 : i32
      %get3A_608 = arith.index_cast %get3A_607 : i32 to index
      %get3A_609 = arith.index_cast %add3A_565 : i32 to index
      %get3A_610 = arith.constant 48 : index
      %get3A_611 = tpu.vector_load %arg11[%get3A_608, %get3A_609, %get3A_610] {strides = array<i32>} : memref<2x128x64xf32, #tpu.memory_space<vmem>>, vector<16xf32>,
      %mul3A_612 = arith.mulf %get3A_576, %get3A_596 : vector<16xf32>
      %mul3A_613 = arith.mulf %get3A_581, %get3A_601 : vector<16xf32>
      %mul3A_614 = arith.mulf %get3A_586, %get3A_606 : vector<16xf32>
      %mul3A_615 = arith.mulf %get3A_591, %get3A_611 : vector<16xf32>
      %mul3A_616 = arith.mulf %get3A_576, %get3A_44 : vector<16xf32>
      %mul3A_617 = arith.mulf %get3A_581, %get3A_46 : vector<16xf32>
      %add3A_618 = arith.addf %mul3A_616, %mul3A_617 : vector<16xf32>
      %mul3A_619 = arith.mulf %get3A_586, %get3A_48 : vector<16xf32>
      %add3A_620 = arith.addf %add3A_618, %mul3A_619 : vector<16xf32>
      %mul3A_621 = arith.mulf %get3A_591, %get3A_50 : vector<16xf32>
      %add3A_622 = arith.addf %add3A_620, %mul3A_621 : vector<16xf32>
      %mul3A_623 = arith.mulf %get3A_596, %get3A_68 : vector<16xf32>
      %add3A_624 = arith.addf %add3A_622, %mul3A_623 : vector<16xf32>
      %mul3A_625 = arith.mulf %get3A_601, %get3A_70 : vector<16xf32>
      %add3A_626 = arith.addf %add3A_624, %mul3A_625 : vector<16xf32>
      %mul3A_627 = arith.mulf %get3A_606, %get3A_72 : vector<16xf32>
      %add3A_628 = arith.addf %add3A_626, %mul3A_627 : vector<16xf32>
      %mul3A_629 = arith.mulf %get3A_611, %get3A_74 : vector<16xf32>
      %add3A_630 = arith.addf %add3A_628, %mul3A_629 : vector<16xf32>
      %mul3A_631 = arith.mulf %mul3A_612, %get3A_92 : vector<16xf32>
      %add3A_632 = arith.addf %add3A_630, %mul3A_631 : vector<16xf32>
      %mul3A_633 = arith.mulf %mul3A_613, %get3A_94 : vector<16xf32>
      %add3A_634 = arith.addf %add3A_632, %mul3A_633 : vector<16xf32>
      %mul3A_635 = arith.mulf %mul3A_614, %get3A_96 : vector<16xf32>
      %add3A_636 = arith.addf %add3A_634, %mul3A_635 : vector<16xf32>
      %mul3A_637 = arith.mulf %mul3A_615, %get3A_98 : vector<16xf32>
      %add3A_638 = arith.addf %add3A_636, %mul3A_637 : vector<16xf32>
      %cumsum3A_639 = arith.constant true
      %cumsum3A_640 = vector.broadcast %cumsum3A_639 : i1 to vector<16xi1>
      %cumsum3A_641 = tpu.scan <sum>, %add3A_638 masked %cumsum3A_640 : vector<16xf32>, vector<16xi1> -> vector<16xf32>
      %broadcast_in_dim3A_642 = arith.constant 1 : i32
      %broadcast_in_dim3A_643 = vector.broadcast %broadcast_in_dim3A_642 : i32 to vector<16xi32>
      %add3A_644 = arith.constant 0 : i32
      %add3A_645 = arith.addi %add3A_644, %add3A_571 : i32
      %mul3A_646 = vector.broadcast %add3A_645 : i32 to vector<16xi32>
      %mul3A_647 = arith.muli %broadcast_in_dim3A_643, %mul3A_646 : vector<16xi32>
      tpu.vector_store_idx %arg13[%mul3A_647], %cumsum3A_641 masked %eq3A_43 : memref<1536xf32, #tpu.memory_space<vmem>>[vector<16xi32>], vector<16xf32>, vector<16xi1>
      %mul3A_648 = arith.mulf %get3A_576, %get3A_52 : vector<16xf32>
      %mul3A_649 = arith.mulf %get3A_581, %get3A_54 : vector<16xf32>
      %add3A_650 = arith.addf %mul3A_648, %mul3A_649 : vector<16xf32>
      %mul3A_651 = arith.mulf %get3A_586, %get3A_56 : vector<16xf32>
      %add3A_652 = arith.addf %add3A_650, %mul3A_651 : vector<16xf32>
      %mul3A_653 = arith.mulf %get3A_591, %get3A_58 : vector<16xf32>
      %add3A_654 = arith.addf %add3A_652, %mul3A_653 : vector<16xf32>
      %mul3A_655 = arith.mulf %get3A_596, %get3A_76 : vector<16xf32>
      %add3A_656 = arith.addf %add3A_654, %mul3A_655 : vector<16xf32>
      %mul3A_657 = arith.mulf %get3A_601, %get3A_78 : vector<16xf32>
      %add3A_658 = arith.addf %add3A_656, %mul3A_657 : vector<16xf32>
      %mul3A_659 = arith.mulf %get3A_606, %get3A_80 : vector<16xf32>
      %add3A_660 = arith.addf %add3A_658, %mul3A_659 : vector<16xf32>
      %mul3A_661 = arith.mulf %get3A_611, %get3A_82 : vector<16xf32>
      %add3A_662 = arith.addf %add3A_660, %mul3A_661 : vector<16xf32>
      %mul3A_663 = arith.mulf %mul3A_612, %get3A_100 : vector<16xf32>
      %add3A_664 = arith.addf %add3A_662, %mul3A_663 : vector<16xf32>
      %mul3A_665 = arith.mulf %mul3A_613, %get3A_102 : vector<16xf32>
      %add3A_666 = arith.addf %add3A_664, %mul3A_665 : vector<16xf32>
      %mul3A_667 = arith.mulf %mul3A_614, %get3A_104 : vector<16xf32>
      %add3A_668 = arith.addf %add3A_666, %mul3A_667 : vector<16xf32>
      %mul3A_669 = arith.mulf %mul3A_615, %get3A_106 : vector<16xf32>
      %add3A_670 = arith.addf %add3A_668, %mul3A_669 : vector<16xf32>
      %cumsum3A_671 = arith.constant true
      %cumsum3A_672 = vector.broadcast %cumsum3A_671 : i1 to vector<16xi1>
      %cumsum3A_673 = tpu.scan <sum>, %add3A_670 masked %cumsum3A_672 : vector<16xf32>, vector<16xi1> -> vector<16xf32>
      %broadcast_in_dim3A_674 = arith.constant 1 : i32
      %broadcast_in_dim3A_675 = vector.broadcast %broadcast_in_dim3A_674 : i32 to vector<16xi32>
      %add3A_676 = arith.constant 512 : i32
      %add3A_677 = arith.addi %add3A_676, %add3A_571 : i32
      %mul3A_678 = vector.broadcast %add3A_677 : i32 to vector<16xi32>
      %mul3A_679 = arith.muli %broadcast_in_dim3A_675, %mul3A_678 : vector<16xi32>
      tpu.vector_store_idx %arg13[%mul3A_679], %cumsum3A_673 masked %eq3A_43 : memref<1536xf32, #tpu.memory_space<vmem>>[vector<16xi32>], vector<16xf32>, vector<16xi1>
      %mul3A_680 = arith.mulf %get3A_576, %get3A_60 : vector<16xf32>
      %mul3A_681 = arith.mulf %get3A_581, %get3A_62 : vector<16xf32>
      %add3A_682 = arith.addf %mul3A_680, %mul3A_681 : vector<16xf32>
      %mul3A_683 = arith.mulf %get3A_586, %get3A_64 : vector<16xf32>
      %add3A_684 = arith.addf %add3A_682, %mul3A_683 : vector<16xf32>
      %mul3A_685 = arith.mulf %get3A_591, %get3A_66 : vector<16xf32>
      %add3A_686 = arith.addf %add3A_684, %mul3A_685 : vector<16xf32>
      %mul3A_687 = arith.mulf %get3A_596, %get3A_84 : vector<16xf32>
      %add3A_688 = arith.addf %add3A_686, %mul3A_687 : vector<16xf32>
      %mul3A_689 = arith.mulf %get3A_601, %get3A_86 : vector<16xf32>
      %add3A_690 = arith.addf %add3A_688, %mul3A_689 : vector<16xf32>
      %mul3A_691 = arith.mulf %get3A_606, %get3A_88 : vector<16xf32>
      %add3A_692 = arith.addf %add3A_690, %mul3A_691 : vector<16xf32>
      %mul3A_693 = arith.mulf %get3A_611, %get3A_90 : vector<16xf32>
      %add3A_694 = arith.addf %add3A_692, %mul3A_693 : vector<16xf32>
      %mul3A_695 = arith.mulf %mul3A_612, %get3A_108 : vector<16xf32>
      %add3A_696 = arith.addf %add3A_694, %mul3A_695 : vector<16xf32>
      %mul3A_697 = arith.mulf %mul3A_613, %get3A_110 : vector<16xf32>
      %add3A_698 = arith.addf %add3A_696, %mul3A_697 : vector<16xf32>
      %mul3A_699 = arith.mulf %mul3A_614, %get3A_112 : vector<16xf32>
      %add3A_700 = arith.addf %add3A_698, %mul3A_699 : vector<16xf32>
      %mul3A_701 = arith.mulf %mul3A_615, %get3A_114 : vector<16xf32>
      %add3A_702 = arith.addf %add3A_700, %mul3A_701 : vector<16xf32>
      %cumsum3A_703 = arith.constant true
      %cumsum3A_704 = vector.broadcast %cumsum3A_703 : i1 to vector<16xi1>
      %cumsum3A_705 = tpu.scan <sum>, %add3A_702 masked %cumsum3A_704 : vector<16xf32>, vector<16xi1> -> vector<16xf32>
      %broadcast_in_dim3A_706 = arith.constant 1 : i32
      %broadcast_in_dim3A_707 = vector.broadcast %broadcast_in_dim3A_706 : i32 to vector<16xi32>
      %add3A_708 = arith.constant 1024 : i32
      %add3A_709 = arith.addi %add3A_708, %add3A_571 : i32
      %mul3A_710 = vector.broadcast %add3A_709 : i32 to vector<16xi32>
      %mul3A_711 = arith.muli %broadcast_in_dim3A_707, %mul3A_710 : vector<16xi32>
      tpu.vector_store_idx %arg13[%mul3A_711], %cumsum3A_705 masked %eq3A_43 : memref<1536xf32, #tpu.memory_space<vmem>>[vector<16xi32>], vector<16xf32>, vector<16xi1>
      %mul3A_712 = arith.constant 4 : i32
      %mul3A_713 = arith.muli %scan3A_263, %mul3A_712 : i32
      %add3A_714 = arith.constant 3 : i32
      %add3A_715 = arith.addi %mul3A_713, %add3A_714 : i32
      %mul3A_716 = arith.constant 4 : i32
      %mul3A_717 = arith.muli %scan3A_263, %mul3A_716 : i32
      %add3A_718 = arith.constant 128 : i32
      %add3A_719 = arith.addi %add3A_718, %mul3A_717 : i32
      %add3A_720 = arith.constant 3 : i32
      %add3A_721 = arith.addi %add3A_719, %add3A_720 : i32
      %get3A_722 = arith.constant 1 : i32
      %get3A_723 = arith.index_cast %get3A_722 : i32 to index
      %get3A_724 = arith.index_cast %add3A_715 : i32 to index
      %get3A_725 = arith.constant 0 : index
      %get3A_726 = tpu.vector_load %arg10[%get3A_723, %get3A_724, %get3A_725] {strides = array<i32>} : memref<2x128x64xf32, #tpu.memory_space<vmem>>, vector<16xf32>,
      %get3A_727 = arith.constant 1 : i32
      %get3A_728 = arith.index_cast %get3A_727 : i32 to index
      %get3A_729 = arith.index_cast %add3A_715 : i32 to index
      %get3A_730 = arith.constant 16 : index
      %get3A_731 = tpu.vector_load %arg10[%get3A_728, %get3A_729, %get3A_730] {strides = array<i32>} : memref<2x128x64xf32, #tpu.memory_space<vmem>>, vector<16xf32>,
      %get3A_732 = arith.constant 1 : i32
      %get3A_733 = arith.index_cast %get3A_732 : i32 to index
      %get3A_734 = arith.index_cast %add3A_715 : i32 to index
      %get3A_735 = arith.constant 32 : index
      %get3A_736 = tpu.vector_load %arg10[%get3A_733, %get3A_734, %get3A_735] {strides = array<i32>} : memref<2x128x64xf32, #tpu.memory_space<vmem>>, vector<16xf32>,
      %get3A_737 = arith.constant 1 : i32
      %get3A_738 = arith.index_cast %get3A_737 : i32 to index
      %get3A_739 = arith.index_cast %add3A_715 : i32 to index
      %get3A_740 = arith.constant 48 : index
      %get3A_741 = tpu.vector_load %arg10[%get3A_738, %get3A_739, %get3A_740] {strides = array<i32>} : memref<2x128x64xf32, #tpu.memory_space<vmem>>, vector<16xf32>,
      %get3A_742 = arith.constant 1 : i32
      %get3A_743 = arith.index_cast %get3A_742 : i32 to index
      %get3A_744 = arith.index_cast %add3A_715 : i32 to index
      %get3A_745 = arith.constant 0 : index
      %get3A_746 = tpu.vector_load %arg11[%get3A_743, %get3A_744, %get3A_745] {strides = array<i32>} : memref<2x128x64xf32, #tpu.memory_space<vmem>>, vector<16xf32>,
      %get3A_747 = arith.constant 1 : i32
      %get3A_748 = arith.index_cast %get3A_747 : i32 to index
      %get3A_749 = arith.index_cast %add3A_715 : i32 to index
      %get3A_750 = arith.constant 16 : index
      %get3A_751 = tpu.vector_load %arg11[%get3A_748, %get3A_749, %get3A_750] {strides = array<i32>} : memref<2x128x64xf32, #tpu.memory_space<vmem>>, vector<16xf32>,
      %get3A_752 = arith.constant 1 : i32
      %get3A_753 = arith.index_cast %get3A_752 : i32 to index
      %get3A_754 = arith.index_cast %add3A_715 : i32 to index
      %get3A_755 = arith.constant 32 : index
      %get3A_756 = tpu.vector_load %arg11[%get3A_753, %get3A_754, %get3A_755] {strides = array<i32>} : memref<2x128x64xf32, #tpu.memory_space<vmem>>, vector<16xf32>,
      %get3A_757 = arith.constant 1 : i32
      %get3A_758 = arith.index_cast %get3A_757 : i32 to index
      %get3A_759 = arith.index_cast %add3A_715 : i32 to index
      %get3A_760 = arith.constant 48 : index
      %get3A_761 = tpu.vector_load %arg11[%get3A_758, %get3A_759, %get3A_760] {strides = array<i32>} : memref<2x128x64xf32, #tpu.memory_space<vmem>>, vector<16xf32>,
      %mul3A_762 = arith.mulf %get3A_726, %get3A_746 : vector<16xf32>
      %mul3A_763 = arith.mulf %get3A_731, %get3A_751 : vector<16xf32>
      %mul3A_764 = arith.mulf %get3A_736, %get3A_756 : vector<16xf32>
      %mul3A_765 = arith.mulf %get3A_741, %get3A_761 : vector<16xf32>
      %mul3A_766 = arith.mulf %get3A_726, %get3A_44 : vector<16xf32>
      %mul3A_767 = arith.mulf %get3A_731, %get3A_46 : vector<16xf32>
      %add3A_768 = arith.addf %mul3A_766, %mul3A_767 : vector<16xf32>
      %mul3A_769 = arith.mulf %get3A_736, %get3A_48 : vector<16xf32>
      %add3A_770 = arith.addf %add3A_768, %mul3A_769 : vector<16xf32>
      %mul3A_771 = arith.mulf %get3A_741, %get3A_50 : vector<16xf32>
      %add3A_772 = arith.addf %add3A_770, %mul3A_771 : vector<16xf32>
      %mul3A_773 = arith.mulf %get3A_746, %get3A_68 : vector<16xf32>
      %add3A_774 = arith.addf %add3A_772, %mul3A_773 : vector<16xf32>
      %mul3A_775 = arith.mulf %get3A_751, %get3A_70 : vector<16xf32>
      %add3A_776 = arith.addf %add3A_774, %mul3A_775 : vector<16xf32>
      %mul3A_777 = arith.mulf %get3A_756, %get3A_72 : vector<16xf32>
      %add3A_778 = arith.addf %add3A_776, %mul3A_777 : vector<16xf32>
      %mul3A_779 = arith.mulf %get3A_761, %get3A_74 : vector<16xf32>
      %add3A_780 = arith.addf %add3A_778, %mul3A_779 : vector<16xf32>
      %mul3A_781 = arith.mulf %mul3A_762, %get3A_92 : vector<16xf32>
      %add3A_782 = arith.addf %add3A_780, %mul3A_781 : vector<16xf32>
      %mul3A_783 = arith.mulf %mul3A_763, %get3A_94 : vector<16xf32>
      %add3A_784 = arith.addf %add3A_782, %mul3A_783 : vector<16xf32>
      %mul3A_785 = arith.mulf %mul3A_764, %get3A_96 : vector<16xf32>
      %add3A_786 = arith.addf %add3A_784, %mul3A_785 : vector<16xf32>
      %mul3A_787 = arith.mulf %mul3A_765, %get3A_98 : vector<16xf32>
      %add3A_788 = arith.addf %add3A_786, %mul3A_787 : vector<16xf32>
      %cumsum3A_789 = arith.constant true
      %cumsum3A_790 = vector.broadcast %cumsum3A_789 : i1 to vector<16xi1>
      %cumsum3A_791 = tpu.scan <sum>, %add3A_788 masked %cumsum3A_790 : vector<16xf32>, vector<16xi1> -> vector<16xf32>
      %broadcast_in_dim3A_792 = arith.constant 1 : i32
      %broadcast_in_dim3A_793 = vector.broadcast %broadcast_in_dim3A_792 : i32 to vector<16xi32>
      %add3A_794 = arith.constant 0 : i32
      %add3A_795 = arith.addi %add3A_794, %add3A_721 : i32
      %mul3A_796 = vector.broadcast %add3A_795 : i32 to vector<16xi32>
      %mul3A_797 = arith.muli %broadcast_in_dim3A_793, %mul3A_796 : vector<16xi32>
      tpu.vector_store_idx %arg13[%mul3A_797], %cumsum3A_791 masked %eq3A_43 : memref<1536xf32, #tpu.memory_space<vmem>>[vector<16xi32>], vector<16xf32>, vector<16xi1>
      %mul3A_798 = arith.mulf %get3A_726, %get3A_52 : vector<16xf32>
      %mul3A_799 = arith.mulf %get3A_731, %get3A_54 : vector<16xf32>
      %add3A_800 = arith.addf %mul3A_798, %mul3A_799 : vector<16xf32>
      %mul3A_801 = arith.mulf %get3A_736, %get3A_56 : vector<16xf32>
      %add3A_802 = arith.addf %add3A_800, %mul3A_801 : vector<16xf32>
      %mul3A_803 = arith.mulf %get3A_741, %get3A_58 : vector<16xf32>
      %add3A_804 = arith.addf %add3A_802, %mul3A_803 : vector<16xf32>
      %mul3A_805 = arith.mulf %get3A_746, %get3A_76 : vector<16xf32>
      %add3A_806 = arith.addf %add3A_804, %mul3A_805 : vector<16xf32>
      %mul3A_807 = arith.mulf %get3A_751, %get3A_78 : vector<16xf32>
      %add3A_808 = arith.addf %add3A_806, %mul3A_807 : vector<16xf32>
      %mul3A_809 = arith.mulf %get3A_756, %get3A_80 : vector<16xf32>
      %add3A_810 = arith.addf %add3A_808, %mul3A_809 : vector<16xf32>
      %mul3A_811 = arith.mulf %get3A_761, %get3A_82 : vector<16xf32>
      %add3A_812 = arith.addf %add3A_810, %mul3A_811 : vector<16xf32>
      %mul3A_813 = arith.mulf %mul3A_762, %get3A_100 : vector<16xf32>
      %add3A_814 = arith.addf %add3A_812, %mul3A_813 : vector<16xf32>
      %mul3A_815 = arith.mulf %mul3A_763, %get3A_102 : vector<16xf32>
      %add3A_816 = arith.addf %add3A_814, %mul3A_815 : vector<16xf32>
      %mul3A_817 = arith.mulf %mul3A_764, %get3A_104 : vector<16xf32>
      %add3A_818 = arith.addf %add3A_816, %mul3A_817 : vector<16xf32>
      %mul3A_819 = arith.mulf %mul3A_765, %get3A_106 : vector<16xf32>
      %add3A_820 = arith.addf %add3A_818, %mul3A_819 : vector<16xf32>
      %cumsum3A_821 = arith.constant true
      %cumsum3A_822 = vector.broadcast %cumsum3A_821 : i1 to vector<16xi1>
      %cumsum3A_823 = tpu.scan <sum>, %add3A_820 masked %cumsum3A_822 : vector<16xf32>, vector<16xi1> -> vector<16xf32>
      %broadcast_in_dim3A_824 = arith.constant 1 : i32
      %broadcast_in_dim3A_825 = vector.broadcast %broadcast_in_dim3A_824 : i32 to vector<16xi32>
      %add3A_826 = arith.constant 512 : i32
      %add3A_827 = arith.addi %add3A_826, %add3A_721 : i32
      %mul3A_828 = vector.broadcast %add3A_827 : i32 to vector<16xi32>
      %mul3A_829 = arith.muli %broadcast_in_dim3A_825, %mul3A_828 : vector<16xi32>
      tpu.vector_store_idx %arg13[%mul3A_829], %cumsum3A_823 masked %eq3A_43 : memref<1536xf32, #tpu.memory_space<vmem>>[vector<16xi32>], vector<16xf32>, vector<16xi1>
      %mul3A_830 = arith.mulf %get3A_726, %get3A_60 : vector<16xf32>
      %mul3A_831 = arith.mulf %get3A_731, %get3A_62 : vector<16xf32>
      %add3A_832 = arith.addf %mul3A_830, %mul3A_831 : vector<16xf32>
      %mul3A_833 = arith.mulf %get3A_736, %get3A_64 : vector<16xf32>
      %add3A_834 = arith.addf %add3A_832, %mul3A_833 : vector<16xf32>
      %mul3A_835 = arith.mulf %get3A_741, %get3A_66 : vector<16xf32>
      %add3A_836 = arith.addf %add3A_834, %mul3A_835 : vector<16xf32>
      %mul3A_837 = arith.mulf %get3A_746, %get3A_84 : vector<16xf32>
      %add3A_838 = arith.addf %add3A_836, %mul3A_837 : vector<16xf32>
      %mul3A_839 = arith.mulf %get3A_751, %get3A_86 : vector<16xf32>
      %add3A_840 = arith.addf %add3A_838, %mul3A_839 : vector<16xf32>
      %mul3A_841 = arith.mulf %get3A_756, %get3A_88 : vector<16xf32>
      %add3A_842 = arith.addf %add3A_840, %mul3A_841 : vector<16xf32>
      %mul3A_843 = arith.mulf %get3A_761, %get3A_90 : vector<16xf32>
      %add3A_844 = arith.addf %add3A_842, %mul3A_843 : vector<16xf32>
      %mul3A_845 = arith.mulf %mul3A_762, %get3A_108 : vector<16xf32>
      %add3A_846 = arith.addf %add3A_844, %mul3A_845 : vector<16xf32>
      %mul3A_847 = arith.mulf %mul3A_763, %get3A_110 : vector<16xf32>
      %add3A_848 = arith.addf %add3A_846, %mul3A_847 : vector<16xf32>
      %mul3A_849 = arith.mulf %mul3A_764, %get3A_112 : vector<16xf32>
      %add3A_850 = arith.addf %add3A_848, %mul3A_849 : vector<16xf32>
      %mul3A_851 = arith.mulf %mul3A_765, %get3A_114 : vector<16xf32>
      %add3A_852 = arith.addf %add3A_850, %mul3A_851 : vector<16xf32>
      %cumsum3A_853 = arith.constant true
      %cumsum3A_854 = vector.broadcast %cumsum3A_853 : i1 to vector<16xi1>
      %cumsum3A_855 = tpu.scan <sum>, %add3A_852 masked %cumsum3A_854 : vector<16xf32>, vector<16xi1> -> vector<16xf32>
      %broadcast_in_dim3A_856 = arith.constant 1 : i32
      %broadcast_in_dim3A_857 = vector.broadcast %broadcast_in_dim3A_856 : i32 to vector<16xi32>
      %add3A_858 = arith.constant 1024 : i32
      %add3A_859 = arith.addi %add3A_858, %add3A_721 : i32
      %mul3A_860 = vector.broadcast %add3A_859 : i32 to vector<16xi32>
      %mul3A_861 = arith.muli %broadcast_in_dim3A_857, %mul3A_860 : vector<16xi32>
      tpu.vector_store_idx %arg13[%mul3A_861], %cumsum3A_855 masked %eq3A_43 : memref<1536xf32, #tpu.memory_space<vmem>>[vector<16xi32>], vector<16xf32>, vector<16xi1>
    }
    %scan3A_184 = arith.constant 32 : i32
    %dma_start3A_185 = arith.constant 1 : i32
    %dma_start3A_186 = arith.constant 0 : i32
    %dma_start3A_187 = arith.constant 0 : i32
    %dma_start3A_188 = tpu.memref_slice %arg10[%dma_start3A_185, %dma_start3A_186, %dma_start3A_187] : memref<2x128x64xf32, #tpu.memory_space<vmem>> -> memref<1x128x64xf32, #tpu.memory_space<vmem>>
    %dma_start3A_189 = tpu.memref_squeeze %dma_start3A_188 : memref<1x128x64xf32, #tpu.memory_space<vmem>> -> memref<128x64xf32, #tpu.memory_space<vmem>>
    %dma_start3A_190 = arith.constant 384 : i32
    %dma_start3A_191 = tpu.memref_slice %arg8[%dma_start3A_190] : memref<512xi32, #tpu.memory_space<vmem>> -> memref<128xi32, #tpu.memory_space<vmem>>
    %dma_start3A_192 = arith.constant 0 : i32
    %dma_start3A_193 = arith.constant 0 : i32
    %dma_start3A_194 = tpu.memref_slice %arg4[%dma_start3A_192, %dma_start3A_193] : memref<100000x64xf32, #tpu.memory_space<hbm>> -> memref<100000x64xf32, #tpu.memory_space<hbm>>
    tpu.enqueue_indirect_dma source(%dma_start3A_194 : memref<100000x64xf32, #tpu.memory_space<hbm>>) target(%dma_start3A_189 : memref<128x64xf32, #tpu.memory_space<vmem>>) offsets(%dma_start3A_191 : memref<128xi32, #tpu.memory_space<vmem>>) semaphore(%arg20 : memref<!tpu.dma_semaphore, #tpu.memory_space<semaphore_mem>>)
    %dma_start3A_195 = arith.constant 1 : i32
    %dma_start3A_196 = arith.constant 0 : i32
    %dma_start3A_197 = arith.constant 0 : i32
    %dma_start3A_198 = tpu.memref_slice %arg11[%dma_start3A_195, %dma_start3A_196, %dma_start3A_197] : memref<2x128x64xf32, #tpu.memory_space<vmem>> -> memref<1x128x64xf32, #tpu.memory_space<vmem>>
    %dma_start3A_199 = tpu.memref_squeeze %dma_start3A_198 : memref<1x128x64xf32, #tpu.memory_space<vmem>> -> memref<128x64xf32, #tpu.memory_space<vmem>>
    %dma_start3A_200 = arith.constant 384 : i32
    %dma_start3A_201 = tpu.memref_slice %arg9[%dma_start3A_200] : memref<512xi32, #tpu.memory_space<vmem>> -> memref<128xi32, #tpu.memory_space<vmem>>
    %dma_start3A_202 = arith.constant 0 : i32
    %dma_start3A_203 = arith.constant 0 : i32
    %dma_start3A_204 = tpu.memref_slice %arg5[%dma_start3A_202, %dma_start3A_203] : memref<100000x64xf32, #tpu.memory_space<hbm>> -> memref<100000x64xf32, #tpu.memory_space<hbm>>
    tpu.enqueue_indirect_dma source(%dma_start3A_204 : memref<100000x64xf32, #tpu.memory_space<hbm>>) target(%dma_start3A_199 : memref<128x64xf32, #tpu.memory_space<vmem>>) offsets(%dma_start3A_201 : memref<128xi32, #tpu.memory_space<vmem>>) semaphore(%arg21 : memref<!tpu.dma_semaphore, #tpu.memory_space<semaphore_mem>>)
    %dma_wait3A_205 = arith.constant 0 : i32
    %dma_wait3A_206 = arith.constant 0 : i32
    %dma_wait3A_207 = arith.constant 0 : i32
    %dma_wait3A_208 = tpu.memref_slice %arg10[%dma_wait3A_205, %dma_wait3A_206, %dma_wait3A_207] : memref<2x128x64xf32, #tpu.memory_space<vmem>> -> memref<1x128x64xf32, #tpu.memory_space<vmem>>
    %dma_wait3A_209 = tpu.memref_squeeze %dma_wait3A_208 : memref<1x128x64xf32, #tpu.memory_space<vmem>> -> memref<128x64xf32, #tpu.memory_space<vmem>>
    %dma_wait3A_210 = arith.constant 256 : i32
    %dma_wait3A_211 = tpu.memref_slice %arg8[%dma_wait3A_210] : memref<512xi32, #tpu.memory_space<vmem>> -> memref<128xi32, #tpu.memory_space<vmem>>
    %dma_wait3A_212 = arith.constant 0 : i32
    %dma_wait3A_213 = arith.constant 0 : i32
    %dma_wait3A_214 = tpu.memref_slice %arg4[%dma_wait3A_212, %dma_wait3A_213] : memref<100000x64xf32, #tpu.memory_space<hbm>> -> memref<100000x64xf32, #tpu.memory_space<hbm>>
    tpu.wait_indirect_dma semaphore(%arg18 : memref<!tpu.dma_semaphore, #tpu.memory_space<semaphore_mem>>) src(%dma_wait3A_214 : memref<100000x64xf32, #tpu.memory_space<hbm>>) dst(%dma_wait3A_209 : memref<128x64xf32, #tpu.memory_space<vmem>>)
    %dma_wait3A_215 = arith.constant 0 : i32
    %dma_wait3A_216 = arith.constant 0 : i32
    %dma_wait3A_217 = arith.constant 0 : i32
    %dma_wait3A_218 = tpu.memref_slice %arg11[%dma_wait3A_215, %dma_wait3A_216, %dma_wait3A_217] : memref<2x128x64xf32, #tpu.memory_space<vmem>> -> memref<1x128x64xf32, #tpu.memory_space<vmem>>
    %dma_wait3A_219 = tpu.memref_squeeze %dma_wait3A_218 : memref<1x128x64xf32, #tpu.memory_space<vmem>> -> memref<128x64xf32, #tpu.memory_space<vmem>>
    %dma_wait3A_220 = arith.constant 256 : i32
    %dma_wait3A_221 = tpu.memref_slice %arg9[%dma_wait3A_220] : memref<512xi32, #tpu.memory_space<vmem>> -> memref<128xi32, #tpu.memory_space<vmem>>
    %dma_wait3A_222 = arith.constant 0 : i32
    %dma_wait3A_223 = arith.constant 0 : i32
    %dma_wait3A_224 = tpu.memref_slice %arg5[%dma_wait3A_222, %dma_wait3A_223] : memref<100000x64xf32, #tpu.memory_space<hbm>> -> memref<100000x64xf32, #tpu.memory_space<hbm>>
    tpu.wait_indirect_dma semaphore(%arg19 : memref<!tpu.dma_semaphore, #tpu.memory_space<semaphore_mem>>) src(%dma_wait3A_224 : memref<100000x64xf32, #tpu.memory_space<hbm>>) dst(%dma_wait3A_219 : memref<128x64xf32, #tpu.memory_space<vmem>>)
    %scan3A_225 = arith.constant 0 : i32
    %scan3A_226 = arith.constant 0 : i32
    %scan3A_227 = arith.constant 32 : i32
    %scan3A_228 = arith.addi %scan3A_226, %scan3A_227 : i32
    %scan3A_229 = arith.constant 1 : i32
    scf.for %scan3A_263 = %scan3A_226 to %scan3A_228 step %scan3A_229  : i32 {
      %mul3A_264 = arith.constant 4 : i32
      %mul3A_265 = arith.muli %scan3A_263, %mul3A_264 : i32
      %add3A_266 = arith.constant 0 : i32
      %add3A_267 = arith.addi %mul3A_265, %add3A_266 : i32
      %mul3A_268 = arith.constant 4 : i32
      %mul3A_269 = arith.muli %scan3A_263, %mul3A_268 : i32
      %add3A_270 = arith.constant 256 : i32
      %add3A_271 = arith.addi %add3A_270, %mul3A_269 : i32
      %add3A_272 = arith.constant 0 : i32
      %add3A_273 = arith.addi %add3A_271, %add3A_272 : i32
      %get3A_274 = arith.constant 0 : i32
      %get3A_275 = arith.index_cast %get3A_274 : i32 to index
      %get3A_276 = arith.index_cast %add3A_267 : i32 to index
      %get3A_277 = arith.constant 0 : index
      %get3A_278 = tpu.vector_load %arg10[%get3A_275, %get3A_276, %get3A_277] {strides = array<i32>} : memref<2x128x64xf32, #tpu.memory_space<vmem>>, vector<16xf32>,
      %get3A_279 = arith.constant 0 : i32
      %get3A_280 = arith.index_cast %get3A_279 : i32 to index
      %get3A_281 = arith.index_cast %add3A_267 : i32 to index
      %get3A_282 = arith.constant 16 : index
      %get3A_283 = tpu.vector_load %arg10[%get3A_280, %get3A_281, %get3A_282] {strides = array<i32>} : memref<2x128x64xf32, #tpu.memory_space<vmem>>, vector<16xf32>,
      %get3A_284 = arith.constant 0 : i32
      %get3A_285 = arith.index_cast %get3A_284 : i32 to index
      %get3A_286 = arith.index_cast %add3A_267 : i32 to index
      %get3A_287 = arith.constant 32 : index
      %get3A_288 = tpu.vector_load %arg10[%get3A_285, %get3A_286, %get3A_287] {strides = array<i32>} : memref<2x128x64xf32, #tpu.memory_space<vmem>>, vector<16xf32>,
      %get3A_289 = arith.constant 0 : i32
      %get3A_290 = arith.index_cast %get3A_289 : i32 to index
      %get3A_291 = arith.index_cast %add3A_267 : i32 to index
      %get3A_292 = arith.constant 48 : index
      %get3A_293 = tpu.vector_load %arg10[%get3A_290, %get3A_291, %get3A_292] {strides = array<i32>} : memref<2x128x64xf32, #tpu.memory_space<vmem>>, vector<16xf32>,
      %get3A_294 = arith.constant 0 : i32
      %get3A_295 = arith.index_cast %get3A_294 : i32 to index
      %get3A_296 = arith.index_cast %add3A_267 : i32 to index
      %get3A_297 = arith.constant 0 : index
      %get3A_298 = tpu.vector_load %arg11[%get3A_295, %get3A_296, %get3A_297] {strides = array<i32>} : memref<2x128x64xf32, #tpu.memory_space<vmem>>, vector<16xf32>,
      %get3A_299 = arith.constant 0 : i32
      %get3A_300 = arith.index_cast %get3A_299 : i32 to index
      %get3A_301 = arith.index_cast %add3A_267 : i32 to index
      %get3A_302 = arith.constant 16 : index
      %get3A_303 = tpu.vector_load %arg11[%get3A_300, %get3A_301, %get3A_302] {strides = array<i32>} : memref<2x128x64xf32, #tpu.memory_space<vmem>>, vector<16xf32>,
      %get3A_304 = arith.constant 0 : i32
      %get3A_305 = arith.index_cast %get3A_304 : i32 to index
      %get3A_306 = arith.index_cast %add3A_267 : i32 to index
      %get3A_307 = arith.constant 32 : index
      %get3A_308 = tpu.vector_load %arg11[%get3A_305, %get3A_306, %get3A_307] {strides = array<i32>} : memref<2x128x64xf32, #tpu.memory_space<vmem>>, vector<16xf32>,
      %get3A_309 = arith.constant 0 : i32
      %get3A_310 = arith.index_cast %get3A_309 : i32 to index
      %get3A_311 = arith.index_cast %add3A_267 : i32 to index
      %get3A_312 = arith.constant 48 : index
      %get3A_313 = tpu.vector_load %arg11[%get3A_310, %get3A_311, %get3A_312] {strides = array<i32>} : memref<2x128x64xf32, #tpu.memory_space<vmem>>, vector<16xf32>,
      %mul3A_314 = arith.mulf %get3A_278, %get3A_298 : vector<16xf32>
      %mul3A_315 = arith.mulf %get3A_283, %get3A_303 : vector<16xf32>
      %mul3A_316 = arith.mulf %get3A_288, %get3A_308 : vector<16xf32>
      %mul3A_317 = arith.mulf %get3A_293, %get3A_313 : vector<16xf32>
      %mul3A_318 = arith.mulf %get3A_278, %get3A_44 : vector<16xf32>
      %mul3A_319 = arith.mulf %get3A_283, %get3A_46 : vector<16xf32>
      %add3A_320 = arith.addf %mul3A_318, %mul3A_319 : vector<16xf32>
      %mul3A_321 = arith.mulf %get3A_288, %get3A_48 : vector<16xf32>
      %add3A_322 = arith.addf %add3A_320, %mul3A_321 : vector<16xf32>
      %mul3A_323 = arith.mulf %get3A_293, %get3A_50 : vector<16xf32>
      %add3A_324 = arith.addf %add3A_322, %mul3A_323 : vector<16xf32>
      %mul3A_325 = arith.mulf %get3A_298, %get3A_68 : vector<16xf32>
      %add3A_326 = arith.addf %add3A_324, %mul3A_325 : vector<16xf32>
      %mul3A_327 = arith.mulf %get3A_303, %get3A_70 : vector<16xf32>
      %add3A_328 = arith.addf %add3A_326, %mul3A_327 : vector<16xf32>
      %mul3A_329 = arith.mulf %get3A_308, %get3A_72 : vector<16xf32>
      %add3A_330 = arith.addf %add3A_328, %mul3A_329 : vector<16xf32>
      %mul3A_331 = arith.mulf %get3A_313, %get3A_74 : vector<16xf32>
      %add3A_332 = arith.addf %add3A_330, %mul3A_331 : vector<16xf32>
      %mul3A_333 = arith.mulf %mul3A_314, %get3A_92 : vector<16xf32>
      %add3A_334 = arith.addf %add3A_332, %mul3A_333 : vector<16xf32>
      %mul3A_335 = arith.mulf %mul3A_315, %get3A_94 : vector<16xf32>
      %add3A_336 = arith.addf %add3A_334, %mul3A_335 : vector<16xf32>
      %mul3A_337 = arith.mulf %mul3A_316, %get3A_96 : vector<16xf32>
      %add3A_338 = arith.addf %add3A_336, %mul3A_337 : vector<16xf32>
      %mul3A_339 = arith.mulf %mul3A_317, %get3A_98 : vector<16xf32>
      %add3A_340 = arith.addf %add3A_338, %mul3A_339 : vector<16xf32>
      %cumsum3A = arith.constant true
      %cumsum3A_341 = vector.broadcast %cumsum3A : i1 to vector<16xi1>
      %cumsum3A_342 = tpu.scan <sum>, %add3A_340 masked %cumsum3A_341 : vector<16xf32>, vector<16xi1> -> vector<16xf32>
      %broadcast_in_dim3A = arith.constant 1 : i32
      %broadcast_in_dim3A_343 = vector.broadcast %broadcast_in_dim3A : i32 to vector<16xi32>
      %add3A_344 = arith.constant 0 : i32
      %add3A_345 = arith.addi %add3A_344, %add3A_273 : i32
      %mul3A_346 = vector.broadcast %add3A_345 : i32 to vector<16xi32>
      %mul3A_347 = arith.muli %broadcast_in_dim3A_343, %mul3A_346 : vector<16xi32>
      tpu.vector_store_idx %arg13[%mul3A_347], %cumsum3A_342 masked %eq3A_43 : memref<1536xf32, #tpu.memory_space<vmem>>[vector<16xi32>], vector<16xf32>, vector<16xi1>
      %mul3A_348 = arith.mulf %get3A_278, %get3A_52 : vector<16xf32>
      %mul3A_349 = arith.mulf %get3A_283, %get3A_54 : vector<16xf32>
      %add3A_350 = arith.addf %mul3A_348, %mul3A_349 : vector<16xf32>
      %mul3A_351 = arith.mulf %get3A_288, %get3A_56 : vector<16xf32>
      %add3A_352 = arith.addf %add3A_350, %mul3A_351 : vector<16xf32>
      %mul3A_353 = arith.mulf %get3A_293, %get3A_58 : vector<16xf32>
      %add3A_354 = arith.addf %add3A_352, %mul3A_353 : vector<16xf32>
      %mul3A_355 = arith.mulf %get3A_298, %get3A_76 : vector<16xf32>
      %add3A_356 = arith.addf %add3A_354, %mul3A_355 : vector<16xf32>
      %mul3A_357 = arith.mulf %get3A_303, %get3A_78 : vector<16xf32>
      %add3A_358 = arith.addf %add3A_356, %mul3A_357 : vector<16xf32>
      %mul3A_359 = arith.mulf %get3A_308, %get3A_80 : vector<16xf32>
      %add3A_360 = arith.addf %add3A_358, %mul3A_359 : vector<16xf32>
      %mul3A_361 = arith.mulf %get3A_313, %get3A_82 : vector<16xf32>
      %add3A_362 = arith.addf %add3A_360, %mul3A_361 : vector<16xf32>
      %mul3A_363 = arith.mulf %mul3A_314, %get3A_100 : vector<16xf32>
      %add3A_364 = arith.addf %add3A_362, %mul3A_363 : vector<16xf32>
      %mul3A_365 = arith.mulf %mul3A_315, %get3A_102 : vector<16xf32>
      %add3A_366 = arith.addf %add3A_364, %mul3A_365 : vector<16xf32>
      %mul3A_367 = arith.mulf %mul3A_316, %get3A_104 : vector<16xf32>
      %add3A_368 = arith.addf %add3A_366, %mul3A_367 : vector<16xf32>
      %mul3A_369 = arith.mulf %mul3A_317, %get3A_106 : vector<16xf32>
      %add3A_370 = arith.addf %add3A_368, %mul3A_369 : vector<16xf32>
      %cumsum3A_371 = arith.constant true
      %cumsum3A_372 = vector.broadcast %cumsum3A_371 : i1 to vector<16xi1>
      %cumsum3A_373 = tpu.scan <sum>, %add3A_370 masked %cumsum3A_372 : vector<16xf32>, vector<16xi1> -> vector<16xf32>
      %broadcast_in_dim3A_374 = arith.constant 1 : i32
      %broadcast_in_dim3A_375 = vector.broadcast %broadcast_in_dim3A_374 : i32 to vector<16xi32>
      %add3A_376 = arith.constant 512 : i32
      %add3A_377 = arith.addi %add3A_376, %add3A_273 : i32
      %mul3A_378 = vector.broadcast %add3A_377 : i32 to vector<16xi32>
      %mul3A_379 = arith.muli %broadcast_in_dim3A_375, %mul3A_378 : vector<16xi32>
      tpu.vector_store_idx %arg13[%mul3A_379], %cumsum3A_373 masked %eq3A_43 : memref<1536xf32, #tpu.memory_space<vmem>>[vector<16xi32>], vector<16xf32>, vector<16xi1>
      %mul3A_380 = arith.mulf %get3A_278, %get3A_60 : vector<16xf32>
      %mul3A_381 = arith.mulf %get3A_283, %get3A_62 : vector<16xf32>
      %add3A_382 = arith.addf %mul3A_380, %mul3A_381 : vector<16xf32>
      %mul3A_383 = arith.mulf %get3A_288, %get3A_64 : vector<16xf32>
      %add3A_384 = arith.addf %add3A_382, %mul3A_383 : vector<16xf32>
      %mul3A_385 = arith.mulf %get3A_293, %get3A_66 : vector<16xf32>
      %add3A_386 = arith.addf %add3A_384, %mul3A_385 : vector<16xf32>
      %mul3A_387 = arith.mulf %get3A_298, %get3A_84 : vector<16xf32>
      %add3A_388 = arith.addf %add3A_386, %mul3A_387 : vector<16xf32>
      %mul3A_389 = arith.mulf %get3A_303, %get3A_86 : vector<16xf32>
      %add3A_390 = arith.addf %add3A_388, %mul3A_389 : vector<16xf32>
      %mul3A_391 = arith.mulf %get3A_308, %get3A_88 : vector<16xf32>
      %add3A_392 = arith.addf %add3A_390, %mul3A_391 : vector<16xf32>
      %mul3A_393 = arith.mulf %get3A_313, %get3A_90 : vector<16xf32>
      %add3A_394 = arith.addf %add3A_392, %mul3A_393 : vector<16xf32>
      %mul3A_395 = arith.mulf %mul3A_314, %get3A_108 : vector<16xf32>
      %add3A_396 = arith.addf %add3A_394, %mul3A_395 : vector<16xf32>
      %mul3A_397 = arith.mulf %mul3A_315, %get3A_110 : vector<16xf32>
      %add3A_398 = arith.addf %add3A_396, %mul3A_397 : vector<16xf32>
      %mul3A_399 = arith.mulf %mul3A_316, %get3A_112 : vector<16xf32>
      %add3A_400 = arith.addf %add3A_398, %mul3A_399 : vector<16xf32>
      %mul3A_401 = arith.mulf %mul3A_317, %get3A_114 : vector<16xf32>
      %add3A_402 = arith.addf %add3A_400, %mul3A_401 : vector<16xf32>
      %cumsum3A_403 = arith.constant true
      %cumsum3A_404 = vector.broadcast %cumsum3A_403 : i1 to vector<16xi1>
      %cumsum3A_405 = tpu.scan <sum>, %add3A_402 masked %cumsum3A_404 : vector<16xf32>, vector<16xi1> -> vector<16xf32>
      %broadcast_in_dim3A_406 = arith.constant 1 : i32
      %broadcast_in_dim3A_407 = vector.broadcast %broadcast_in_dim3A_406 : i32 to vector<16xi32>
      %add3A_408 = arith.constant 1024 : i32
      %add3A_409 = arith.addi %add3A_408, %add3A_273 : i32
      %mul3A_410 = vector.broadcast %add3A_409 : i32 to vector<16xi32>
      %mul3A_411 = arith.muli %broadcast_in_dim3A_407, %mul3A_410 : vector<16xi32>
      tpu.vector_store_idx %arg13[%mul3A_411], %cumsum3A_405 masked %eq3A_43 : memref<1536xf32, #tpu.memory_space<vmem>>[vector<16xi32>], vector<16xf32>, vector<16xi1>
      %mul3A_412 = arith.constant 4 : i32
      %mul3A_413 = arith.muli %scan3A_263, %mul3A_412 : i32
      %add3A_414 = arith.constant 1 : i32
      %add3A_415 = arith.addi %mul3A_413, %add3A_414 : i32
      %mul3A_416 = arith.constant 4 : i32
      %mul3A_417 = arith.muli %scan3A_263, %mul3A_416 : i32
      %add3A_418 = arith.constant 256 : i32
      %add3A_419 = arith.addi %add3A_418, %mul3A_417 : i32
      %add3A_420 = arith.constant 1 : i32
      %add3A_421 = arith.addi %add3A_419, %add3A_420 : i32
      %get3A_422 = arith.constant 0 : i32
      %get3A_423 = arith.index_cast %get3A_422 : i32 to index
      %get3A_424 = arith.index_cast %add3A_415 : i32 to index
      %get3A_425 = arith.constant 0 : index
      %get3A_426 = tpu.vector_load %arg10[%get3A_423, %get3A_424, %get3A_425] {strides = array<i32>} : memref<2x128x64xf32, #tpu.memory_space<vmem>>, vector<16xf32>,
      %get3A_427 = arith.constant 0 : i32
      %get3A_428 = arith.index_cast %get3A_427 : i32 to index
      %get3A_429 = arith.index_cast %add3A_415 : i32 to index
      %get3A_430 = arith.constant 16 : index
      %get3A_431 = tpu.vector_load %arg10[%get3A_428, %get3A_429, %get3A_430] {strides = array<i32>} : memref<2x128x64xf32, #tpu.memory_space<vmem>>, vector<16xf32>,
      %get3A_432 = arith.constant 0 : i32
      %get3A_433 = arith.index_cast %get3A_432 : i32 to index
      %get3A_434 = arith.index_cast %add3A_415 : i32 to index
      %get3A_435 = arith.constant 32 : index
      %get3A_436 = tpu.vector_load %arg10[%get3A_433, %get3A_434, %get3A_435] {strides = array<i32>} : memref<2x128x64xf32, #tpu.memory_space<vmem>>, vector<16xf32>,
      %get3A_437 = arith.constant 0 : i32
      %get3A_438 = arith.index_cast %get3A_437 : i32 to index
      %get3A_439 = arith.index_cast %add3A_415 : i32 to index
      %get3A_440 = arith.constant 48 : index
      %get3A_441 = tpu.vector_load %arg10[%get3A_438, %get3A_439, %get3A_440] {strides = array<i32>} : memref<2x128x64xf32, #tpu.memory_space<vmem>>, vector<16xf32>,
      %get3A_442 = arith.constant 0 : i32
      %get3A_443 = arith.index_cast %get3A_442 : i32 to index
      %get3A_444 = arith.index_cast %add3A_415 : i32 to index
      %get3A_445 = arith.constant 0 : index
      %get3A_446 = tpu.vector_load %arg11[%get3A_443, %get3A_444, %get3A_445] {strides = array<i32>} : memref<2x128x64xf32, #tpu.memory_space<vmem>>, vector<16xf32>,
      %get3A_447 = arith.constant 0 : i32
      %get3A_448 = arith.index_cast %get3A_447 : i32 to index
      %get3A_449 = arith.index_cast %add3A_415 : i32 to index
      %get3A_450 = arith.constant 16 : index
      %get3A_451 = tpu.vector_load %arg11[%get3A_448, %get3A_449, %get3A_450] {strides = array<i32>} : memref<2x128x64xf32, #tpu.memory_space<vmem>>, vector<16xf32>,
      %get3A_452 = arith.constant 0 : i32
      %get3A_453 = arith.index_cast %get3A_452 : i32 to index
      %get3A_454 = arith.index_cast %add3A_415 : i32 to index
      %get3A_455 = arith.constant 32 : index
      %get3A_456 = tpu.vector_load %arg11[%get3A_453, %get3A_454, %get3A_455] {strides = array<i32>} : memref<2x128x64xf32, #tpu.memory_space<vmem>>, vector<16xf32>,
      %get3A_457 = arith.constant 0 : i32
      %get3A_458 = arith.index_cast %get3A_457 : i32 to index
      %get3A_459 = arith.index_cast %add3A_415 : i32 to index
      %get3A_460 = arith.constant 48 : index
      %get3A_461 = tpu.vector_load %arg11[%get3A_458, %get3A_459, %get3A_460] {strides = array<i32>} : memref<2x128x64xf32, #tpu.memory_space<vmem>>, vector<16xf32>,
      %mul3A_462 = arith.mulf %get3A_426, %get3A_446 : vector<16xf32>
      %mul3A_463 = arith.mulf %get3A_431, %get3A_451 : vector<16xf32>
      %mul3A_464 = arith.mulf %get3A_436, %get3A_456 : vector<16xf32>
      %mul3A_465 = arith.mulf %get3A_441, %get3A_461 : vector<16xf32>
      %mul3A_466 = arith.mulf %get3A_426, %get3A_44 : vector<16xf32>
      %mul3A_467 = arith.mulf %get3A_431, %get3A_46 : vector<16xf32>
      %add3A_468 = arith.addf %mul3A_466, %mul3A_467 : vector<16xf32>
      %mul3A_469 = arith.mulf %get3A_436, %get3A_48 : vector<16xf32>
      %add3A_470 = arith.addf %add3A_468, %mul3A_469 : vector<16xf32>
      %mul3A_471 = arith.mulf %get3A_441, %get3A_50 : vector<16xf32>
      %add3A_472 = arith.addf %add3A_470, %mul3A_471 : vector<16xf32>
      %mul3A_473 = arith.mulf %get3A_446, %get3A_68 : vector<16xf32>
      %add3A_474 = arith.addf %add3A_472, %mul3A_473 : vector<16xf32>
      %mul3A_475 = arith.mulf %get3A_451, %get3A_70 : vector<16xf32>
      %add3A_476 = arith.addf %add3A_474, %mul3A_475 : vector<16xf32>
      %mul3A_477 = arith.mulf %get3A_456, %get3A_72 : vector<16xf32>
      %add3A_478 = arith.addf %add3A_476, %mul3A_477 : vector<16xf32>
      %mul3A_479 = arith.mulf %get3A_461, %get3A_74 : vector<16xf32>
      %add3A_480 = arith.addf %add3A_478, %mul3A_479 : vector<16xf32>
      %mul3A_481 = arith.mulf %mul3A_462, %get3A_92 : vector<16xf32>
      %add3A_482 = arith.addf %add3A_480, %mul3A_481 : vector<16xf32>
      %mul3A_483 = arith.mulf %mul3A_463, %get3A_94 : vector<16xf32>
      %add3A_484 = arith.addf %add3A_482, %mul3A_483 : vector<16xf32>
      %mul3A_485 = arith.mulf %mul3A_464, %get3A_96 : vector<16xf32>
      %add3A_486 = arith.addf %add3A_484, %mul3A_485 : vector<16xf32>
      %mul3A_487 = arith.mulf %mul3A_465, %get3A_98 : vector<16xf32>
      %add3A_488 = arith.addf %add3A_486, %mul3A_487 : vector<16xf32>
      %cumsum3A_489 = arith.constant true
      %cumsum3A_490 = vector.broadcast %cumsum3A_489 : i1 to vector<16xi1>
      %cumsum3A_491 = tpu.scan <sum>, %add3A_488 masked %cumsum3A_490 : vector<16xf32>, vector<16xi1> -> vector<16xf32>
      %broadcast_in_dim3A_492 = arith.constant 1 : i32
      %broadcast_in_dim3A_493 = vector.broadcast %broadcast_in_dim3A_492 : i32 to vector<16xi32>
      %add3A_494 = arith.constant 0 : i32
      %add3A_495 = arith.addi %add3A_494, %add3A_421 : i32
      %mul3A_496 = vector.broadcast %add3A_495 : i32 to vector<16xi32>
      %mul3A_497 = arith.muli %broadcast_in_dim3A_493, %mul3A_496 : vector<16xi32>
      tpu.vector_store_idx %arg13[%mul3A_497], %cumsum3A_491 masked %eq3A_43 : memref<1536xf32, #tpu.memory_space<vmem>>[vector<16xi32>], vector<16xf32>, vector<16xi1>
      %mul3A_498 = arith.mulf %get3A_426, %get3A_52 : vector<16xf32>
      %mul3A_499 = arith.mulf %get3A_431, %get3A_54 : vector<16xf32>
      %add3A_500 = arith.addf %mul3A_498, %mul3A_499 : vector<16xf32>
      %mul3A_501 = arith.mulf %get3A_436, %get3A_56 : vector<16xf32>
      %add3A_502 = arith.addf %add3A_500, %mul3A_501 : vector<16xf32>
      %mul3A_503 = arith.mulf %get3A_441, %get3A_58 : vector<16xf32>
      %add3A_504 = arith.addf %add3A_502, %mul3A_503 : vector<16xf32>
      %mul3A_505 = arith.mulf %get3A_446, %get3A_76 : vector<16xf32>
      %add3A_506 = arith.addf %add3A_504, %mul3A_505 : vector<16xf32>
      %mul3A_507 = arith.mulf %get3A_451, %get3A_78 : vector<16xf32>
      %add3A_508 = arith.addf %add3A_506, %mul3A_507 : vector<16xf32>
      %mul3A_509 = arith.mulf %get3A_456, %get3A_80 : vector<16xf32>
      %add3A_510 = arith.addf %add3A_508, %mul3A_509 : vector<16xf32>
      %mul3A_511 = arith.mulf %get3A_461, %get3A_82 : vector<16xf32>
      %add3A_512 = arith.addf %add3A_510, %mul3A_511 : vector<16xf32>
      %mul3A_513 = arith.mulf %mul3A_462, %get3A_100 : vector<16xf32>
      %add3A_514 = arith.addf %add3A_512, %mul3A_513 : vector<16xf32>
      %mul3A_515 = arith.mulf %mul3A_463, %get3A_102 : vector<16xf32>
      %add3A_516 = arith.addf %add3A_514, %mul3A_515 : vector<16xf32>
      %mul3A_517 = arith.mulf %mul3A_464, %get3A_104 : vector<16xf32>
      %add3A_518 = arith.addf %add3A_516, %mul3A_517 : vector<16xf32>
      %mul3A_519 = arith.mulf %mul3A_465, %get3A_106 : vector<16xf32>
      %add3A_520 = arith.addf %add3A_518, %mul3A_519 : vector<16xf32>
      %cumsum3A_521 = arith.constant true
      %cumsum3A_522 = vector.broadcast %cumsum3A_521 : i1 to vector<16xi1>
      %cumsum3A_523 = tpu.scan <sum>, %add3A_520 masked %cumsum3A_522 : vector<16xf32>, vector<16xi1> -> vector<16xf32>
      %broadcast_in_dim3A_524 = arith.constant 1 : i32
      %broadcast_in_dim3A_525 = vector.broadcast %broadcast_in_dim3A_524 : i32 to vector<16xi32>
      %add3A_526 = arith.constant 512 : i32
      %add3A_527 = arith.addi %add3A_526, %add3A_421 : i32
      %mul3A_528 = vector.broadcast %add3A_527 : i32 to vector<16xi32>
      %mul3A_529 = arith.muli %broadcast_in_dim3A_525, %mul3A_528 : vector<16xi32>
      tpu.vector_store_idx %arg13[%mul3A_529], %cumsum3A_523 masked %eq3A_43 : memref<1536xf32, #tpu.memory_space<vmem>>[vector<16xi32>], vector<16xf32>, vector<16xi1>
      %mul3A_530 = arith.mulf %get3A_426, %get3A_60 : vector<16xf32>
      %mul3A_531 = arith.mulf %get3A_431, %get3A_62 : vector<16xf32>
      %add3A_532 = arith.addf %mul3A_530, %mul3A_531 : vector<16xf32>
      %mul3A_533 = arith.mulf %get3A_436, %get3A_64 : vector<16xf32>
      %add3A_534 = arith.addf %add3A_532, %mul3A_533 : vector<16xf32>
      %mul3A_535 = arith.mulf %get3A_441, %get3A_66 : vector<16xf32>
      %add3A_536 = arith.addf %add3A_534, %mul3A_535 : vector<16xf32>
      %mul3A_537 = arith.mulf %get3A_446, %get3A_84 : vector<16xf32>
      %add3A_538 = arith.addf %add3A_536, %mul3A_537 : vector<16xf32>
      %mul3A_539 = arith.mulf %get3A_451, %get3A_86 : vector<16xf32>
      %add3A_540 = arith.addf %add3A_538, %mul3A_539 : vector<16xf32>
      %mul3A_541 = arith.mulf %get3A_456, %get3A_88 : vector<16xf32>
      %add3A_542 = arith.addf %add3A_540, %mul3A_541 : vector<16xf32>
      %mul3A_543 = arith.mulf %get3A_461, %get3A_90 : vector<16xf32>
      %add3A_544 = arith.addf %add3A_542, %mul3A_543 : vector<16xf32>
      %mul3A_545 = arith.mulf %mul3A_462, %get3A_108 : vector<16xf32>
      %add3A_546 = arith.addf %add3A_544, %mul3A_545 : vector<16xf32>
      %mul3A_547 = arith.mulf %mul3A_463, %get3A_110 : vector<16xf32>
      %add3A_548 = arith.addf %add3A_546, %mul3A_547 : vector<16xf32>
      %mul3A_549 = arith.mulf %mul3A_464, %get3A_112 : vector<16xf32>
      %add3A_550 = arith.addf %add3A_548, %mul3A_549 : vector<16xf32>
      %mul3A_551 = arith.mulf %mul3A_465, %get3A_114 : vector<16xf32>
      %add3A_552 = arith.addf %add3A_550, %mul3A_551 : vector<16xf32>
      %cumsum3A_553 = arith.constant true
      %cumsum3A_554 = vector.broadcast %cumsum3A_553 : i1 to vector<16xi1>
      %cumsum3A_555 = tpu.scan <sum>, %add3A_552 masked %cumsum3A_554 : vector<16xf32>, vector<16xi1> -> vector<16xf32>
      %broadcast_in_dim3A_556 = arith.constant 1 : i32
      %broadcast_in_dim3A_557 = vector.broadcast %broadcast_in_dim3A_556 : i32 to vector<16xi32>
      %add3A_558 = arith.constant 1024 : i32
      %add3A_559 = arith.addi %add3A_558, %add3A_421 : i32
      %mul3A_560 = vector.broadcast %add3A_559 : i32 to vector<16xi32>
      %mul3A_561 = arith.muli %broadcast_in_dim3A_557, %mul3A_560 : vector<16xi32>
      tpu.vector_store_idx %arg13[%mul3A_561], %cumsum3A_555 masked %eq3A_43 : memref<1536xf32, #tpu.memory_space<vmem>>[vector<16xi32>], vector<16xf32>, vector<16xi1>
      %mul3A_562 = arith.constant 4 : i32
      %mul3A_563 = arith.muli %scan3A_263, %mul3A_562 : i32
      %add3A_564 = arith.constant 2 : i32
      %add3A_565 = arith.addi %mul3A_563, %add3A_564 : i32
      %mul3A_566 = arith.constant 4 : i32
      %mul3A_567 = arith.muli %scan3A_263, %mul3A_566 : i32
      %add3A_568 = arith.constant 256 : i32
      %add3A_569 = arith.addi %add3A_568, %mul3A_567 : i32
      %add3A_570 = arith.constant 2 : i32
      %add3A_571 = arith.addi %add3A_569, %add3A_570 : i32
      %get3A_572 = arith.constant 0 : i32
      %get3A_573 = arith.index_cast %get3A_572 : i32 to index
      %get3A_574 = arith.index_cast %add3A_565 : i32 to index
      %get3A_575 = arith.constant 0 : index
      %get3A_576 = tpu.vector_load %arg10[%get3A_573, %get3A_574, %get3A_575] {strides = array<i32>} : memref<2x128x64xf32, #tpu.memory_space<vmem>>, vector<16xf32>,
      %get3A_577 = arith.constant 0 : i32
      %get3A_578 = arith.index_cast %get3A_577 : i32 to index
      %get3A_579 = arith.index_cast %add3A_565 : i32 to index
      %get3A_580 = arith.constant 16 : index
      %get3A_581 = tpu.vector_load %arg10[%get3A_578, %get3A_579, %get3A_580] {strides = array<i32>} : memref<2x128x64xf32, #tpu.memory_space<vmem>>, vector<16xf32>,
      %get3A_582 = arith.constant 0 : i32
      %get3A_583 = arith.index_cast %get3A_582 : i32 to index
      %get3A_584 = arith.index_cast %add3A_565 : i32 to index
      %get3A_585 = arith.constant 32 : index
      %get3A_586 = tpu.vector_load %arg10[%get3A_583, %get3A_584, %get3A_585] {strides = array<i32>} : memref<2x128x64xf32, #tpu.memory_space<vmem>>, vector<16xf32>,
      %get3A_587 = arith.constant 0 : i32
      %get3A_588 = arith.index_cast %get3A_587 : i32 to index
      %get3A_589 = arith.index_cast %add3A_565 : i32 to index
      %get3A_590 = arith.constant 48 : index
      %get3A_591 = tpu.vector_load %arg10[%get3A_588, %get3A_589, %get3A_590] {strides = array<i32>} : memref<2x128x64xf32, #tpu.memory_space<vmem>>, vector<16xf32>,
      %get3A_592 = arith.constant 0 : i32
      %get3A_593 = arith.index_cast %get3A_592 : i32 to index
      %get3A_594 = arith.index_cast %add3A_565 : i32 to index
      %get3A_595 = arith.constant 0 : index
      %get3A_596 = tpu.vector_load %arg11[%get3A_593, %get3A_594, %get3A_595] {strides = array<i32>} : memref<2x128x64xf32, #tpu.memory_space<vmem>>, vector<16xf32>,
      %get3A_597 = arith.constant 0 : i32
      %get3A_598 = arith.index_cast %get3A_597 : i32 to index
      %get3A_599 = arith.index_cast %add3A_565 : i32 to index
      %get3A_600 = arith.constant 16 : index
      %get3A_601 = tpu.vector_load %arg11[%get3A_598, %get3A_599, %get3A_600] {strides = array<i32>} : memref<2x128x64xf32, #tpu.memory_space<vmem>>, vector<16xf32>,
      %get3A_602 = arith.constant 0 : i32
      %get3A_603 = arith.index_cast %get3A_602 : i32 to index
      %get3A_604 = arith.index_cast %add3A_565 : i32 to index
      %get3A_605 = arith.constant 32 : index
      %get3A_606 = tpu.vector_load %arg11[%get3A_603, %get3A_604, %get3A_605] {strides = array<i32>} : memref<2x128x64xf32, #tpu.memory_space<vmem>>, vector<16xf32>,
      %get3A_607 = arith.constant 0 : i32
      %get3A_608 = arith.index_cast %get3A_607 : i32 to index
      %get3A_609 = arith.index_cast %add3A_565 : i32 to index
      %get3A_610 = arith.constant 48 : index
      %get3A_611 = tpu.vector_load %arg11[%get3A_608, %get3A_609, %get3A_610] {strides = array<i32>} : memref<2x128x64xf32, #tpu.memory_space<vmem>>, vector<16xf32>,
      %mul3A_612 = arith.mulf %get3A_576, %get3A_596 : vector<16xf32>
      %mul3A_613 = arith.mulf %get3A_581, %get3A_601 : vector<16xf32>
      %mul3A_614 = arith.mulf %get3A_586, %get3A_606 : vector<16xf32>
      %mul3A_615 = arith.mulf %get3A_591, %get3A_611 : vector<16xf32>
      %mul3A_616 = arith.mulf %get3A_576, %get3A_44 : vector<16xf32>
      %mul3A_617 = arith.mulf %get3A_581, %get3A_46 : vector<16xf32>
      %add3A_618 = arith.addf %mul3A_616, %mul3A_617 : vector<16xf32>
      %mul3A_619 = arith.mulf %get3A_586, %get3A_48 : vector<16xf32>
      %add3A_620 = arith.addf %add3A_618, %mul3A_619 : vector<16xf32>
      %mul3A_621 = arith.mulf %get3A_591, %get3A_50 : vector<16xf32>
      %add3A_622 = arith.addf %add3A_620, %mul3A_621 : vector<16xf32>
      %mul3A_623 = arith.mulf %get3A_596, %get3A_68 : vector<16xf32>
      %add3A_624 = arith.addf %add3A_622, %mul3A_623 : vector<16xf32>
      %mul3A_625 = arith.mulf %get3A_601, %get3A_70 : vector<16xf32>
      %add3A_626 = arith.addf %add3A_624, %mul3A_625 : vector<16xf32>
      %mul3A_627 = arith.mulf %get3A_606, %get3A_72 : vector<16xf32>
      %add3A_628 = arith.addf %add3A_626, %mul3A_627 : vector<16xf32>
      %mul3A_629 = arith.mulf %get3A_611, %get3A_74 : vector<16xf32>
      %add3A_630 = arith.addf %add3A_628, %mul3A_629 : vector<16xf32>
      %mul3A_631 = arith.mulf %mul3A_612, %get3A_92 : vector<16xf32>
      %add3A_632 = arith.addf %add3A_630, %mul3A_631 : vector<16xf32>
      %mul3A_633 = arith.mulf %mul3A_613, %get3A_94 : vector<16xf32>
      %add3A_634 = arith.addf %add3A_632, %mul3A_633 : vector<16xf32>
      %mul3A_635 = arith.mulf %mul3A_614, %get3A_96 : vector<16xf32>
      %add3A_636 = arith.addf %add3A_634, %mul3A_635 : vector<16xf32>
      %mul3A_637 = arith.mulf %mul3A_615, %get3A_98 : vector<16xf32>
      %add3A_638 = arith.addf %add3A_636, %mul3A_637 : vector<16xf32>
      %cumsum3A_639 = arith.constant true
      %cumsum3A_640 = vector.broadcast %cumsum3A_639 : i1 to vector<16xi1>
      %cumsum3A_641 = tpu.scan <sum>, %add3A_638 masked %cumsum3A_640 : vector<16xf32>, vector<16xi1> -> vector<16xf32>
      %broadcast_in_dim3A_642 = arith.constant 1 : i32
      %broadcast_in_dim3A_643 = vector.broadcast %broadcast_in_dim3A_642 : i32 to vector<16xi32>
      %add3A_644 = arith.constant 0 : i32
      %add3A_645 = arith.addi %add3A_644, %add3A_571 : i32
      %mul3A_646 = vector.broadcast %add3A_645 : i32 to vector<16xi32>
      %mul3A_647 = arith.muli %broadcast_in_dim3A_643, %mul3A_646 : vector<16xi32>
      tpu.vector_store_idx %arg13[%mul3A_647], %cumsum3A_641 masked %eq3A_43 : memref<1536xf32, #tpu.memory_space<vmem>>[vector<16xi32>], vector<16xf32>, vector<16xi1>
      %mul3A_648 = arith.mulf %get3A_576, %get3A_52 : vector<16xf32>
      %mul3A_649 = arith.mulf %get3A_581, %get3A_54 : vector<16xf32>
      %add3A_650 = arith.addf %mul3A_648, %mul3A_649 : vector<16xf32>
      %mul3A_651 = arith.mulf %get3A_586, %get3A_56 : vector<16xf32>
      %add3A_652 = arith.addf %add3A_650, %mul3A_651 : vector<16xf32>
      %mul3A_653 = arith.mulf %get3A_591, %get3A_58 : vector<16xf32>
      %add3A_654 = arith.addf %add3A_652, %mul3A_653 : vector<16xf32>
      %mul3A_655 = arith.mulf %get3A_596, %get3A_76 : vector<16xf32>
      %add3A_656 = arith.addf %add3A_654, %mul3A_655 : vector<16xf32>
      %mul3A_657 = arith.mulf %get3A_601, %get3A_78 : vector<16xf32>
      %add3A_658 = arith.addf %add3A_656, %mul3A_657 : vector<16xf32>
      %mul3A_659 = arith.mulf %get3A_606, %get3A_80 : vector<16xf32>
      %add3A_660 = arith.addf %add3A_658, %mul3A_659 : vector<16xf32>
      %mul3A_661 = arith.mulf %get3A_611, %get3A_82 : vector<16xf32>
      %add3A_662 = arith.addf %add3A_660, %mul3A_661 : vector<16xf32>
      %mul3A_663 = arith.mulf %mul3A_612, %get3A_100 : vector<16xf32>
      %add3A_664 = arith.addf %add3A_662, %mul3A_663 : vector<16xf32>
      %mul3A_665 = arith.mulf %mul3A_613, %get3A_102 : vector<16xf32>
      %add3A_666 = arith.addf %add3A_664, %mul3A_665 : vector<16xf32>
      %mul3A_667 = arith.mulf %mul3A_614, %get3A_104 : vector<16xf32>
      %add3A_668 = arith.addf %add3A_666, %mul3A_667 : vector<16xf32>
      %mul3A_669 = arith.mulf %mul3A_615, %get3A_106 : vector<16xf32>
      %add3A_670 = arith.addf %add3A_668, %mul3A_669 : vector<16xf32>
      %cumsum3A_671 = arith.constant true
      %cumsum3A_672 = vector.broadcast %cumsum3A_671 : i1 to vector<16xi1>
      %cumsum3A_673 = tpu.scan <sum>, %add3A_670 masked %cumsum3A_672 : vector<16xf32>, vector<16xi1> -> vector<16xf32>
      %broadcast_in_dim3A_674 = arith.constant 1 : i32
      %broadcast_in_dim3A_675 = vector.broadcast %broadcast_in_dim3A_674 : i32 to vector<16xi32>
      %add3A_676 = arith.constant 512 : i32
      %add3A_677 = arith.addi %add3A_676, %add3A_571 : i32
      %mul3A_678 = vector.broadcast %add3A_677 : i32 to vector<16xi32>
      %mul3A_679 = arith.muli %broadcast_in_dim3A_675, %mul3A_678 : vector<16xi32>
      tpu.vector_store_idx %arg13[%mul3A_679], %cumsum3A_673 masked %eq3A_43 : memref<1536xf32, #tpu.memory_space<vmem>>[vector<16xi32>], vector<16xf32>, vector<16xi1>
      %mul3A_680 = arith.mulf %get3A_576, %get3A_60 : vector<16xf32>
      %mul3A_681 = arith.mulf %get3A_581, %get3A_62 : vector<16xf32>
      %add3A_682 = arith.addf %mul3A_680, %mul3A_681 : vector<16xf32>
      %mul3A_683 = arith.mulf %get3A_586, %get3A_64 : vector<16xf32>
      %add3A_684 = arith.addf %add3A_682, %mul3A_683 : vector<16xf32>
      %mul3A_685 = arith.mulf %get3A_591, %get3A_66 : vector<16xf32>
      %add3A_686 = arith.addf %add3A_684, %mul3A_685 : vector<16xf32>
      %mul3A_687 = arith.mulf %get3A_596, %get3A_84 : vector<16xf32>
      %add3A_688 = arith.addf %add3A_686, %mul3A_687 : vector<16xf32>
      %mul3A_689 = arith.mulf %get3A_601, %get3A_86 : vector<16xf32>
      %add3A_690 = arith.addf %add3A_688, %mul3A_689 : vector<16xf32>
      %mul3A_691 = arith.mulf %get3A_606, %get3A_88 : vector<16xf32>
      %add3A_692 = arith.addf %add3A_690, %mul3A_691 : vector<16xf32>
      %mul3A_693 = arith.mulf %get3A_611, %get3A_90 : vector<16xf32>
      %add3A_694 = arith.addf %add3A_692, %mul3A_693 : vector<16xf32>
      %mul3A_695 = arith.mulf %mul3A_612, %get3A_108 : vector<16xf32>
      %add3A_696 = arith.addf %add3A_694, %mul3A_695 : vector<16xf32>
      %mul3A_697 = arith.mulf %mul3A_613, %get3A_110 : vector<16xf32>
      %add3A_698 = arith.addf %add3A_696, %mul3A_697 : vector<16xf32>
      %mul3A_699 = arith.mulf %mul3A_614, %get3A_112 : vector<16xf32>
      %add3A_700 = arith.addf %add3A_698, %mul3A_699 : vector<16xf32>
      %mul3A_701 = arith.mulf %mul3A_615, %get3A_114 : vector<16xf32>
      %add3A_702 = arith.addf %add3A_700, %mul3A_701 : vector<16xf32>
      %cumsum3A_703 = arith.constant true
      %cumsum3A_704 = vector.broadcast %cumsum3A_703 : i1 to vector<16xi1>
      %cumsum3A_705 = tpu.scan <sum>, %add3A_702 masked %cumsum3A_704 : vector<16xf32>, vector<16xi1> -> vector<16xf32>
      %broadcast_in_dim3A_706 = arith.constant 1 : i32
      %broadcast_in_dim3A_707 = vector.broadcast %broadcast_in_dim3A_706 : i32 to vector<16xi32>
      %add3A_708 = arith.constant 1024 : i32
      %add3A_709 = arith.addi %add3A_708, %add3A_571 : i32
      %mul3A_710 = vector.broadcast %add3A_709 : i32 to vector<16xi32>
      %mul3A_711 = arith.muli %broadcast_in_dim3A_707, %mul3A_710 : vector<16xi32>
      tpu.vector_store_idx %arg13[%mul3A_711], %cumsum3A_705 masked %eq3A_43 : memref<1536xf32, #tpu.memory_space<vmem>>[vector<16xi32>], vector<16xf32>, vector<16xi1>
      %mul3A_712 = arith.constant 4 : i32
      %mul3A_713 = arith.muli %scan3A_263, %mul3A_712 : i32
      %add3A_714 = arith.constant 3 : i32
      %add3A_715 = arith.addi %mul3A_713, %add3A_714 : i32
      %mul3A_716 = arith.constant 4 : i32
      %mul3A_717 = arith.muli %scan3A_263, %mul3A_716 : i32
      %add3A_718 = arith.constant 256 : i32
      %add3A_719 = arith.addi %add3A_718, %mul3A_717 : i32
      %add3A_720 = arith.constant 3 : i32
      %add3A_721 = arith.addi %add3A_719, %add3A_720 : i32
      %get3A_722 = arith.constant 0 : i32
      %get3A_723 = arith.index_cast %get3A_722 : i32 to index
      %get3A_724 = arith.index_cast %add3A_715 : i32 to index
      %get3A_725 = arith.constant 0 : index
      %get3A_726 = tpu.vector_load %arg10[%get3A_723, %get3A_724, %get3A_725] {strides = array<i32>} : memref<2x128x64xf32, #tpu.memory_space<vmem>>, vector<16xf32>,
      %get3A_727 = arith.constant 0 : i32
      %get3A_728 = arith.index_cast %get3A_727 : i32 to index
      %get3A_729 = arith.index_cast %add3A_715 : i32 to index
      %get3A_730 = arith.constant 16 : index
      %get3A_731 = tpu.vector_load %arg10[%get3A_728, %get3A_729, %get3A_730] {strides = array<i32>} : memref<2x128x64xf32, #tpu.memory_space<vmem>>, vector<16xf32>,
      %get3A_732 = arith.constant 0 : i32
      %get3A_733 = arith.index_cast %get3A_732 : i32 to index
      %get3A_734 = arith.index_cast %add3A_715 : i32 to index
      %get3A_735 = arith.constant 32 : index
      %get3A_736 = tpu.vector_load %arg10[%get3A_733, %get3A_734, %get3A_735] {strides = array<i32>} : memref<2x128x64xf32, #tpu.memory_space<vmem>>, vector<16xf32>,
      %get3A_737 = arith.constant 0 : i32
      %get3A_738 = arith.index_cast %get3A_737 : i32 to index
      %get3A_739 = arith.index_cast %add3A_715 : i32 to index
      %get3A_740 = arith.constant 48 : index
      %get3A_741 = tpu.vector_load %arg10[%get3A_738, %get3A_739, %get3A_740] {strides = array<i32>} : memref<2x128x64xf32, #tpu.memory_space<vmem>>, vector<16xf32>,
      %get3A_742 = arith.constant 0 : i32
      %get3A_743 = arith.index_cast %get3A_742 : i32 to index
      %get3A_744 = arith.index_cast %add3A_715 : i32 to index
      %get3A_745 = arith.constant 0 : index
      %get3A_746 = tpu.vector_load %arg11[%get3A_743, %get3A_744, %get3A_745] {strides = array<i32>} : memref<2x128x64xf32, #tpu.memory_space<vmem>>, vector<16xf32>,
      %get3A_747 = arith.constant 0 : i32
      %get3A_748 = arith.index_cast %get3A_747 : i32 to index
      %get3A_749 = arith.index_cast %add3A_715 : i32 to index
      %get3A_750 = arith.constant 16 : index
      %get3A_751 = tpu.vector_load %arg11[%get3A_748, %get3A_749, %get3A_750] {strides = array<i32>} : memref<2x128x64xf32, #tpu.memory_space<vmem>>, vector<16xf32>,
      %get3A_752 = arith.constant 0 : i32
      %get3A_753 = arith.index_cast %get3A_752 : i32 to index
      %get3A_754 = arith.index_cast %add3A_715 : i32 to index
      %get3A_755 = arith.constant 32 : index
      %get3A_756 = tpu.vector_load %arg11[%get3A_753, %get3A_754, %get3A_755] {strides = array<i32>} : memref<2x128x64xf32, #tpu.memory_space<vmem>>, vector<16xf32>,
      %get3A_757 = arith.constant 0 : i32
      %get3A_758 = arith.index_cast %get3A_757 : i32 to index
      %get3A_759 = arith.index_cast %add3A_715 : i32 to index
      %get3A_760 = arith.constant 48 : index
      %get3A_761 = tpu.vector_load %arg11[%get3A_758, %get3A_759, %get3A_760] {strides = array<i32>} : memref<2x128x64xf32, #tpu.memory_space<vmem>>, vector<16xf32>,
      %mul3A_762 = arith.mulf %get3A_726, %get3A_746 : vector<16xf32>
      %mul3A_763 = arith.mulf %get3A_731, %get3A_751 : vector<16xf32>
      %mul3A_764 = arith.mulf %get3A_736, %get3A_756 : vector<16xf32>
      %mul3A_765 = arith.mulf %get3A_741, %get3A_761 : vector<16xf32>
      %mul3A_766 = arith.mulf %get3A_726, %get3A_44 : vector<16xf32>
      %mul3A_767 = arith.mulf %get3A_731, %get3A_46 : vector<16xf32>
      %add3A_768 = arith.addf %mul3A_766, %mul3A_767 : vector<16xf32>
      %mul3A_769 = arith.mulf %get3A_736, %get3A_48 : vector<16xf32>
      %add3A_770 = arith.addf %add3A_768, %mul3A_769 : vector<16xf32>
      %mul3A_771 = arith.mulf %get3A_741, %get3A_50 : vector<16xf32>
      %add3A_772 = arith.addf %add3A_770, %mul3A_771 : vector<16xf32>
      %mul3A_773 = arith.mulf %get3A_746, %get3A_68 : vector<16xf32>
      %add3A_774 = arith.addf %add3A_772, %mul3A_773 : vector<16xf32>
      %mul3A_775 = arith.mulf %get3A_751, %get3A_70 : vector<16xf32>
      %add3A_776 = arith.addf %add3A_774, %mul3A_775 : vector<16xf32>
      %mul3A_777 = arith.mulf %get3A_756, %get3A_72 : vector<16xf32>
      %add3A_778 = arith.addf %add3A_776, %mul3A_777 : vector<16xf32>
      %mul3A_779 = arith.mulf %get3A_761, %get3A_74 : vector<16xf32>
      %add3A_780 = arith.addf %add3A_778, %mul3A_779 : vector<16xf32>
      %mul3A_781 = arith.mulf %mul3A_762, %get3A_92 : vector<16xf32>
      %add3A_782 = arith.addf %add3A_780, %mul3A_781 : vector<16xf32>
      %mul3A_783 = arith.mulf %mul3A_763, %get3A_94 : vector<16xf32>
      %add3A_784 = arith.addf %add3A_782, %mul3A_783 : vector<16xf32>
      %mul3A_785 = arith.mulf %mul3A_764, %get3A_96 : vector<16xf32>
      %add3A_786 = arith.addf %add3A_784, %mul3A_785 : vector<16xf32>
      %mul3A_787 = arith.mulf %mul3A_765, %get3A_98 : vector<16xf32>
      %add3A_788 = arith.addf %add3A_786, %mul3A_787 : vector<16xf32>
      %cumsum3A_789 = arith.constant true
      %cumsum3A_790 = vector.broadcast %cumsum3A_789 : i1 to vector<16xi1>
      %cumsum3A_791 = tpu.scan <sum>, %add3A_788 masked %cumsum3A_790 : vector<16xf32>, vector<16xi1> -> vector<16xf32>
      %broadcast_in_dim3A_792 = arith.constant 1 : i32
      %broadcast_in_dim3A_793 = vector.broadcast %broadcast_in_dim3A_792 : i32 to vector<16xi32>
      %add3A_794 = arith.constant 0 : i32
      %add3A_795 = arith.addi %add3A_794, %add3A_721 : i32
      %mul3A_796 = vector.broadcast %add3A_795 : i32 to vector<16xi32>
      %mul3A_797 = arith.muli %broadcast_in_dim3A_793, %mul3A_796 : vector<16xi32>
      tpu.vector_store_idx %arg13[%mul3A_797], %cumsum3A_791 masked %eq3A_43 : memref<1536xf32, #tpu.memory_space<vmem>>[vector<16xi32>], vector<16xf32>, vector<16xi1>
      %mul3A_798 = arith.mulf %get3A_726, %get3A_52 : vector<16xf32>
      %mul3A_799 = arith.mulf %get3A_731, %get3A_54 : vector<16xf32>
      %add3A_800 = arith.addf %mul3A_798, %mul3A_799 : vector<16xf32>
      %mul3A_801 = arith.mulf %get3A_736, %get3A_56 : vector<16xf32>
      %add3A_802 = arith.addf %add3A_800, %mul3A_801 : vector<16xf32>
      %mul3A_803 = arith.mulf %get3A_741, %get3A_58 : vector<16xf32>
      %add3A_804 = arith.addf %add3A_802, %mul3A_803 : vector<16xf32>
      %mul3A_805 = arith.mulf %get3A_746, %get3A_76 : vector<16xf32>
      %add3A_806 = arith.addf %add3A_804, %mul3A_805 : vector<16xf32>
      %mul3A_807 = arith.mulf %get3A_751, %get3A_78 : vector<16xf32>
      %add3A_808 = arith.addf %add3A_806, %mul3A_807 : vector<16xf32>
      %mul3A_809 = arith.mulf %get3A_756, %get3A_80 : vector<16xf32>
      %add3A_810 = arith.addf %add3A_808, %mul3A_809 : vector<16xf32>
      %mul3A_811 = arith.mulf %get3A_761, %get3A_82 : vector<16xf32>
      %add3A_812 = arith.addf %add3A_810, %mul3A_811 : vector<16xf32>
      %mul3A_813 = arith.mulf %mul3A_762, %get3A_100 : vector<16xf32>
      %add3A_814 = arith.addf %add3A_812, %mul3A_813 : vector<16xf32>
      %mul3A_815 = arith.mulf %mul3A_763, %get3A_102 : vector<16xf32>
      %add3A_816 = arith.addf %add3A_814, %mul3A_815 : vector<16xf32>
      %mul3A_817 = arith.mulf %mul3A_764, %get3A_104 : vector<16xf32>
      %add3A_818 = arith.addf %add3A_816, %mul3A_817 : vector<16xf32>
      %mul3A_819 = arith.mulf %mul3A_765, %get3A_106 : vector<16xf32>
      %add3A_820 = arith.addf %add3A_818, %mul3A_819 : vector<16xf32>
      %cumsum3A_821 = arith.constant true
      %cumsum3A_822 = vector.broadcast %cumsum3A_821 : i1 to vector<16xi1>
      %cumsum3A_823 = tpu.scan <sum>, %add3A_820 masked %cumsum3A_822 : vector<16xf32>, vector<16xi1> -> vector<16xf32>
      %broadcast_in_dim3A_824 = arith.constant 1 : i32
      %broadcast_in_dim3A_825 = vector.broadcast %broadcast_in_dim3A_824 : i32 to vector<16xi32>
      %add3A_826 = arith.constant 512 : i32
      %add3A_827 = arith.addi %add3A_826, %add3A_721 : i32
      %mul3A_828 = vector.broadcast %add3A_827 : i32 to vector<16xi32>
      %mul3A_829 = arith.muli %broadcast_in_dim3A_825, %mul3A_828 : vector<16xi32>
      tpu.vector_store_idx %arg13[%mul3A_829], %cumsum3A_823 masked %eq3A_43 : memref<1536xf32, #tpu.memory_space<vmem>>[vector<16xi32>], vector<16xf32>, vector<16xi1>
      %mul3A_830 = arith.mulf %get3A_726, %get3A_60 : vector<16xf32>
      %mul3A_831 = arith.mulf %get3A_731, %get3A_62 : vector<16xf32>
      %add3A_832 = arith.addf %mul3A_830, %mul3A_831 : vector<16xf32>
      %mul3A_833 = arith.mulf %get3A_736, %get3A_64 : vector<16xf32>
      %add3A_834 = arith.addf %add3A_832, %mul3A_833 : vector<16xf32>
      %mul3A_835 = arith.mulf %get3A_741, %get3A_66 : vector<16xf32>
      %add3A_836 = arith.addf %add3A_834, %mul3A_835 : vector<16xf32>
      %mul3A_837 = arith.mulf %get3A_746, %get3A_84 : vector<16xf32>
      %add3A_838 = arith.addf %add3A_836, %mul3A_837 : vector<16xf32>
      %mul3A_839 = arith.mulf %get3A_751, %get3A_86 : vector<16xf32>
      %add3A_840 = arith.addf %add3A_838, %mul3A_839 : vector<16xf32>
      %mul3A_841 = arith.mulf %get3A_756, %get3A_88 : vector<16xf32>
      %add3A_842 = arith.addf %add3A_840, %mul3A_841 : vector<16xf32>
      %mul3A_843 = arith.mulf %get3A_761, %get3A_90 : vector<16xf32>
      %add3A_844 = arith.addf %add3A_842, %mul3A_843 : vector<16xf32>
      %mul3A_845 = arith.mulf %mul3A_762, %get3A_108 : vector<16xf32>
      %add3A_846 = arith.addf %add3A_844, %mul3A_845 : vector<16xf32>
      %mul3A_847 = arith.mulf %mul3A_763, %get3A_110 : vector<16xf32>
      %add3A_848 = arith.addf %add3A_846, %mul3A_847 : vector<16xf32>
      %mul3A_849 = arith.mulf %mul3A_764, %get3A_112 : vector<16xf32>
      %add3A_850 = arith.addf %add3A_848, %mul3A_849 : vector<16xf32>
      %mul3A_851 = arith.mulf %mul3A_765, %get3A_114 : vector<16xf32>
      %add3A_852 = arith.addf %add3A_850, %mul3A_851 : vector<16xf32>
      %cumsum3A_853 = arith.constant true
      %cumsum3A_854 = vector.broadcast %cumsum3A_853 : i1 to vector<16xi1>
      %cumsum3A_855 = tpu.scan <sum>, %add3A_852 masked %cumsum3A_854 : vector<16xf32>, vector<16xi1> -> vector<16xf32>
      %broadcast_in_dim3A_856 = arith.constant 1 : i32
      %broadcast_in_dim3A_857 = vector.broadcast %broadcast_in_dim3A_856 : i32 to vector<16xi32>
      %add3A_858 = arith.constant 1024 : i32
      %add3A_859 = arith.addi %add3A_858, %add3A_721 : i32
      %mul3A_860 = vector.broadcast %add3A_859 : i32 to vector<16xi32>
      %mul3A_861 = arith.muli %broadcast_in_dim3A_857, %mul3A_860 : vector<16xi32>
      tpu.vector_store_idx %arg13[%mul3A_861], %cumsum3A_855 masked %eq3A_43 : memref<1536xf32, #tpu.memory_space<vmem>>[vector<16xi32>], vector<16xf32>, vector<16xi1>
    }
    %scan3A_230 = arith.constant 32 : i32
    %dma_wait3A_231 = arith.constant 1 : i32
    %dma_wait3A_232 = arith.constant 0 : i32
    %dma_wait3A_233 = arith.constant 0 : i32
    %dma_wait3A_234 = tpu.memref_slice %arg10[%dma_wait3A_231, %dma_wait3A_232, %dma_wait3A_233] : memref<2x128x64xf32, #tpu.memory_space<vmem>> -> memref<1x128x64xf32, #tpu.memory_space<vmem>>
    %dma_wait3A_235 = tpu.memref_squeeze %dma_wait3A_234 : memref<1x128x64xf32, #tpu.memory_space<vmem>> -> memref<128x64xf32, #tpu.memory_space<vmem>>
    %dma_wait3A_236 = arith.constant 384 : i32
    %dma_wait3A_237 = tpu.memref_slice %arg8[%dma_wait3A_236] : memref<512xi32, #tpu.memory_space<vmem>> -> memref<128xi32, #tpu.memory_space<vmem>>
    %dma_wait3A_238 = arith.constant 0 : i32
    %dma_wait3A_239 = arith.constant 0 : i32
    %dma_wait3A_240 = tpu.memref_slice %arg4[%dma_wait3A_238, %dma_wait3A_239] : memref<100000x64xf32, #tpu.memory_space<hbm>> -> memref<100000x64xf32, #tpu.memory_space<hbm>>
    tpu.wait_indirect_dma semaphore(%arg20 : memref<!tpu.dma_semaphore, #tpu.memory_space<semaphore_mem>>) src(%dma_wait3A_240 : memref<100000x64xf32, #tpu.memory_space<hbm>>) dst(%dma_wait3A_235 : memref<128x64xf32, #tpu.memory_space<vmem>>)
    %dma_wait3A_241 = arith.constant 1 : i32
    %dma_wait3A_242 = arith.constant 0 : i32
    %dma_wait3A_243 = arith.constant 0 : i32
    %dma_wait3A_244 = tpu.memref_slice %arg11[%dma_wait3A_241, %dma_wait3A_242, %dma_wait3A_243] : memref<2x128x64xf32, #tpu.memory_space<vmem>> -> memref<1x128x64xf32, #tpu.memory_space<vmem>>
    %dma_wait3A_245 = tpu.memref_squeeze %dma_wait3A_244 : memref<1x128x64xf32, #tpu.memory_space<vmem>> -> memref<128x64xf32, #tpu.memory_space<vmem>>
    %dma_wait3A_246 = arith.constant 384 : i32
    %dma_wait3A_247 = tpu.memref_slice %arg9[%dma_wait3A_246] : memref<512xi32, #tpu.memory_space<vmem>> -> memref<128xi32, #tpu.memory_space<vmem>>
    %dma_wait3A_248 = arith.constant 0 : i32
    %dma_wait3A_249 = arith.constant 0 : i32
    %dma_wait3A_250 = tpu.memref_slice %arg5[%dma_wait3A_248, %dma_wait3A_249] : memref<100000x64xf32, #tpu.memory_space<hbm>> -> memref<100000x64xf32, #tpu.memory_space<hbm>>
    tpu.wait_indirect_dma semaphore(%arg21 : memref<!tpu.dma_semaphore, #tpu.memory_space<semaphore_mem>>) src(%dma_wait3A_250 : memref<100000x64xf32, #tpu.memory_space<hbm>>) dst(%dma_wait3A_245 : memref<128x64xf32, #tpu.memory_space<vmem>>)
    %scan3A_251 = arith.constant 0 : i32
    %scan3A_252 = arith.constant 0 : i32
    %scan3A_253 = arith.constant 32 : i32
    %scan3A_254 = arith.addi %scan3A_252, %scan3A_253 : i32
    %scan3A_255 = arith.constant 1 : i32
    scf.for %scan3A_263 = %scan3A_252 to %scan3A_254 step %scan3A_255  : i32 {
      %mul3A_264 = arith.constant 4 : i32
      %mul3A_265 = arith.muli %scan3A_263, %mul3A_264 : i32
      %add3A_266 = arith.constant 0 : i32
      %add3A_267 = arith.addi %mul3A_265, %add3A_266 : i32
      %mul3A_268 = arith.constant 4 : i32
      %mul3A_269 = arith.muli %scan3A_263, %mul3A_268 : i32
      %add3A_270 = arith.constant 384 : i32
      %add3A_271 = arith.addi %add3A_270, %mul3A_269 : i32
      %add3A_272 = arith.constant 0 : i32
      %add3A_273 = arith.addi %add3A_271, %add3A_272 : i32
      %get3A_274 = arith.constant 1 : i32
      %get3A_275 = arith.index_cast %get3A_274 : i32 to index
      %get3A_276 = arith.index_cast %add3A_267 : i32 to index
      %get3A_277 = arith.constant 0 : index
      %get3A_278 = tpu.vector_load %arg10[%get3A_275, %get3A_276, %get3A_277] {strides = array<i32>} : memref<2x128x64xf32, #tpu.memory_space<vmem>>, vector<16xf32>,
      %get3A_279 = arith.constant 1 : i32
      %get3A_280 = arith.index_cast %get3A_279 : i32 to index
      %get3A_281 = arith.index_cast %add3A_267 : i32 to index
      %get3A_282 = arith.constant 16 : index
      %get3A_283 = tpu.vector_load %arg10[%get3A_280, %get3A_281, %get3A_282] {strides = array<i32>} : memref<2x128x64xf32, #tpu.memory_space<vmem>>, vector<16xf32>,
      %get3A_284 = arith.constant 1 : i32
      %get3A_285 = arith.index_cast %get3A_284 : i32 to index
      %get3A_286 = arith.index_cast %add3A_267 : i32 to index
      %get3A_287 = arith.constant 32 : index
      %get3A_288 = tpu.vector_load %arg10[%get3A_285, %get3A_286, %get3A_287] {strides = array<i32>} : memref<2x128x64xf32, #tpu.memory_space<vmem>>, vector<16xf32>,
      %get3A_289 = arith.constant 1 : i32
      %get3A_290 = arith.index_cast %get3A_289 : i32 to index
      %get3A_291 = arith.index_cast %add3A_267 : i32 to index
      %get3A_292 = arith.constant 48 : index
      %get3A_293 = tpu.vector_load %arg10[%get3A_290, %get3A_291, %get3A_292] {strides = array<i32>} : memref<2x128x64xf32, #tpu.memory_space<vmem>>, vector<16xf32>,
      %get3A_294 = arith.constant 1 : i32
      %get3A_295 = arith.index_cast %get3A_294 : i32 to index
      %get3A_296 = arith.index_cast %add3A_267 : i32 to index
      %get3A_297 = arith.constant 0 : index
      %get3A_298 = tpu.vector_load %arg11[%get3A_295, %get3A_296, %get3A_297] {strides = array<i32>} : memref<2x128x64xf32, #tpu.memory_space<vmem>>, vector<16xf32>,
      %get3A_299 = arith.constant 1 : i32
      %get3A_300 = arith.index_cast %get3A_299 : i32 to index
      %get3A_301 = arith.index_cast %add3A_267 : i32 to index
      %get3A_302 = arith.constant 16 : index
      %get3A_303 = tpu.vector_load %arg11[%get3A_300, %get3A_301, %get3A_302] {strides = array<i32>} : memref<2x128x64xf32, #tpu.memory_space<vmem>>, vector<16xf32>,
      %get3A_304 = arith.constant 1 : i32
      %get3A_305 = arith.index_cast %get3A_304 : i32 to index
      %get3A_306 = arith.index_cast %add3A_267 : i32 to index
      %get3A_307 = arith.constant 32 : index
      %get3A_308 = tpu.vector_load %arg11[%get3A_305, %get3A_306, %get3A_307] {strides = array<i32>} : memref<2x128x64xf32, #tpu.memory_space<vmem>>, vector<16xf32>,
      %get3A_309 = arith.constant 1 : i32
      %get3A_310 = arith.index_cast %get3A_309 : i32 to index
      %get3A_311 = arith.index_cast %add3A_267 : i32 to index
      %get3A_312 = arith.constant 48 : index
      %get3A_313 = tpu.vector_load %arg11[%get3A_310, %get3A_311, %get3A_312] {strides = array<i32>} : memref<2x128x64xf32, #tpu.memory_space<vmem>>, vector<16xf32>,
      %mul3A_314 = arith.mulf %get3A_278, %get3A_298 : vector<16xf32>
      %mul3A_315 = arith.mulf %get3A_283, %get3A_303 : vector<16xf32>
      %mul3A_316 = arith.mulf %get3A_288, %get3A_308 : vector<16xf32>
      %mul3A_317 = arith.mulf %get3A_293, %get3A_313 : vector<16xf32>
      %mul3A_318 = arith.mulf %get3A_278, %get3A_44 : vector<16xf32>
      %mul3A_319 = arith.mulf %get3A_283, %get3A_46 : vector<16xf32>
      %add3A_320 = arith.addf %mul3A_318, %mul3A_319 : vector<16xf32>
      %mul3A_321 = arith.mulf %get3A_288, %get3A_48 : vector<16xf32>
      %add3A_322 = arith.addf %add3A_320, %mul3A_321 : vector<16xf32>
      %mul3A_323 = arith.mulf %get3A_293, %get3A_50 : vector<16xf32>
      %add3A_324 = arith.addf %add3A_322, %mul3A_323 : vector<16xf32>
      %mul3A_325 = arith.mulf %get3A_298, %get3A_68 : vector<16xf32>
      %add3A_326 = arith.addf %add3A_324, %mul3A_325 : vector<16xf32>
      %mul3A_327 = arith.mulf %get3A_303, %get3A_70 : vector<16xf32>
      %add3A_328 = arith.addf %add3A_326, %mul3A_327 : vector<16xf32>
      %mul3A_329 = arith.mulf %get3A_308, %get3A_72 : vector<16xf32>
      %add3A_330 = arith.addf %add3A_328, %mul3A_329 : vector<16xf32>
      %mul3A_331 = arith.mulf %get3A_313, %get3A_74 : vector<16xf32>
      %add3A_332 = arith.addf %add3A_330, %mul3A_331 : vector<16xf32>
      %mul3A_333 = arith.mulf %mul3A_314, %get3A_92 : vector<16xf32>
      %add3A_334 = arith.addf %add3A_332, %mul3A_333 : vector<16xf32>
      %mul3A_335 = arith.mulf %mul3A_315, %get3A_94 : vector<16xf32>
      %add3A_336 = arith.addf %add3A_334, %mul3A_335 : vector<16xf32>
      %mul3A_337 = arith.mulf %mul3A_316, %get3A_96 : vector<16xf32>
      %add3A_338 = arith.addf %add3A_336, %mul3A_337 : vector<16xf32>
      %mul3A_339 = arith.mulf %mul3A_317, %get3A_98 : vector<16xf32>
      %add3A_340 = arith.addf %add3A_338, %mul3A_339 : vector<16xf32>
      %cumsum3A = arith.constant true
      %cumsum3A_341 = vector.broadcast %cumsum3A : i1 to vector<16xi1>
      %cumsum3A_342 = tpu.scan <sum>, %add3A_340 masked %cumsum3A_341 : vector<16xf32>, vector<16xi1> -> vector<16xf32>
      %broadcast_in_dim3A = arith.constant 1 : i32
      %broadcast_in_dim3A_343 = vector.broadcast %broadcast_in_dim3A : i32 to vector<16xi32>
      %add3A_344 = arith.constant 0 : i32
      %add3A_345 = arith.addi %add3A_344, %add3A_273 : i32
      %mul3A_346 = vector.broadcast %add3A_345 : i32 to vector<16xi32>
      %mul3A_347 = arith.muli %broadcast_in_dim3A_343, %mul3A_346 : vector<16xi32>
      tpu.vector_store_idx %arg13[%mul3A_347], %cumsum3A_342 masked %eq3A_43 : memref<1536xf32, #tpu.memory_space<vmem>>[vector<16xi32>], vector<16xf32>, vector<16xi1>
      %mul3A_348 = arith.mulf %get3A_278, %get3A_52 : vector<16xf32>
      %mul3A_349 = arith.mulf %get3A_283, %get3A_54 : vector<16xf32>
      %add3A_350 = arith.addf %mul3A_348, %mul3A_349 : vector<16xf32>
      %mul3A_351 = arith.mulf %get3A_288, %get3A_56 : vector<16xf32>
      %add3A_352 = arith.addf %add3A_350, %mul3A_351 : vector<16xf32>
      %mul3A_353 = arith.mulf %get3A_293, %get3A_58 : vector<16xf32>
      %add3A_354 = arith.addf %add3A_352, %mul3A_353 : vector<16xf32>
      %mul3A_355 = arith.mulf %get3A_298, %get3A_76 : vector<16xf32>
      %add3A_356 = arith.addf %add3A_354, %mul3A_355 : vector<16xf32>
      %mul3A_357 = arith.mulf %get3A_303, %get3A_78 : vector<16xf32>
      %add3A_358 = arith.addf %add3A_356, %mul3A_357 : vector<16xf32>
      %mul3A_359 = arith.mulf %get3A_308, %get3A_80 : vector<16xf32>
      %add3A_360 = arith.addf %add3A_358, %mul3A_359 : vector<16xf32>
      %mul3A_361 = arith.mulf %get3A_313, %get3A_82 : vector<16xf32>
      %add3A_362 = arith.addf %add3A_360, %mul3A_361 : vector<16xf32>
      %mul3A_363 = arith.mulf %mul3A_314, %get3A_100 : vector<16xf32>
      %add3A_364 = arith.addf %add3A_362, %mul3A_363 : vector<16xf32>
      %mul3A_365 = arith.mulf %mul3A_315, %get3A_102 : vector<16xf32>
      %add3A_366 = arith.addf %add3A_364, %mul3A_365 : vector<16xf32>
      %mul3A_367 = arith.mulf %mul3A_316, %get3A_104 : vector<16xf32>
      %add3A_368 = arith.addf %add3A_366, %mul3A_367 : vector<16xf32>
      %mul3A_369 = arith.mulf %mul3A_317, %get3A_106 : vector<16xf32>
      %add3A_370 = arith.addf %add3A_368, %mul3A_369 : vector<16xf32>
      %cumsum3A_371 = arith.constant true
      %cumsum3A_372 = vector.broadcast %cumsum3A_371 : i1 to vector<16xi1>
      %cumsum3A_373 = tpu.scan <sum>, %add3A_370 masked %cumsum3A_372 : vector<16xf32>, vector<16xi1> -> vector<16xf32>
      %broadcast_in_dim3A_374 = arith.constant 1 : i32
      %broadcast_in_dim3A_375 = vector.broadcast %broadcast_in_dim3A_374 : i32 to vector<16xi32>
      %add3A_376 = arith.constant 512 : i32
      %add3A_377 = arith.addi %add3A_376, %add3A_273 : i32
      %mul3A_378 = vector.broadcast %add3A_377 : i32 to vector<16xi32>
      %mul3A_379 = arith.muli %broadcast_in_dim3A_375, %mul3A_378 : vector<16xi32>
      tpu.vector_store_idx %arg13[%mul3A_379], %cumsum3A_373 masked %eq3A_43 : memref<1536xf32, #tpu.memory_space<vmem>>[vector<16xi32>], vector<16xf32>, vector<16xi1>
      %mul3A_380 = arith.mulf %get3A_278, %get3A_60 : vector<16xf32>
      %mul3A_381 = arith.mulf %get3A_283, %get3A_62 : vector<16xf32>
      %add3A_382 = arith.addf %mul3A_380, %mul3A_381 : vector<16xf32>
      %mul3A_383 = arith.mulf %get3A_288, %get3A_64 : vector<16xf32>
      %add3A_384 = arith.addf %add3A_382, %mul3A_383 : vector<16xf32>
      %mul3A_385 = arith.mulf %get3A_293, %get3A_66 : vector<16xf32>
      %add3A_386 = arith.addf %add3A_384, %mul3A_385 : vector<16xf32>
      %mul3A_387 = arith.mulf %get3A_298, %get3A_84 : vector<16xf32>
      %add3A_388 = arith.addf %add3A_386, %mul3A_387 : vector<16xf32>
      %mul3A_389 = arith.mulf %get3A_303, %get3A_86 : vector<16xf32>
      %add3A_390 = arith.addf %add3A_388, %mul3A_389 : vector<16xf32>
      %mul3A_391 = arith.mulf %get3A_308, %get3A_88 : vector<16xf32>
      %add3A_392 = arith.addf %add3A_390, %mul3A_391 : vector<16xf32>
      %mul3A_393 = arith.mulf %get3A_313, %get3A_90 : vector<16xf32>
      %add3A_394 = arith.addf %add3A_392, %mul3A_393 : vector<16xf32>
      %mul3A_395 = arith.mulf %mul3A_314, %get3A_108 : vector<16xf32>
      %add3A_396 = arith.addf %add3A_394, %mul3A_395 : vector<16xf32>
      %mul3A_397 = arith.mulf %mul3A_315, %get3A_110 : vector<16xf32>
      %add3A_398 = arith.addf %add3A_396, %mul3A_397 : vector<16xf32>
      %mul3A_399 = arith.mulf %mul3A_316, %get3A_112 : vector<16xf32>
      %add3A_400 = arith.addf %add3A_398, %mul3A_399 : vector<16xf32>
      %mul3A_401 = arith.mulf %mul3A_317, %get3A_114 : vector<16xf32>
      %add3A_402 = arith.addf %add3A_400, %mul3A_401 : vector<16xf32>
      %cumsum3A_403 = arith.constant true
      %cumsum3A_404 = vector.broadcast %cumsum3A_403 : i1 to vector<16xi1>
      %cumsum3A_405 = tpu.scan <sum>, %add3A_402 masked %cumsum3A_404 : vector<16xf32>, vector<16xi1> -> vector<16xf32>
      %broadcast_in_dim3A_406 = arith.constant 1 : i32
      %broadcast_in_dim3A_407 = vector.broadcast %broadcast_in_dim3A_406 : i32 to vector<16xi32>
      %add3A_408 = arith.constant 1024 : i32
      %add3A_409 = arith.addi %add3A_408, %add3A_273 : i32
      %mul3A_410 = vector.broadcast %add3A_409 : i32 to vector<16xi32>
      %mul3A_411 = arith.muli %broadcast_in_dim3A_407, %mul3A_410 : vector<16xi32>
      tpu.vector_store_idx %arg13[%mul3A_411], %cumsum3A_405 masked %eq3A_43 : memref<1536xf32, #tpu.memory_space<vmem>>[vector<16xi32>], vector<16xf32>, vector<16xi1>
      %mul3A_412 = arith.constant 4 : i32
      %mul3A_413 = arith.muli %scan3A_263, %mul3A_412 : i32
      %add3A_414 = arith.constant 1 : i32
      %add3A_415 = arith.addi %mul3A_413, %add3A_414 : i32
      %mul3A_416 = arith.constant 4 : i32
      %mul3A_417 = arith.muli %scan3A_263, %mul3A_416 : i32
      %add3A_418 = arith.constant 384 : i32
      %add3A_419 = arith.addi %add3A_418, %mul3A_417 : i32
      %add3A_420 = arith.constant 1 : i32
      %add3A_421 = arith.addi %add3A_419, %add3A_420 : i32
      %get3A_422 = arith.constant 1 : i32
      %get3A_423 = arith.index_cast %get3A_422 : i32 to index
      %get3A_424 = arith.index_cast %add3A_415 : i32 to index
      %get3A_425 = arith.constant 0 : index
      %get3A_426 = tpu.vector_load %arg10[%get3A_423, %get3A_424, %get3A_425] {strides = array<i32>} : memref<2x128x64xf32, #tpu.memory_space<vmem>>, vector<16xf32>,
      %get3A_427 = arith.constant 1 : i32
      %get3A_428 = arith.index_cast %get3A_427 : i32 to index
      %get3A_429 = arith.index_cast %add3A_415 : i32 to index
      %get3A_430 = arith.constant 16 : index
      %get3A_431 = tpu.vector_load %arg10[%get3A_428, %get3A_429, %get3A_430] {strides = array<i32>} : memref<2x128x64xf32, #tpu.memory_space<vmem>>, vector<16xf32>,
      %get3A_432 = arith.constant 1 : i32
      %get3A_433 = arith.index_cast %get3A_432 : i32 to index
      %get3A_434 = arith.index_cast %add3A_415 : i32 to index
      %get3A_435 = arith.constant 32 : index
      %get3A_436 = tpu.vector_load %arg10[%get3A_433, %get3A_434, %get3A_435] {strides = array<i32>} : memref<2x128x64xf32, #tpu.memory_space<vmem>>, vector<16xf32>,
      %get3A_437 = arith.constant 1 : i32
      %get3A_438 = arith.index_cast %get3A_437 : i32 to index
      %get3A_439 = arith.index_cast %add3A_415 : i32 to index
      %get3A_440 = arith.constant 48 : index
      %get3A_441 = tpu.vector_load %arg10[%get3A_438, %get3A_439, %get3A_440] {strides = array<i32>} : memref<2x128x64xf32, #tpu.memory_space<vmem>>, vector<16xf32>,
      %get3A_442 = arith.constant 1 : i32
      %get3A_443 = arith.index_cast %get3A_442 : i32 to index
      %get3A_444 = arith.index_cast %add3A_415 : i32 to index
      %get3A_445 = arith.constant 0 : index
      %get3A_446 = tpu.vector_load %arg11[%get3A_443, %get3A_444, %get3A_445] {strides = array<i32>} : memref<2x128x64xf32, #tpu.memory_space<vmem>>, vector<16xf32>,
      %get3A_447 = arith.constant 1 : i32
      %get3A_448 = arith.index_cast %get3A_447 : i32 to index
      %get3A_449 = arith.index_cast %add3A_415 : i32 to index
      %get3A_450 = arith.constant 16 : index
      %get3A_451 = tpu.vector_load %arg11[%get3A_448, %get3A_449, %get3A_450] {strides = array<i32>} : memref<2x128x64xf32, #tpu.memory_space<vmem>>, vector<16xf32>,
      %get3A_452 = arith.constant 1 : i32
      %get3A_453 = arith.index_cast %get3A_452 : i32 to index
      %get3A_454 = arith.index_cast %add3A_415 : i32 to index
      %get3A_455 = arith.constant 32 : index
      %get3A_456 = tpu.vector_load %arg11[%get3A_453, %get3A_454, %get3A_455] {strides = array<i32>} : memref<2x128x64xf32, #tpu.memory_space<vmem>>, vector<16xf32>,
      %get3A_457 = arith.constant 1 : i32
      %get3A_458 = arith.index_cast %get3A_457 : i32 to index
      %get3A_459 = arith.index_cast %add3A_415 : i32 to index
      %get3A_460 = arith.constant 48 : index
      %get3A_461 = tpu.vector_load %arg11[%get3A_458, %get3A_459, %get3A_460] {strides = array<i32>} : memref<2x128x64xf32, #tpu.memory_space<vmem>>, vector<16xf32>,
      %mul3A_462 = arith.mulf %get3A_426, %get3A_446 : vector<16xf32>
      %mul3A_463 = arith.mulf %get3A_431, %get3A_451 : vector<16xf32>
      %mul3A_464 = arith.mulf %get3A_436, %get3A_456 : vector<16xf32>
      %mul3A_465 = arith.mulf %get3A_441, %get3A_461 : vector<16xf32>
      %mul3A_466 = arith.mulf %get3A_426, %get3A_44 : vector<16xf32>
      %mul3A_467 = arith.mulf %get3A_431, %get3A_46 : vector<16xf32>
      %add3A_468 = arith.addf %mul3A_466, %mul3A_467 : vector<16xf32>
      %mul3A_469 = arith.mulf %get3A_436, %get3A_48 : vector<16xf32>
      %add3A_470 = arith.addf %add3A_468, %mul3A_469 : vector<16xf32>
      %mul3A_471 = arith.mulf %get3A_441, %get3A_50 : vector<16xf32>
      %add3A_472 = arith.addf %add3A_470, %mul3A_471 : vector<16xf32>
      %mul3A_473 = arith.mulf %get3A_446, %get3A_68 : vector<16xf32>
      %add3A_474 = arith.addf %add3A_472, %mul3A_473 : vector<16xf32>
      %mul3A_475 = arith.mulf %get3A_451, %get3A_70 : vector<16xf32>
      %add3A_476 = arith.addf %add3A_474, %mul3A_475 : vector<16xf32>
      %mul3A_477 = arith.mulf %get3A_456, %get3A_72 : vector<16xf32>
      %add3A_478 = arith.addf %add3A_476, %mul3A_477 : vector<16xf32>
      %mul3A_479 = arith.mulf %get3A_461, %get3A_74 : vector<16xf32>
      %add3A_480 = arith.addf %add3A_478, %mul3A_479 : vector<16xf32>
      %mul3A_481 = arith.mulf %mul3A_462, %get3A_92 : vector<16xf32>
      %add3A_482 = arith.addf %add3A_480, %mul3A_481 : vector<16xf32>
      %mul3A_483 = arith.mulf %mul3A_463, %get3A_94 : vector<16xf32>
      %add3A_484 = arith.addf %add3A_482, %mul3A_483 : vector<16xf32>
      %mul3A_485 = arith.mulf %mul3A_464, %get3A_96 : vector<16xf32>
      %add3A_486 = arith.addf %add3A_484, %mul3A_485 : vector<16xf32>
      %mul3A_487 = arith.mulf %mul3A_465, %get3A_98 : vector<16xf32>
      %add3A_488 = arith.addf %add3A_486, %mul3A_487 : vector<16xf32>
      %cumsum3A_489 = arith.constant true
      %cumsum3A_490 = vector.broadcast %cumsum3A_489 : i1 to vector<16xi1>
      %cumsum3A_491 = tpu.scan <sum>, %add3A_488 masked %cumsum3A_490 : vector<16xf32>, vector<16xi1> -> vector<16xf32>
      %broadcast_in_dim3A_492 = arith.constant 1 : i32
      %broadcast_in_dim3A_493 = vector.broadcast %broadcast_in_dim3A_492 : i32 to vector<16xi32>
      %add3A_494 = arith.constant 0 : i32
      %add3A_495 = arith.addi %add3A_494, %add3A_421 : i32
      %mul3A_496 = vector.broadcast %add3A_495 : i32 to vector<16xi32>
      %mul3A_497 = arith.muli %broadcast_in_dim3A_493, %mul3A_496 : vector<16xi32>
      tpu.vector_store_idx %arg13[%mul3A_497], %cumsum3A_491 masked %eq3A_43 : memref<1536xf32, #tpu.memory_space<vmem>>[vector<16xi32>], vector<16xf32>, vector<16xi1>
      %mul3A_498 = arith.mulf %get3A_426, %get3A_52 : vector<16xf32>
      %mul3A_499 = arith.mulf %get3A_431, %get3A_54 : vector<16xf32>
      %add3A_500 = arith.addf %mul3A_498, %mul3A_499 : vector<16xf32>
      %mul3A_501 = arith.mulf %get3A_436, %get3A_56 : vector<16xf32>
      %add3A_502 = arith.addf %add3A_500, %mul3A_501 : vector<16xf32>
      %mul3A_503 = arith.mulf %get3A_441, %get3A_58 : vector<16xf32>
      %add3A_504 = arith.addf %add3A_502, %mul3A_503 : vector<16xf32>
      %mul3A_505 = arith.mulf %get3A_446, %get3A_76 : vector<16xf32>
      %add3A_506 = arith.addf %add3A_504, %mul3A_505 : vector<16xf32>
      %mul3A_507 = arith.mulf %get3A_451, %get3A_78 : vector<16xf32>
      %add3A_508 = arith.addf %add3A_506, %mul3A_507 : vector<16xf32>
      %mul3A_509 = arith.mulf %get3A_456, %get3A_80 : vector<16xf32>
      %add3A_510 = arith.addf %add3A_508, %mul3A_509 : vector<16xf32>
      %mul3A_511 = arith.mulf %get3A_461, %get3A_82 : vector<16xf32>
      %add3A_512 = arith.addf %add3A_510, %mul3A_511 : vector<16xf32>
      %mul3A_513 = arith.mulf %mul3A_462, %get3A_100 : vector<16xf32>
      %add3A_514 = arith.addf %add3A_512, %mul3A_513 : vector<16xf32>
      %mul3A_515 = arith.mulf %mul3A_463, %get3A_102 : vector<16xf32>
      %add3A_516 = arith.addf %add3A_514, %mul3A_515 : vector<16xf32>
      %mul3A_517 = arith.mulf %mul3A_464, %get3A_104 : vector<16xf32>
      %add3A_518 = arith.addf %add3A_516, %mul3A_517 : vector<16xf32>
      %mul3A_519 = arith.mulf %mul3A_465, %get3A_106 : vector<16xf32>
      %add3A_520 = arith.addf %add3A_518, %mul3A_519 : vector<16xf32>
      %cumsum3A_521 = arith.constant true
      %cumsum3A_522 = vector.broadcast %cumsum3A_521 : i1 to vector<16xi1>
      %cumsum3A_523 = tpu.scan <sum>, %add3A_520 masked %cumsum3A_522 : vector<16xf32>, vector<16xi1> -> vector<16xf32>
      %broadcast_in_dim3A_524 = arith.constant 1 : i32
      %broadcast_in_dim3A_525 = vector.broadcast %broadcast_in_dim3A_524 : i32 to vector<16xi32>
      %add3A_526 = arith.constant 512 : i32
      %add3A_527 = arith.addi %add3A_526, %add3A_421 : i32
      %mul3A_528 = vector.broadcast %add3A_527 : i32 to vector<16xi32>
      %mul3A_529 = arith.muli %broadcast_in_dim3A_525, %mul3A_528 : vector<16xi32>
      tpu.vector_store_idx %arg13[%mul3A_529], %cumsum3A_523 masked %eq3A_43 : memref<1536xf32, #tpu.memory_space<vmem>>[vector<16xi32>], vector<16xf32>, vector<16xi1>
      %mul3A_530 = arith.mulf %get3A_426, %get3A_60 : vector<16xf32>
      %mul3A_531 = arith.mulf %get3A_431, %get3A_62 : vector<16xf32>
      %add3A_532 = arith.addf %mul3A_530, %mul3A_531 : vector<16xf32>
      %mul3A_533 = arith.mulf %get3A_436, %get3A_64 : vector<16xf32>
      %add3A_534 = arith.addf %add3A_532, %mul3A_533 : vector<16xf32>
      %mul3A_535 = arith.mulf %get3A_441, %get3A_66 : vector<16xf32>
      %add3A_536 = arith.addf %add3A_534, %mul3A_535 : vector<16xf32>
      %mul3A_537 = arith.mulf %get3A_446, %get3A_84 : vector<16xf32>
      %add3A_538 = arith.addf %add3A_536, %mul3A_537 : vector<16xf32>
      %mul3A_539 = arith.mulf %get3A_451, %get3A_86 : vector<16xf32>
      %add3A_540 = arith.addf %add3A_538, %mul3A_539 : vector<16xf32>
      %mul3A_541 = arith.mulf %get3A_456, %get3A_88 : vector<16xf32>
      %add3A_542 = arith.addf %add3A_540, %mul3A_541 : vector<16xf32>
      %mul3A_543 = arith.mulf %get3A_461, %get3A_90 : vector<16xf32>
      %add3A_544 = arith.addf %add3A_542, %mul3A_543 : vector<16xf32>
      %mul3A_545 = arith.mulf %mul3A_462, %get3A_108 : vector<16xf32>
      %add3A_546 = arith.addf %add3A_544, %mul3A_545 : vector<16xf32>
      %mul3A_547 = arith.mulf %mul3A_463, %get3A_110 : vector<16xf32>
      %add3A_548 = arith.addf %add3A_546, %mul3A_547 : vector<16xf32>
      %mul3A_549 = arith.mulf %mul3A_464, %get3A_112 : vector<16xf32>
      %add3A_550 = arith.addf %add3A_548, %mul3A_549 : vector<16xf32>
      %mul3A_551 = arith.mulf %mul3A_465, %get3A_114 : vector<16xf32>
      %add3A_552 = arith.addf %add3A_550, %mul3A_551 : vector<16xf32>
      %cumsum3A_553 = arith.constant true
      %cumsum3A_554 = vector.broadcast %cumsum3A_553 : i1 to vector<16xi1>
      %cumsum3A_555 = tpu.scan <sum>, %add3A_552 masked %cumsum3A_554 : vector<16xf32>, vector<16xi1> -> vector<16xf32>
      %broadcast_in_dim3A_556 = arith.constant 1 : i32
      %broadcast_in_dim3A_557 = vector.broadcast %broadcast_in_dim3A_556 : i32 to vector<16xi32>
      %add3A_558 = arith.constant 1024 : i32
      %add3A_559 = arith.addi %add3A_558, %add3A_421 : i32
      %mul3A_560 = vector.broadcast %add3A_559 : i32 to vector<16xi32>
      %mul3A_561 = arith.muli %broadcast_in_dim3A_557, %mul3A_560 : vector<16xi32>
      tpu.vector_store_idx %arg13[%mul3A_561], %cumsum3A_555 masked %eq3A_43 : memref<1536xf32, #tpu.memory_space<vmem>>[vector<16xi32>], vector<16xf32>, vector<16xi1>
      %mul3A_562 = arith.constant 4 : i32
      %mul3A_563 = arith.muli %scan3A_263, %mul3A_562 : i32
      %add3A_564 = arith.constant 2 : i32
      %add3A_565 = arith.addi %mul3A_563, %add3A_564 : i32
      %mul3A_566 = arith.constant 4 : i32
      %mul3A_567 = arith.muli %scan3A_263, %mul3A_566 : i32
      %add3A_568 = arith.constant 384 : i32
      %add3A_569 = arith.addi %add3A_568, %mul3A_567 : i32
      %add3A_570 = arith.constant 2 : i32
      %add3A_571 = arith.addi %add3A_569, %add3A_570 : i32
      %get3A_572 = arith.constant 1 : i32
      %get3A_573 = arith.index_cast %get3A_572 : i32 to index
      %get3A_574 = arith.index_cast %add3A_565 : i32 to index
      %get3A_575 = arith.constant 0 : index
      %get3A_576 = tpu.vector_load %arg10[%get3A_573, %get3A_574, %get3A_575] {strides = array<i32>} : memref<2x128x64xf32, #tpu.memory_space<vmem>>, vector<16xf32>,
      %get3A_577 = arith.constant 1 : i32
      %get3A_578 = arith.index_cast %get3A_577 : i32 to index
      %get3A_579 = arith.index_cast %add3A_565 : i32 to index
      %get3A_580 = arith.constant 16 : index
      %get3A_581 = tpu.vector_load %arg10[%get3A_578, %get3A_579, %get3A_580] {strides = array<i32>} : memref<2x128x64xf32, #tpu.memory_space<vmem>>, vector<16xf32>,
      %get3A_582 = arith.constant 1 : i32
      %get3A_583 = arith.index_cast %get3A_582 : i32 to index
      %get3A_584 = arith.index_cast %add3A_565 : i32 to index
      %get3A_585 = arith.constant 32 : index
      %get3A_586 = tpu.vector_load %arg10[%get3A_583, %get3A_584, %get3A_585] {strides = array<i32>} : memref<2x128x64xf32, #tpu.memory_space<vmem>>, vector<16xf32>,
      %get3A_587 = arith.constant 1 : i32
      %get3A_588 = arith.index_cast %get3A_587 : i32 to index
      %get3A_589 = arith.index_cast %add3A_565 : i32 to index
      %get3A_590 = arith.constant 48 : index
      %get3A_591 = tpu.vector_load %arg10[%get3A_588, %get3A_589, %get3A_590] {strides = array<i32>} : memref<2x128x64xf32, #tpu.memory_space<vmem>>, vector<16xf32>,
      %get3A_592 = arith.constant 1 : i32
      %get3A_593 = arith.index_cast %get3A_592 : i32 to index
      %get3A_594 = arith.index_cast %add3A_565 : i32 to index
      %get3A_595 = arith.constant 0 : index
      %get3A_596 = tpu.vector_load %arg11[%get3A_593, %get3A_594, %get3A_595] {strides = array<i32>} : memref<2x128x64xf32, #tpu.memory_space<vmem>>, vector<16xf32>,
      %get3A_597 = arith.constant 1 : i32
      %get3A_598 = arith.index_cast %get3A_597 : i32 to index
      %get3A_599 = arith.index_cast %add3A_565 : i32 to index
      %get3A_600 = arith.constant 16 : index
      %get3A_601 = tpu.vector_load %arg11[%get3A_598, %get3A_599, %get3A_600] {strides = array<i32>} : memref<2x128x64xf32, #tpu.memory_space<vmem>>, vector<16xf32>,
      %get3A_602 = arith.constant 1 : i32
      %get3A_603 = arith.index_cast %get3A_602 : i32 to index
      %get3A_604 = arith.index_cast %add3A_565 : i32 to index
      %get3A_605 = arith.constant 32 : index
      %get3A_606 = tpu.vector_load %arg11[%get3A_603, %get3A_604, %get3A_605] {strides = array<i32>} : memref<2x128x64xf32, #tpu.memory_space<vmem>>, vector<16xf32>,
      %get3A_607 = arith.constant 1 : i32
      %get3A_608 = arith.index_cast %get3A_607 : i32 to index
      %get3A_609 = arith.index_cast %add3A_565 : i32 to index
      %get3A_610 = arith.constant 48 : index
      %get3A_611 = tpu.vector_load %arg11[%get3A_608, %get3A_609, %get3A_610] {strides = array<i32>} : memref<2x128x64xf32, #tpu.memory_space<vmem>>, vector<16xf32>,
      %mul3A_612 = arith.mulf %get3A_576, %get3A_596 : vector<16xf32>
      %mul3A_613 = arith.mulf %get3A_581, %get3A_601 : vector<16xf32>
      %mul3A_614 = arith.mulf %get3A_586, %get3A_606 : vector<16xf32>
      %mul3A_615 = arith.mulf %get3A_591, %get3A_611 : vector<16xf32>
      %mul3A_616 = arith.mulf %get3A_576, %get3A_44 : vector<16xf32>
      %mul3A_617 = arith.mulf %get3A_581, %get3A_46 : vector<16xf32>
      %add3A_618 = arith.addf %mul3A_616, %mul3A_617 : vector<16xf32>
      %mul3A_619 = arith.mulf %get3A_586, %get3A_48 : vector<16xf32>
      %add3A_620 = arith.addf %add3A_618, %mul3A_619 : vector<16xf32>
      %mul3A_621 = arith.mulf %get3A_591, %get3A_50 : vector<16xf32>
      %add3A_622 = arith.addf %add3A_620, %mul3A_621 : vector<16xf32>
      %mul3A_623 = arith.mulf %get3A_596, %get3A_68 : vector<16xf32>
      %add3A_624 = arith.addf %add3A_622, %mul3A_623 : vector<16xf32>
      %mul3A_625 = arith.mulf %get3A_601, %get3A_70 : vector<16xf32>
      %add3A_626 = arith.addf %add3A_624, %mul3A_625 : vector<16xf32>
      %mul3A_627 = arith.mulf %get3A_606, %get3A_72 : vector<16xf32>
      %add3A_628 = arith.addf %add3A_626, %mul3A_627 : vector<16xf32>
      %mul3A_629 = arith.mulf %get3A_611, %get3A_74 : vector<16xf32>
      %add3A_630 = arith.addf %add3A_628, %mul3A_629 : vector<16xf32>
      %mul3A_631 = arith.mulf %mul3A_612, %get3A_92 : vector<16xf32>
      %add3A_632 = arith.addf %add3A_630, %mul3A_631 : vector<16xf32>
      %mul3A_633 = arith.mulf %mul3A_613, %get3A_94 : vector<16xf32>
      %add3A_634 = arith.addf %add3A_632, %mul3A_633 : vector<16xf32>
      %mul3A_635 = arith.mulf %mul3A_614, %get3A_96 : vector<16xf32>
      %add3A_636 = arith.addf %add3A_634, %mul3A_635 : vector<16xf32>
      %mul3A_637 = arith.mulf %mul3A_615, %get3A_98 : vector<16xf32>
      %add3A_638 = arith.addf %add3A_636, %mul3A_637 : vector<16xf32>
      %cumsum3A_639 = arith.constant true
      %cumsum3A_640 = vector.broadcast %cumsum3A_639 : i1 to vector<16xi1>
      %cumsum3A_641 = tpu.scan <sum>, %add3A_638 masked %cumsum3A_640 : vector<16xf32>, vector<16xi1> -> vector<16xf32>
      %broadcast_in_dim3A_642 = arith.constant 1 : i32
      %broadcast_in_dim3A_643 = vector.broadcast %broadcast_in_dim3A_642 : i32 to vector<16xi32>
      %add3A_644 = arith.constant 0 : i32
      %add3A_645 = arith.addi %add3A_644, %add3A_571 : i32
      %mul3A_646 = vector.broadcast %add3A_645 : i32 to vector<16xi32>
      %mul3A_647 = arith.muli %broadcast_in_dim3A_643, %mul3A_646 : vector<16xi32>
      tpu.vector_store_idx %arg13[%mul3A_647], %cumsum3A_641 masked %eq3A_43 : memref<1536xf32, #tpu.memory_space<vmem>>[vector<16xi32>], vector<16xf32>, vector<16xi1>
      %mul3A_648 = arith.mulf %get3A_576, %get3A_52 : vector<16xf32>
      %mul3A_649 = arith.mulf %get3A_581, %get3A_54 : vector<16xf32>
      %add3A_650 = arith.addf %mul3A_648, %mul3A_649 : vector<16xf32>
      %mul3A_651 = arith.mulf %get3A_586, %get3A_56 : vector<16xf32>
      %add3A_652 = arith.addf %add3A_650, %mul3A_651 : vector<16xf32>
      %mul3A_653 = arith.mulf %get3A_591, %get3A_58 : vector<16xf32>
      %add3A_654 = arith.addf %add3A_652, %mul3A_653 : vector<16xf32>
      %mul3A_655 = arith.mulf %get3A_596, %get3A_76 : vector<16xf32>
      %add3A_656 = arith.addf %add3A_654, %mul3A_655 : vector<16xf32>
      %mul3A_657 = arith.mulf %get3A_601, %get3A_78 : vector<16xf32>
      %add3A_658 = arith.addf %add3A_656, %mul3A_657 : vector<16xf32>
      %mul3A_659 = arith.mulf %get3A_606, %get3A_80 : vector<16xf32>
      %add3A_660 = arith.addf %add3A_658, %mul3A_659 : vector<16xf32>
      %mul3A_661 = arith.mulf %get3A_611, %get3A_82 : vector<16xf32>
      %add3A_662 = arith.addf %add3A_660, %mul3A_661 : vector<16xf32>
      %mul3A_663 = arith.mulf %mul3A_612, %get3A_100 : vector<16xf32>
      %add3A_664 = arith.addf %add3A_662, %mul3A_663 : vector<16xf32>
      %mul3A_665 = arith.mulf %mul3A_613, %get3A_102 : vector<16xf32>
      %add3A_666 = arith.addf %add3A_664, %mul3A_665 : vector<16xf32>
      %mul3A_667 = arith.mulf %mul3A_614, %get3A_104 : vector<16xf32>
      %add3A_668 = arith.addf %add3A_666, %mul3A_667 : vector<16xf32>
      %mul3A_669 = arith.mulf %mul3A_615, %get3A_106 : vector<16xf32>
      %add3A_670 = arith.addf %add3A_668, %mul3A_669 : vector<16xf32>
      %cumsum3A_671 = arith.constant true
      %cumsum3A_672 = vector.broadcast %cumsum3A_671 : i1 to vector<16xi1>
      %cumsum3A_673 = tpu.scan <sum>, %add3A_670 masked %cumsum3A_672 : vector<16xf32>, vector<16xi1> -> vector<16xf32>
      %broadcast_in_dim3A_674 = arith.constant 1 : i32
      %broadcast_in_dim3A_675 = vector.broadcast %broadcast_in_dim3A_674 : i32 to vector<16xi32>
      %add3A_676 = arith.constant 512 : i32
      %add3A_677 = arith.addi %add3A_676, %add3A_571 : i32
      %mul3A_678 = vector.broadcast %add3A_677 : i32 to vector<16xi32>
      %mul3A_679 = arith.muli %broadcast_in_dim3A_675, %mul3A_678 : vector<16xi32>
      tpu.vector_store_idx %arg13[%mul3A_679], %cumsum3A_673 masked %eq3A_43 : memref<1536xf32, #tpu.memory_space<vmem>>[vector<16xi32>], vector<16xf32>, vector<16xi1>
      %mul3A_680 = arith.mulf %get3A_576, %get3A_60 : vector<16xf32>
      %mul3A_681 = arith.mulf %get3A_581, %get3A_62 : vector<16xf32>
      %add3A_682 = arith.addf %mul3A_680, %mul3A_681 : vector<16xf32>
      %mul3A_683 = arith.mulf %get3A_586, %get3A_64 : vector<16xf32>
      %add3A_684 = arith.addf %add3A_682, %mul3A_683 : vector<16xf32>
      %mul3A_685 = arith.mulf %get3A_591, %get3A_66 : vector<16xf32>
      %add3A_686 = arith.addf %add3A_684, %mul3A_685 : vector<16xf32>
      %mul3A_687 = arith.mulf %get3A_596, %get3A_84 : vector<16xf32>
      %add3A_688 = arith.addf %add3A_686, %mul3A_687 : vector<16xf32>
      %mul3A_689 = arith.mulf %get3A_601, %get3A_86 : vector<16xf32>
      %add3A_690 = arith.addf %add3A_688, %mul3A_689 : vector<16xf32>
      %mul3A_691 = arith.mulf %get3A_606, %get3A_88 : vector<16xf32>
      %add3A_692 = arith.addf %add3A_690, %mul3A_691 : vector<16xf32>
      %mul3A_693 = arith.mulf %get3A_611, %get3A_90 : vector<16xf32>
      %add3A_694 = arith.addf %add3A_692, %mul3A_693 : vector<16xf32>
      %mul3A_695 = arith.mulf %mul3A_612, %get3A_108 : vector<16xf32>
      %add3A_696 = arith.addf %add3A_694, %mul3A_695 : vector<16xf32>
      %mul3A_697 = arith.mulf %mul3A_613, %get3A_110 : vector<16xf32>
      %add3A_698 = arith.addf %add3A_696, %mul3A_697 : vector<16xf32>
      %mul3A_699 = arith.mulf %mul3A_614, %get3A_112 : vector<16xf32>
      %add3A_700 = arith.addf %add3A_698, %mul3A_699 : vector<16xf32>
      %mul3A_701 = arith.mulf %mul3A_615, %get3A_114 : vector<16xf32>
      %add3A_702 = arith.addf %add3A_700, %mul3A_701 : vector<16xf32>
      %cumsum3A_703 = arith.constant true
      %cumsum3A_704 = vector.broadcast %cumsum3A_703 : i1 to vector<16xi1>
      %cumsum3A_705 = tpu.scan <sum>, %add3A_702 masked %cumsum3A_704 : vector<16xf32>, vector<16xi1> -> vector<16xf32>
      %broadcast_in_dim3A_706 = arith.constant 1 : i32
      %broadcast_in_dim3A_707 = vector.broadcast %broadcast_in_dim3A_706 : i32 to vector<16xi32>
      %add3A_708 = arith.constant 1024 : i32
      %add3A_709 = arith.addi %add3A_708, %add3A_571 : i32
      %mul3A_710 = vector.broadcast %add3A_709 : i32 to vector<16xi32>
      %mul3A_711 = arith.muli %broadcast_in_dim3A_707, %mul3A_710 : vector<16xi32>
      tpu.vector_store_idx %arg13[%mul3A_711], %cumsum3A_705 masked %eq3A_43 : memref<1536xf32, #tpu.memory_space<vmem>>[vector<16xi32>], vector<16xf32>, vector<16xi1>
      %mul3A_712 = arith.constant 4 : i32
      %mul3A_713 = arith.muli %scan3A_263, %mul3A_712 : i32
      %add3A_714 = arith.constant 3 : i32
      %add3A_715 = arith.addi %mul3A_713, %add3A_714 : i32
      %mul3A_716 = arith.constant 4 : i32
      %mul3A_717 = arith.muli %scan3A_263, %mul3A_716 : i32
      %add3A_718 = arith.constant 384 : i32
      %add3A_719 = arith.addi %add3A_718, %mul3A_717 : i32
      %add3A_720 = arith.constant 3 : i32
      %add3A_721 = arith.addi %add3A_719, %add3A_720 : i32
      %get3A_722 = arith.constant 1 : i32
      %get3A_723 = arith.index_cast %get3A_722 : i32 to index
      %get3A_724 = arith.index_cast %add3A_715 : i32 to index
      %get3A_725 = arith.constant 0 : index
      %get3A_726 = tpu.vector_load %arg10[%get3A_723, %get3A_724, %get3A_725] {strides = array<i32>} : memref<2x128x64xf32, #tpu.memory_space<vmem>>, vector<16xf32>,
      %get3A_727 = arith.constant 1 : i32
      %get3A_728 = arith.index_cast %get3A_727 : i32 to index
      %get3A_729 = arith.index_cast %add3A_715 : i32 to index
      %get3A_730 = arith.constant 16 : index
      %get3A_731 = tpu.vector_load %arg10[%get3A_728, %get3A_729, %get3A_730] {strides = array<i32>} : memref<2x128x64xf32, #tpu.memory_space<vmem>>, vector<16xf32>,
      %get3A_732 = arith.constant 1 : i32
      %get3A_733 = arith.index_cast %get3A_732 : i32 to index
      %get3A_734 = arith.index_cast %add3A_715 : i32 to index
      %get3A_735 = arith.constant 32 : index
      %get3A_736 = tpu.vector_load %arg10[%get3A_733, %get3A_734, %get3A_735] {strides = array<i32>} : memref<2x128x64xf32, #tpu.memory_space<vmem>>, vector<16xf32>,
      %get3A_737 = arith.constant 1 : i32
      %get3A_738 = arith.index_cast %get3A_737 : i32 to index
      %get3A_739 = arith.index_cast %add3A_715 : i32 to index
      %get3A_740 = arith.constant 48 : index
      %get3A_741 = tpu.vector_load %arg10[%get3A_738, %get3A_739, %get3A_740] {strides = array<i32>} : memref<2x128x64xf32, #tpu.memory_space<vmem>>, vector<16xf32>,
      %get3A_742 = arith.constant 1 : i32
      %get3A_743 = arith.index_cast %get3A_742 : i32 to index
      %get3A_744 = arith.index_cast %add3A_715 : i32 to index
      %get3A_745 = arith.constant 0 : index
      %get3A_746 = tpu.vector_load %arg11[%get3A_743, %get3A_744, %get3A_745] {strides = array<i32>} : memref<2x128x64xf32, #tpu.memory_space<vmem>>, vector<16xf32>,
      %get3A_747 = arith.constant 1 : i32
      %get3A_748 = arith.index_cast %get3A_747 : i32 to index
      %get3A_749 = arith.index_cast %add3A_715 : i32 to index
      %get3A_750 = arith.constant 16 : index
      %get3A_751 = tpu.vector_load %arg11[%get3A_748, %get3A_749, %get3A_750] {strides = array<i32>} : memref<2x128x64xf32, #tpu.memory_space<vmem>>, vector<16xf32>,
      %get3A_752 = arith.constant 1 : i32
      %get3A_753 = arith.index_cast %get3A_752 : i32 to index
      %get3A_754 = arith.index_cast %add3A_715 : i32 to index
      %get3A_755 = arith.constant 32 : index
      %get3A_756 = tpu.vector_load %arg11[%get3A_753, %get3A_754, %get3A_755] {strides = array<i32>} : memref<2x128x64xf32, #tpu.memory_space<vmem>>, vector<16xf32>,
      %get3A_757 = arith.constant 1 : i32
      %get3A_758 = arith.index_cast %get3A_757 : i32 to index
      %get3A_759 = arith.index_cast %add3A_715 : i32 to index
      %get3A_760 = arith.constant 48 : index
      %get3A_761 = tpu.vector_load %arg11[%get3A_758, %get3A_759, %get3A_760] {strides = array<i32>} : memref<2x128x64xf32, #tpu.memory_space<vmem>>, vector<16xf32>,
      %mul3A_762 = arith.mulf %get3A_726, %get3A_746 : vector<16xf32>
      %mul3A_763 = arith.mulf %get3A_731, %get3A_751 : vector<16xf32>
      %mul3A_764 = arith.mulf %get3A_736, %get3A_756 : vector<16xf32>
      %mul3A_765 = arith.mulf %get3A_741, %get3A_761 : vector<16xf32>
      %mul3A_766 = arith.mulf %get3A_726, %get3A_44 : vector<16xf32>
      %mul3A_767 = arith.mulf %get3A_731, %get3A_46 : vector<16xf32>
      %add3A_768 = arith.addf %mul3A_766, %mul3A_767 : vector<16xf32>
      %mul3A_769 = arith.mulf %get3A_736, %get3A_48 : vector<16xf32>
      %add3A_770 = arith.addf %add3A_768, %mul3A_769 : vector<16xf32>
      %mul3A_771 = arith.mulf %get3A_741, %get3A_50 : vector<16xf32>
      %add3A_772 = arith.addf %add3A_770, %mul3A_771 : vector<16xf32>
      %mul3A_773 = arith.mulf %get3A_746, %get3A_68 : vector<16xf32>
      %add3A_774 = arith.addf %add3A_772, %mul3A_773 : vector<16xf32>
      %mul3A_775 = arith.mulf %get3A_751, %get3A_70 : vector<16xf32>
      %add3A_776 = arith.addf %add3A_774, %mul3A_775 : vector<16xf32>
      %mul3A_777 = arith.mulf %get3A_756, %get3A_72 : vector<16xf32>
      %add3A_778 = arith.addf %add3A_776, %mul3A_777 : vector<16xf32>
      %mul3A_779 = arith.mulf %get3A_761, %get3A_74 : vector<16xf32>
      %add3A_780 = arith.addf %add3A_778, %mul3A_779 : vector<16xf32>
      %mul3A_781 = arith.mulf %mul3A_762, %get3A_92 : vector<16xf32>
      %add3A_782 = arith.addf %add3A_780, %mul3A_781 : vector<16xf32>
      %mul3A_783 = arith.mulf %mul3A_763, %get3A_94 : vector<16xf32>
      %add3A_784 = arith.addf %add3A_782, %mul3A_783 : vector<16xf32>
      %mul3A_785 = arith.mulf %mul3A_764, %get3A_96 : vector<16xf32>
      %add3A_786 = arith.addf %add3A_784, %mul3A_785 : vector<16xf32>
      %mul3A_787 = arith.mulf %mul3A_765, %get3A_98 : vector<16xf32>
      %add3A_788 = arith.addf %add3A_786, %mul3A_787 : vector<16xf32>
      %cumsum3A_789 = arith.constant true
      %cumsum3A_790 = vector.broadcast %cumsum3A_789 : i1 to vector<16xi1>
      %cumsum3A_791 = tpu.scan <sum>, %add3A_788 masked %cumsum3A_790 : vector<16xf32>, vector<16xi1> -> vector<16xf32>
      %broadcast_in_dim3A_792 = arith.constant 1 : i32
      %broadcast_in_dim3A_793 = vector.broadcast %broadcast_in_dim3A_792 : i32 to vector<16xi32>
      %add3A_794 = arith.constant 0 : i32
      %add3A_795 = arith.addi %add3A_794, %add3A_721 : i32
      %mul3A_796 = vector.broadcast %add3A_795 : i32 to vector<16xi32>
      %mul3A_797 = arith.muli %broadcast_in_dim3A_793, %mul3A_796 : vector<16xi32>
      tpu.vector_store_idx %arg13[%mul3A_797], %cumsum3A_791 masked %eq3A_43 : memref<1536xf32, #tpu.memory_space<vmem>>[vector<16xi32>], vector<16xf32>, vector<16xi1>
      %mul3A_798 = arith.mulf %get3A_726, %get3A_52 : vector<16xf32>
      %mul3A_799 = arith.mulf %get3A_731, %get3A_54 : vector<16xf32>
      %add3A_800 = arith.addf %mul3A_798, %mul3A_799 : vector<16xf32>
      %mul3A_801 = arith.mulf %get3A_736, %get3A_56 : vector<16xf32>
      %add3A_802 = arith.addf %add3A_800, %mul3A_801 : vector<16xf32>
      %mul3A_803 = arith.mulf %get3A_741, %get3A_58 : vector<16xf32>
      %add3A_804 = arith.addf %add3A_802, %mul3A_803 : vector<16xf32>
      %mul3A_805 = arith.mulf %get3A_746, %get3A_76 : vector<16xf32>
      %add3A_806 = arith.addf %add3A_804, %mul3A_805 : vector<16xf32>
      %mul3A_807 = arith.mulf %get3A_751, %get3A_78 : vector<16xf32>
      %add3A_808 = arith.addf %add3A_806, %mul3A_807 : vector<16xf32>
      %mul3A_809 = arith.mulf %get3A_756, %get3A_80 : vector<16xf32>
      %add3A_810 = arith.addf %add3A_808, %mul3A_809 : vector<16xf32>
      %mul3A_811 = arith.mulf %get3A_761, %get3A_82 : vector<16xf32>
      %add3A_812 = arith.addf %add3A_810, %mul3A_811 : vector<16xf32>
      %mul3A_813 = arith.mulf %mul3A_762, %get3A_100 : vector<16xf32>
      %add3A_814 = arith.addf %add3A_812, %mul3A_813 : vector<16xf32>
      %mul3A_815 = arith.mulf %mul3A_763, %get3A_102 : vector<16xf32>
      %add3A_816 = arith.addf %add3A_814, %mul3A_815 : vector<16xf32>
      %mul3A_817 = arith.mulf %mul3A_764, %get3A_104 : vector<16xf32>
      %add3A_818 = arith.addf %add3A_816, %mul3A_817 : vector<16xf32>
      %mul3A_819 = arith.mulf %mul3A_765, %get3A_106 : vector<16xf32>
      %add3A_820 = arith.addf %add3A_818, %mul3A_819 : vector<16xf32>
      %cumsum3A_821 = arith.constant true
      %cumsum3A_822 = vector.broadcast %cumsum3A_821 : i1 to vector<16xi1>
      %cumsum3A_823 = tpu.scan <sum>, %add3A_820 masked %cumsum3A_822 : vector<16xf32>, vector<16xi1> -> vector<16xf32>
      %broadcast_in_dim3A_824 = arith.constant 1 : i32
      %broadcast_in_dim3A_825 = vector.broadcast %broadcast_in_dim3A_824 : i32 to vector<16xi32>
      %add3A_826 = arith.constant 512 : i32
      %add3A_827 = arith.addi %add3A_826, %add3A_721 : i32
      %mul3A_828 = vector.broadcast %add3A_827 : i32 to vector<16xi32>
      %mul3A_829 = arith.muli %broadcast_in_dim3A_825, %mul3A_828 : vector<16xi32>
      tpu.vector_store_idx %arg13[%mul3A_829], %cumsum3A_823 masked %eq3A_43 : memref<1536xf32, #tpu.memory_space<vmem>>[vector<16xi32>], vector<16xf32>, vector<16xi1>
      %mul3A_830 = arith.mulf %get3A_726, %get3A_60 : vector<16xf32>
      %mul3A_831 = arith.mulf %get3A_731, %get3A_62 : vector<16xf32>
      %add3A_832 = arith.addf %mul3A_830, %mul3A_831 : vector<16xf32>
      %mul3A_833 = arith.mulf %get3A_736, %get3A_64 : vector<16xf32>
      %add3A_834 = arith.addf %add3A_832, %mul3A_833 : vector<16xf32>
      %mul3A_835 = arith.mulf %get3A_741, %get3A_66 : vector<16xf32>
      %add3A_836 = arith.addf %add3A_834, %mul3A_835 : vector<16xf32>
      %mul3A_837 = arith.mulf %get3A_746, %get3A_84 : vector<16xf32>
      %add3A_838 = arith.addf %add3A_836, %mul3A_837 : vector<16xf32>
      %mul3A_839 = arith.mulf %get3A_751, %get3A_86 : vector<16xf32>
      %add3A_840 = arith.addf %add3A_838, %mul3A_839 : vector<16xf32>
      %mul3A_841 = arith.mulf %get3A_756, %get3A_88 : vector<16xf32>
      %add3A_842 = arith.addf %add3A_840, %mul3A_841 : vector<16xf32>
      %mul3A_843 = arith.mulf %get3A_761, %get3A_90 : vector<16xf32>
      %add3A_844 = arith.addf %add3A_842, %mul3A_843 : vector<16xf32>
      %mul3A_845 = arith.mulf %mul3A_762, %get3A_108 : vector<16xf32>
      %add3A_846 = arith.addf %add3A_844, %mul3A_845 : vector<16xf32>
      %mul3A_847 = arith.mulf %mul3A_763, %get3A_110 : vector<16xf32>
      %add3A_848 = arith.addf %add3A_846, %mul3A_847 : vector<16xf32>
      %mul3A_849 = arith.mulf %mul3A_764, %get3A_112 : vector<16xf32>
      %add3A_850 = arith.addf %add3A_848, %mul3A_849 : vector<16xf32>
      %mul3A_851 = arith.mulf %mul3A_765, %get3A_114 : vector<16xf32>
      %add3A_852 = arith.addf %add3A_850, %mul3A_851 : vector<16xf32>
      %cumsum3A_853 = arith.constant true
      %cumsum3A_854 = vector.broadcast %cumsum3A_853 : i1 to vector<16xi1>
      %cumsum3A_855 = tpu.scan <sum>, %add3A_852 masked %cumsum3A_854 : vector<16xf32>, vector<16xi1> -> vector<16xf32>
      %broadcast_in_dim3A_856 = arith.constant 1 : i32
      %broadcast_in_dim3A_857 = vector.broadcast %broadcast_in_dim3A_856 : i32 to vector<16xi32>
      %add3A_858 = arith.constant 1024 : i32
      %add3A_859 = arith.addi %add3A_858, %add3A_721 : i32
      %mul3A_860 = vector.broadcast %add3A_859 : i32 to vector<16xi32>
      %mul3A_861 = arith.muli %broadcast_in_dim3A_857, %mul3A_860 : vector<16xi32>
      tpu.vector_store_idx %arg13[%mul3A_861], %cumsum3A_855 masked %eq3A_43 : memref<1536xf32, #tpu.memory_space<vmem>>[vector<16xi32>], vector<16xf32>, vector<16xi1>
    }
    %scan3A_256 = arith.constant 32 : i32
    %add3A_257 = arith.constant 0 : i32
    %add3A_258 = arith.addi %add3A_257, %mul3A_2 : i32
    "tpu.region"() ({
      %run_scoped3A = tpu.sem_alloc : memref<!tpu.dma_semaphore, #tpu.memory_space<semaphore_mem>>
      %dma_start3A_263 = arith.constant 0 : i32
      %dma_start3A_264 = tpu.memref_slice %arg13[%dma_start3A_263] : memref<1536xf32, #tpu.memory_space<vmem>> -> memref<512xf32, #tpu.memory_space<vmem>>
      %dma_start3A_265 = tpu.memref_slice %arg7[%add3A_258] : memref<49152xf32, #tpu.memory_space<hbm>> -> memref<512xf32, #tpu.memory_space<hbm>>
      %dma_start3A_266 = tpu.memref_slice %arg7[%add3A_258] : memref<49152xf32, #tpu.memory_space<hbm>> -> memref<512xf32, #tpu.memory_space<hbm>>
      %dma_start3A_267 = arith.constant 0 : i32
      %dma_start3A_268 = tpu.memref_slice %arg13[%dma_start3A_267] : memref<1536xf32, #tpu.memory_space<vmem>> -> memref<512xf32, #tpu.memory_space<vmem>>
      tpu.enqueue_dma source(%dma_start3A_268 : memref<512xf32, #tpu.memory_space<vmem>>) target(%dma_start3A_266 : memref<512xf32, #tpu.memory_space<hbm>>) target_semaphore(%run_scoped3A : memref<!tpu.dma_semaphore, #tpu.memory_space<semaphore_mem>>)
      %dma_wait3A_269 = arith.constant 0 : i32
      %dma_wait3A_270 = tpu.memref_slice %arg13[%dma_wait3A_269] : memref<1536xf32, #tpu.memory_space<vmem>> -> memref<512xf32, #tpu.memory_space<vmem>>
      %dma_wait3A_271 = tpu.memref_slice %arg7[%add3A_258] : memref<49152xf32, #tpu.memory_space<hbm>> -> memref<512xf32, #tpu.memory_space<hbm>>
      %dma_wait3A_272 = tpu.memref_slice %arg7[%add3A_258] : memref<49152xf32, #tpu.memory_space<hbm>> -> memref<512xf32, #tpu.memory_space<hbm>>
      %dma_wait3A_273 = arith.constant 0 : i32
      %dma_wait3A_274 = tpu.memref_slice %arg13[%dma_wait3A_273] : memref<1536xf32, #tpu.memory_space<vmem>> -> memref<512xf32, #tpu.memory_space<vmem>>
      tpu.wait_dma2 semaphore(%run_scoped3A : memref<!tpu.dma_semaphore, #tpu.memory_space<semaphore_mem>>) src(%dma_wait3A_274 : memref<512xf32, #tpu.memory_space<vmem>>) dst(%dma_wait3A_272 : memref<512xf32, #tpu.memory_space<hbm>>)
      tpu.yield
    }) : () -> ()
    %add3A_259 = arith.constant 16384 : i32
    %add3A_260 = arith.addi %add3A_259, %mul3A_2 : i32
    "tpu.region"() ({
      %run_scoped3A = tpu.sem_alloc : memref<!tpu.dma_semaphore, #tpu.memory_space<semaphore_mem>>
      %dma_start3A_263 = arith.constant 512 : i32
      %dma_start3A_264 = tpu.memref_slice %arg13[%dma_start3A_263] : memref<1536xf32, #tpu.memory_space<vmem>> -> memref<512xf32, #tpu.memory_space<vmem>>
      %dma_start3A_265 = tpu.memref_slice %arg7[%add3A_260] : memref<49152xf32, #tpu.memory_space<hbm>> -> memref<512xf32, #tpu.memory_space<hbm>>
      %dma_start3A_266 = tpu.memref_slice %arg7[%add3A_260] : memref<49152xf32, #tpu.memory_space<hbm>> -> memref<512xf32, #tpu.memory_space<hbm>>
      %dma_start3A_267 = arith.constant 512 : i32
      %dma_start3A_268 = tpu.memref_slice %arg13[%dma_start3A_267] : memref<1536xf32, #tpu.memory_space<vmem>> -> memref<512xf32, #tpu.memory_space<vmem>>
      tpu.enqueue_dma source(%dma_start3A_268 : memref<512xf32, #tpu.memory_space<vmem>>) target(%dma_start3A_266 : memref<512xf32, #tpu.memory_space<hbm>>) target_semaphore(%run_scoped3A : memref<!tpu.dma_semaphore, #tpu.memory_space<semaphore_mem>>)
      %dma_wait3A_269 = arith.constant 512 : i32
      %dma_wait3A_270 = tpu.memref_slice %arg13[%dma_wait3A_269] : memref<1536xf32, #tpu.memory_space<vmem>> -> memref<512xf32, #tpu.memory_space<vmem>>
      %dma_wait3A_271 = tpu.memref_slice %arg7[%add3A_260] : memref<49152xf32, #tpu.memory_space<hbm>> -> memref<512xf32, #tpu.memory_space<hbm>>
      %dma_wait3A_272 = tpu.memref_slice %arg7[%add3A_260] : memref<49152xf32, #tpu.memory_space<hbm>> -> memref<512xf32, #tpu.memory_space<hbm>>
      %dma_wait3A_273 = arith.constant 512 : i32
      %dma_wait3A_274 = tpu.memref_slice %arg13[%dma_wait3A_273] : memref<1536xf32, #tpu.memory_space<vmem>> -> memref<512xf32, #tpu.memory_space<vmem>>
      tpu.wait_dma2 semaphore(%run_scoped3A : memref<!tpu.dma_semaphore, #tpu.memory_space<semaphore_mem>>) src(%dma_wait3A_274 : memref<512xf32, #tpu.memory_space<vmem>>) dst(%dma_wait3A_272 : memref<512xf32, #tpu.memory_space<hbm>>)
      tpu.yield
    }) : () -> ()
    %add3A_261 = arith.constant 32768 : i32
    %add3A_262 = arith.addi %add3A_261, %mul3A_2 : i32
    "tpu.region"() ({
      %run_scoped3A = tpu.sem_alloc : memref<!tpu.dma_semaphore, #tpu.memory_space<semaphore_mem>>
      %dma_start3A_263 = arith.constant 1024 : i32
      %dma_start3A_264 = tpu.memref_slice %arg13[%dma_start3A_263] : memref<1536xf32, #tpu.memory_space<vmem>> -> memref<512xf32, #tpu.memory_space<vmem>>
      %dma_start3A_265 = tpu.memref_slice %arg7[%add3A_262] : memref<49152xf32, #tpu.memory_space<hbm>> -> memref<512xf32, #tpu.memory_space<hbm>>
      %dma_start3A_266 = tpu.memref_slice %arg7[%add3A_262] : memref<49152xf32, #tpu.memory_space<hbm>> -> memref<512xf32, #tpu.memory_space<hbm>>
      %dma_start3A_267 = arith.constant 1024 : i32
      %dma_start3A_268 = tpu.memref_slice %arg13[%dma_start3A_267] : memref<1536xf32, #tpu.memory_space<vmem>> -> memref<512xf32, #tpu.memory_space<vmem>>
      tpu.enqueue_dma source(%dma_start3A_268 : memref<512xf32, #tpu.memory_space<vmem>>) target(%dma_start3A_266 : memref<512xf32, #tpu.memory_space<hbm>>) target_semaphore(%run_scoped3A : memref<!tpu.dma_semaphore, #tpu.memory_space<semaphore_mem>>)
      %dma_wait3A_269 = arith.constant 1024 : i32
      %dma_wait3A_270 = tpu.memref_slice %arg13[%dma_wait3A_269] : memref<1536xf32, #tpu.memory_space<vmem>> -> memref<512xf32, #tpu.memory_space<vmem>>
      %dma_wait3A_271 = tpu.memref_slice %arg7[%add3A_262] : memref<49152xf32, #tpu.memory_space<hbm>> -> memref<512xf32, #tpu.memory_space<hbm>>
      %dma_wait3A_272 = tpu.memref_slice %arg7[%add3A_262] : memref<49152xf32, #tpu.memory_space<hbm>> -> memref<512xf32, #tpu.memory_space<hbm>>
      %dma_wait3A_273 = arith.constant 1024 : i32
      %dma_wait3A_274 = tpu.memref_slice %arg13[%dma_wait3A_273] : memref<1536xf32, #tpu.memory_space<vmem>> -> memref<512xf32, #tpu.memory_space<vmem>>
      tpu.wait_dma2 semaphore(%run_scoped3A : memref<!tpu.dma_semaphore, #tpu.memory_space<semaphore_mem>>) src(%dma_wait3A_274 : memref<512xf32, #tpu.memory_space<vmem>>) dst(%dma_wait3A_272 : memref<512xf32, #tpu.memory_space<hbm>>)
      tpu.yield
    }) : () -> ()
    return
  }
}

</mosaic_0001>

<sc_bundles>
// kernel: _sc_part.3.cloned.1.call-start
scs
__scs_entry_jumppad:
0x0: {  	(pc) =	sbr.rel $0x88, $3  }
0x1: {  	(tag) =	ssettag $0x0;
	lr =	simm.s32 $0x1  }
0x2: {  	[smem:$0x3F9C] =	sst lr;
	_ =	strace $0xD0000000  }
0x3: {  	_ = 	snop  }
0x4: {  	_ = 	snop  }
0x5: {  	_ = 	snop  }
0x6: {  	_ = 	snop  }
0x7: {  	_ = 	snop  }
__scs_overlays_trampoline_lowered:
0x8: {  	[smem:$0x3FAB] =	sst s0  }
0x9: {  	[smem:$0x3FAC] =	sst s1  }
0xa: {  	[smem:$0x3FAD] =	sst s2  }
0xb: {  	[smem:$0x3FAE] =	sst s3  }
0xc: {  	[smem:$0x3FAF] =	sst s4  }
0xd: {  	[smem:$0x3FB0] =	sst s5  }
0xe: {  	[smem:$0x3FB1] =	sst s6  }
0xf: {  	[smem:$0x3FB2] =	sst s7  }
0x10: {  	[smem:$0x3FB3] =	sst s8  }
0x11: {  	[smem:$0x3FB4] =	sst s9;
	s0 =	simm.s32 @!p0 $0x0  }
0x12: {  	s1 =	sld [smem:$0x3F9A];
	s0 =	simm.s32 @p0 $0x1  }
0x13: {  	[smem:$0x3FB5] =	sst s0;
	s0 =	simm.s32 @!p1 $0x0  }
0x14: {  	s2 =	sld [smem:$0x3F99];
	s0 =	simm.s32 @p1 $0x1  }
0x15: {  	[smem:$0x3FB6] =	sst s0;
	s0 =	simm.s32 @!p2 $0x0  }
0x16: {  	s3 =	sld [smem:$0x3FDB];
	s0 =	simm.s32 @p2 $0x1  }
0x17: {  	s4 =	simm.s32 $0x1BF5;
	[smem:$0x3FB8] =	sst s0  }
0x18: {  	s0 =	sld [smem:$0x3F9B];
	_ =	swait.ge [sflag:s4], $0x0  }
0x19: {  	s7 =	sld [smem:$0x3F9C]  }
0x1a: {  	s8 =	sadd.s32 $0xFFFFE003, lr  }
0x1b: {  	s9 =	sadd.s32 $0xFFFFFEF7, lr;
	s5 =	simm.s32 $0xFFFFFFFF;
	p2 =	slt.u32 s8, $0xFFFFF086  }
0x1c: {  	p1 =	slt.u32 s9, $0xF7A;
	s5 =	simm.s32 @!p2 $0x0  }
0x1d: {  	s5 =	simm.s32 @p1 $0x1;
	p0 =	seq.s32 s7, s2  }
0x1e: {  	s7 =	smul.u32 @!p0 $0xF7A, s2;
	p2 =	seq.s32 @!p0 s5, $0x0  }
0x1f: {  	s9 =	smul.u32 $0xF7A, s1;
	s8 =	simm.s32 @!p0 $0x1BF5;
	p2 =	por !p2, p0  }
0x20: {  	[sflag:s8] =	ssyncset.s32 @!p0 $0xFFFFF086;
	s6 =	sadd.s32 @!p0 s3, s7;
	s7 =	simm.s32 @!p0 $0x108  }
0x21: {  	s3 =	sadd.s32 s3, s9;
	s6 =	sadd.s32 @!p0 $0x88, s6;
	s7 =	simm.s32 @p2 $0x1082  }
0x22: {  	[simem:s7], [sflag:s8] =	dma.local @!p0 [hbm:s6], $0xF7A  }
0x23: {  	s9 =	sor.u32 $0xD0000000, s2;
	s6 =	simm.s32 $0x108;
	_ =	swait.ge @!p0 [sflag:s8], $0x0  }
0x24: {  	s3 =	sadd.s32 $0x88, s3;
	s6 =	simm.s32 @!p1 $0x1082;
	[sflag:s4] =	ssyncset.s32 $0xFFFFF086  }
0x25: {  	[simem:s6], [sflag:s4] =	dma.local [hbm:s3], $0xF7A  }
0x26: {  	[smem:$0x3F9C] =	sst s1;
	(tag) =	ssettag s2;
	_ =	strace s9  }
0x27: {  	s1 =	sld [smem:$0x3FAC]  }
0x28: {  	s2 =	sld [smem:$0x3FAD]  }
0x29: {  	s4 =	sld [smem:$0x3FAF]  }
0x2a: {  	p0 =	seq.s32 s5, $0x0;
	s5 =	sld [smem:$0x3FB0]  }
0x2b: {  	s6 =	sld [smem:$0x3FB1]  }
0x2c: {  	s7 =	sld [smem:$0x3FB2]  }
0x2d: {  	s3 =	simm.s32 $0x108;
	s8 =	sld [smem:$0x3FB3]  }
0x2e: {  	s3 =	simm.s32 @!p0 $0x1082;
	s9 =	sld [smem:$0x3FB4]  }
0x2f: {  	lr =	sadd.s32 s0, s3;
	s0 =	sld [smem:$0x3FAB]  }
0x30: {  	s3 =	sld [smem:$0x3FAE]  }
0x31: {  	[smem:$0x3FB7] =	sst s10  }
0x32: {  	s10 =	sld [smem:$0x3FB5];
	_ =	sdelay $0x3  }
0x33: {  	p0 =	seq.s32 s10, $0x1;
	s10 =	sld [smem:$0x3FB7];
	_ =	sdelay $0x3  }
0x34: {  	[smem:$0x3FB7] =	sst s10  }
0x35: {  	s10 =	sld [smem:$0x3FB6];
	_ =	sdelay $0x3  }
0x36: {  	p1 =	seq.s32 s10, $0x1;
	s10 =	sld [smem:$0x3FB7];
	_ =	sdelay $0x3  }
0x37: {  	[smem:$0x3FB7] =	sst s10  }
0x38: {  	s10 =	sld [smem:$0x3FB8]  }
0x39: {  	_ = 	snop;
	(pc) =	sbr.ind lr, $3  }
0x3a: {  	_ = 	snop  }
0x3b: {  	_ = 	snop  }
0x3c: {  	p2 =	seq.s32 s10, $0x1;
	s10 =	sld [smem:$0x3FB7]  }
0x3d: {  	_ =	shalt  }
0x3e: {  	_ =	shalt  }
0x3f: {  	_ =	shalt  }
0x40: {  	_ =	shalt  }
0x41: {  	_ =	shalt  }
0x42: {  	_ =	shalt  }
0x43: {  	_ =	shalt  }
0x44: {  	_ =	shalt  }
0x45: {  	_ =	shalt  }
0x46: {  	_ =	shalt  }
0x47: {  	_ =	shalt  }
0x48: {  	_ =	shalt  }
0x49: {  	_ =	shalt  }
0x4a: {  	_ =	shalt  }
0x4b: {  	_ =	shalt  }
0x4c: {  	_ =	shalt  }
0x4d: {  	_ =	shalt  }
0x4e: {  	_ =	shalt  }
0x4f: {  	_ =	shalt  }
0x50: {  	_ =	shalt  }
0x51: {  	_ =	shalt  }
0x52: {  	_ =	shalt  }
0x53: {  	_ =	shalt  }
0x54: {  	_ =	shalt  }
0x55: {  	_ =	shalt  }
0x56: {  	_ =	shalt  }
0x57: {  	_ =	shalt  }
0x58: {  	_ =	shalt  }
0x59: {  	_ =	shalt  }
0x5a: {  	_ =	shalt  }
0x5b: {  	_ =	shalt  }
0x5c: {  	_ =	shalt  }
0x5d: {  	_ =	shalt  }
0x5e: {  	_ =	shalt  }
0x5f: {  	_ =	shalt  }
0x60: {  	_ =	shalt  }
0x61: {  	_ =	shalt  }
0x62: {  	_ =	shalt  }
0x63: {  	_ =	shalt  }
0x64: {  	_ =	shalt  }
0x65: {  	_ =	shalt  }
0x66: {  	_ =	shalt  }
0x67: {  	_ =	shalt  }
0x68: {  	_ =	shalt  }
0x69: {  	_ =	shalt  }
0x6a: {  	_ =	shalt  }
0x6b: {  	_ =	shalt  }
0x6c: {  	_ =	shalt  }
0x6d: {  	_ =	shalt  }
0x6e: {  	_ =	shalt  }
0x6f: {  	_ =	shalt  }
0x70: {  	_ =	shalt  }
0x71: {  	_ =	shalt  }
0x72: {  	_ =	shalt  }
0x73: {  	_ =	shalt  }
0x74: {  	_ =	shalt  }
0x75: {  	_ =	shalt  }
0x76: {  	_ =	shalt  }
0x77: {  	_ =	shalt  }
0x78: {  	_ =	shalt  }
0x79: {  	_ =	shalt  }
0x7a: {  	_ =	shalt  }
0x7b: {  	_ =	shalt  }
0x7c: {  	_ =	shalt  }
0x7d: {  	_ =	shalt  }
0x7e: {  	_ =	shalt  }
0x7f: {  	_ =	shalt  }
0x80: {  	_ =	shalt  }
0x81: {  	_ =	shalt  }
0x82: {  	_ =	shalt  }
0x83: {  	_ =	shalt  }
0x84: {  	_ =	shalt  }
0x85: {  	_ =	shalt  }
0x86: {  	_ =	shalt  }
0x87: {  	_ =	shalt  }
.Lfunc_end0:
.L_simem_size_0:
called_computation_lowered:
.L_overlay_start_0:
0x88: {  	s2 =	sld [smem:$0x3FD9]  }
0x89: {  	s3 =	sld [smem:$0x3FFE];
	_ =	sdelay $0x1  }
0x8a: {  	s1 =	srdreg.scid  }
0x8b: {  	s0 =	sand.u32 $0x1, s1  }
0x8c: {  	s17 =	sshll.u32 s0, $0xA;
	s2 =	sadd.s32 s3, s2  }
0x8d: {  	s2 =	sadd.s32 s2, s17  }
0x8e: {  	[smem:$0x3FC3] =	sst s2  }
0x8f: {  	_ = 	snop  }
0x90: {  	s2 =	sld [smem:$0x3FC9]  }
0x91: {  	s18 =	sld [smem:$0x3FC8]  }
0x92: {  	s4 =	sld [smem:$0x3FC5]  }
0x93: {  	s5 =	sld [smem:$0x3FD0];
	(tm) =	ssettm $0x1  }
0x94: {  	s6 =	sld [smem:$0x3FFB];
	_ =	sdelay $0x3  }
0x95: {  	_ =	strace s6  }
0x96: {  	s6 =	sld [smem:$0x3FFC];
	_ =	sdelay $0x3  }
0x97: {  	_ =	strace s6  }
0x98: {  	s6 =	sld [smem:$0x3FFD];
	_ =	sdelay $0x3  }
0x99: {  	_ =	strace s6  }
0x9a: {  	_ =	strace $0x8FFFFFFF  }
0x9b: {  	s19 =	sld [smem:$0x3FDB];
	_ =	sdelay $0x1  }
0x9c: {  	s7 =	simm.s32 $_scs_section_size  }
0x9d: {  	s8 =	simm.s32 $_size__tile_overlayer_lowered;
	s9 =	simm.s32 $_tile_overlayer_lowered  }
0x9e: {  	s22 =	simm.s32 $0x1BFF;
	s21 =	sshll.u32 s9, $0x1;
	s6 =	sadd.s32 s7, s19  }
0x9f: {  	s10 =	simm.s32 $0x0;
	s20 =	sshll.u32 s8, $0x1;
	s8 =	sadd.s32 s21, s6  }
0xa0: {  	[timem:s10], [sflag:s22] =	dma.local [hbm:s8], s20  }
0xa1: {  	_ =	swait.ge [sflag:s22], s20  }
0xa2: {  	s7 =	ssub.s32 $0x0, s20;
	[sflag:s22] =	ssyncset.done $0x0  }
0xa3: {  	[sflag:s22] =	ssyncadd.s32 s7;
	_ =	sdelay $0x1  }
0xa4: {  	s23 =	simm.s32 $0x1B8B  }
0xa5: {  	_ =	swait.ge [sflag:s23], $0x1  }
0xa6: {  	[sflag:s23] =	ssyncset.done $0x0  }
0xa7: {  	s25 =	simm.s32 $0x1B8E;
	s24 =	sld [smem:$0x3FFE];
	[sflag:s23] =	ssyncadd.s32 $0xFFFFFFFF  }
0xa8: {  	s26 =	simm.s32 $execute0_lowered;
	[smem:$0x3FD2] =	sst s25  }
0xa9: {  	s8 =	sshll.u32 s26, $0x1;
	_ =	strace $0x80000046;
	[dreg:$0x1] =	wrdreg $0xFFFFFFFF  }
0xaa: {  	s28 =	simm.s32 $_size_execute0_lowered;
	s6 =	sadd.s32 s6, s8;
	[dreg:$0x0] =	wrdreg $0x0  }
0xab: {  	s8 =	sshll.u32 s28, $0x1;
	[dreg:$0x2] =	wrdreg s6  }
0xac: {  	[dreg:$0x3] =	wrdreg s8  }
0xad: {  	[dreg:$0x4] =	wrdreg $0xC0  }
0xae: {  	_ =	task [dreg:s10], $0x5FFFF  }
0xaf: {  	[dreg:$0x1] =	wrdreg $0xFFFFFFFF  }
0xb0: {  	[dreg:$0x0] =	wrdreg $0x60  }
0xb1: {  	[dreg:$0x2] =	wrdreg s2  }
0xb2: {  	[dreg:$0x3] =	wrdreg s18  }
0xb3: {  	[dreg:$0x4] =	wrdreg s24  }
0xb4: {  	[dreg:$0x5] =	wrdreg s4  }
0xb5: {  	[dreg:$0x6] =	wrdreg s5  }
0xb6: {  	[dreg:$0x7] =	wrdreg $0x9  }
0xb7: {  	_ =	task.clear_ibuf [dreg:s10], $0x8FFFF;
	_ =	strace $0x90000046  }
0xb8: {  	s29 =	simm.s32 $0x9;
	_ =	strace $0x80000048  }
0xb9: {  	_ =	swait.ge [sflag:s29], $0x1  }
0xba: {  	[sflag:s29] =	ssyncadd.s32 $0xFFFFFFFF  }
0xbb: {  	_ =	strace $0x90000048  }
0xbc: {  	_ =	sfence  }
0xbd: {  	s30 =	sld [smem:$0x0];
	_ =	sdelay $0x2  }
0xbe: {  	s31 =	sshll.u32 s1, $0xD;
	s1 =	sshrl.u32 s1, $0x2  }
0xbf: {  	s3 =	sand.u32 $0x4000, s31;
	s1 =	sadd.s32 s1, s30  }
0xc0: {  	s0 =	sor.u32 s3, s0;
	s1 =	sshll.u32 s1, $0x11  }
0xc1: {  	s0 =	sor.u32 s1, s0  }
0xc2: {  	s0 =	sadd.s32 $0x8F2B, s0  }
0xc3: {  	[sflag:s0] =	ssyncadd.remote.s32 $0x1  }
0xc4: {  	_ =	sfence.sel $0xFFFF  }
0xc5: {  	[dreg:$0x0] =	wrdreg $0xFFFFFFFF;
	(pc) =	sbr.abs _section_cstart, $3  }
0xc6: {  	[dreg:$0x1] =	wrdreg $0xFFFFFFFF  }
0xc7: {  	_ =	task.clear_ibuf [dreg:s10], $0x2FFFF;
	_ =	strace $0x9FFFFFFF  }
0xc8: {  	(tm) =	ssettm $0x7FFFFFFF  }
0xc9: {  	_ =	shalt  }
tec
execute0_lowered:
.L_overlay_start_1:
0x0: {  	(tag) =	ssettag $0x1  }
0x1: {  	s0 =	rddreg [dreg:$0x0]  }
0x2: {  	s1 =	rddreg [dreg:$0x1]  }
0x3: {  	s2 =	rddreg [dreg:$0x2]  }
0x4: {  	s6 =	rddreg [dreg:$0x4];
	s3 =	simm.s32 $0x0;
	s4 =	srdreg.scid  }
0x5: {  	s5 =	stileid.u32;
	s12 =	simm.s32 $0x9;
	s13 =	simm.s32 $0x200  }
0x6: {  	s15 =	simm.s32 $0x80;
	s16 =	simm.s32 $0x400;
	s17 =	simm.s32 $0x4400  }
0x7: {  	s18 =	simm.s32 $0x2400;
	s20 =	simm.s32 $0x6400;
	s21 =	simm.s32 $0x1  }
0x8: {  	s22 =	simm.s32 $0x2;
	s23 =	simm.s32 $0x8640;
	s26 =	simm.s32 $0x3  }
0x9: {  	s28 =	simm.s32 $0x4;
	s31 =	simm.s32 $0x5;
	s19 =	simm.s32 $0x8A40  }
0xa: {  	s24 =	simm.s32 $0x0;
	[smem:$0x7FF] =	sst s3;
	s4 =	sand.u32 $0x1, s4  }
0xb: {  	s5 =	sshll.u32 s5, $0x7;
	_ =	strace $0x80000047;
	s7 =	ssub.s32 $0x2, s4  }
0xc: {  	s8 =	sshll.u32 s4, $0x6;
	s4 =	sadd.s32 $0x188A00, s2;
	s9 =	sshrl.u32 s7, $0x1  }
0xd: {  	s8 =	sor.u32 s8, s5;
	s5 =	sadd.s32 $0x24C000, s2;
	s2 =	simm.s32 $0x7  }
0xe: {  	s30 =	ssub.s32 s7, s9;
	s6 =	sadd.s32 s6, s8;
	s7 =	sadd.s32 s0, s8  }
0xf: {  	s8 =	sadd.s32 s1, s8;
	s0 =	simm.s32 $0x6;
	s1 =	simm.s32 $0x8  }
0x10: {  	vm0 =	vcmask $0x3F3C;
	s9 =	sadd.s32 $0x800, s6;
	s10 =	sadd.s32 $0x1000, s6;
	s11 =	smax.u32 s30, $0x1  }
.LBB2_1:
0x11: {  	[tilespmem:s3], [sflag:$0x9] =	stream.linear.gather [hbm4b:s7+s3], $0x200, $0x38;
	[tilespmem:$0x8C40] =	vst v63  }
0x12: {  	_ =	swait.ge [sflag:s12], $0x200  }
0x13: {  	[sflag:s12] =	ssyncset.done $0x0  }
0x14: {  	[sflag:s12] =	ssyncadd.s32 $0xFFFFFE00  }
0x15: {  	[tilespmem:s13], [sflag:$0x9] =	stream.linear.gather [hbm4b:s8+s3], $0x200, $0x38;
	[tilespmem:$0x8C40] =	vst v63  }
0x16: {  	_ =	swait.ge [sflag:s12], $0x200  }
0x17: {  	[sflag:s12] =	ssyncset.done $0x0  }
0x18: {  	[sflag:s12] =	ssyncadd.s32 $0xFFFFFE00  }
0x19: {  	s25 =	simm.s32 $0x8400;
	s14 =	rddreg [dreg:$0x3]  }
0x1a: {  	[tilespmem:s25], [sflag:$0x9] =	stream.linear.gather [hbm4b:s14+s3], $0x240, $0x38;
	[tilespmem:$0x8C40] =	vst v63  }
0x1b: {  	_ =	swait.ge [sflag:s12], $0x240  }
0x1c: {  	[sflag:s12] =	ssyncset.done $0x0  }
0x1d: {  	[sflag:s12] =	ssyncadd.s32 $0xFFFFFDC0  }
0x1e: {  	[tilespmem:s16], [sflag:$0x1] =	stream.indirect.gather [hbm4b:s4+s15], $0x40, s3, s15, $0xb8;
	[tilespmem:$0x8C40] =	vst v63  }
0x1f: {  	_ = 	snop  }
0x20: {  	[tilespmem:s17], [sflag:$0x2] =	stream.indirect.gather [hbm4b:s5+s15], $0x40, s13, s15, $0xb8;
	[tilespmem:$0x8C40] =	vst v63  }
0x21: {  	_ = 	snop  }
0x22: {  	[tilespmem:s18], [sflag:$0x3] =	stream.indirect.gather [hbm4b:s4+s15], $0x40, s15, s15, $0xb8;
	[tilespmem:$0x8C40] =	vst v63  }
0x23: {  	s25 =	simm.s32 $0x280  }
0x24: {  	[tilespmem:s20], [sflag:$0x4] =	stream.indirect.gather [hbm4b:s5+s15], $0x40, s25, s15, $0xb8;
	[tilespmem:$0x8C40] =	vst v63  }
0x25: {  	v0 =	vld [tilespmem:$0x8400]  }
0x26: {  	v1 =	vld [tilespmem:$0x8410]  }
0x27: {  	v2 =	vld [tilespmem:$0x8420]  }
0x28: {  	v3 =	vld [tilespmem:$0x8430]  }
0x29: {  	v4 =	vld [tilespmem:$0x8440]  }
0x2a: {  	v5 =	vld [tilespmem:$0x8450]  }
0x2b: {  	v6 =	vld [tilespmem:$0x8460]  }
0x2c: {  	v7 =	vld [tilespmem:$0x8470]  }
0x2d: {  	v8 =	vld [tilespmem:$0x8480]  }
0x2e: {  	v9 =	vld [tilespmem:$0x8490]  }
0x2f: {  	v10 =	vld [tilespmem:$0x84A0]  }
0x30: {  	v11 =	vld [tilespmem:$0x84B0]  }
0x31: {  	v12 =	vld [tilespmem:$0x84C0]  }
0x32: {  	v13 =	vld [tilespmem:$0x84D0]  }
0x33: {  	v14 =	vld [tilespmem:$0x84E0]  }
0x34: {  	v15 =	vld [tilespmem:$0x84F0]  }
0x35: {  	v16 =	vld [tilespmem:$0x8500]  }
0x36: {  	v17 =	vld [tilespmem:$0x8510]  }
0x37: {  	v18 =	vld [tilespmem:$0x8520]  }
0x38: {  	v19 =	vld [tilespmem:$0x8530]  }
0x39: {  	v20 =	vld [tilespmem:$0x8540]  }
0x3a: {  	v21 =	vld [tilespmem:$0x8550]  }
0x3b: {  	v22 =	vld [tilespmem:$0x8560]  }
0x3c: {  	v23 =	vld [tilespmem:$0x8570]  }
0x3d: {  	v24 =	vld [tilespmem:$0x8580]  }
0x3e: {  	v25 =	vld [tilespmem:$0x8590]  }
0x3f: {  	v26 =	vld [tilespmem:$0x85A0]  }
0x40: {  	v27 =	vld [tilespmem:$0x85B0]  }
0x41: {  	v28 =	vld [tilespmem:$0x85C0]  }
0x42: {  	v29 =	vld [tilespmem:$0x85D0]  }
0x43: {  	v30 =	vld [tilespmem:$0x85E0]  }
0x44: {  	v31 =	vld [tilespmem:$0x85F0]  }
0x45: {  	v32 =	vld [tilespmem:$0x8600]  }
0x46: {  	v33 =	vld [tilespmem:$0x8610]  }
0x47: {  	v34 =	vld [tilespmem:$0x8620]  }
0x48: {  	v35 =	vld [tilespmem:$0x8630];
	_ =	swait.ge [sflag:s21], $0x2000  }
0x49: {  	[sflag:s21] =	ssyncset.done $0x0  }
0x4a: {  	[sflag:s21] =	ssyncadd.s32 $0xFFFFE000  }
0x4b: {  	_ =	swait.ge [sflag:s22], $0x2000  }
0x4c: {  	s29 =	simm.s32 $0x4480;
	[sflag:s22] =	ssyncset.done $0x0  }
0x4d: {  	s30 =	simm.s32 $0x480;
	s25 =	simm.s32 $0x403;
	[sflag:s22] =	ssyncadd.s32 $0xFFFFE000  }
.LBB2_2:
0x4e: {  	v36 =	vld [tilespmem:s30+$0xFFFFFF80]  }
0x4f: {  	v37 =	vld [tilespmem:s30+$0xFFFFFF90]  }
0x50: {  	v38 =	vld [tilespmem:s30+$0xFFFFFFA0]  }
0x51: {  	v39 =	vld [tilespmem:s30+$0xFFFFFFB0]  }
0x52: {  	v40 =	vld [tilespmem:s29+$0xFFFFFF80]  }
0x53: {  	v43 =	vld [tilespmem:s29+$0xFFFFFF90];
	_ =	sdelay $0x1  }
0x54: {  	v41 =	vmul.f32 v36, v0  }
0x55: {  	v44 =	vld [tilespmem:s29+$0xFFFFFFA0];
	v42 =	vmul.f32 v37, v1;
	v49 =	vmul.f32 v38, v2  }
0x56: {  	v50 =	vmul.f32 v39, v3;
	v51 =	vmul.f32 v40, v12  }
0x57: {  	v45 =	vmul.f32 v43, v13;
	v46 =	vmul.f32 v36, v4  }
0x58: {  	v47 =	vmul.f32 v37, v5;
	v52 =	vmul.f32 v36, v8  }
0x59: {  	v48 =	vmul.f32 v37, v9;
	v53 =	vmul.f32 v38, v6;
	v41 =	vadd.f32 v42, v41  }
0x5a: {  	v54 =	vmul.f32 v38, v10;
	v55 =	vmul.f32 v44, v14;
	v46 =	vadd.f32 v47, v46  }
0x5b: {  	v56 =	vmul.f32 v39, v7;
	v42 =	vadd.f32 v48, v52;
	v41 =	vadd.f32 v49, v41  }
0x5c: {  	v57 =	vmul.f32 v39, v11;
	v58 =	vmul.f32 v40, v16;
	v46 =	vadd.f32 v53, v46  }
0x5d: {  	v60 =	vmul.f32 v40, v20;
	v42 =	vadd.f32 v54, v42;
	v41 =	vadd.f32 v50, v41  }
0x5e: {  	v36 =	vmul.f32 v40, v36;
	v62 =	vmul.f32 v43, v17;
	v49 =	vld [tilespmem:s29+$0xFFFFFFB0];
	v46 =	vadd.f32 v56, v46  }
0x5f: {  	v63 =	vmul.f32 v43, v21;
	v42 =	vadd.f32 v57, v42;
	v41 =	vadd.f32 v51, v41  }
0x60: {  	v37 =	vmul.f32 v43, v37;
	v38 =	vmul.f32 v44, v38;
	v61 =	vadd.f32 v58, v46  }
0x61: {  	v48 =	vmul.f32 v36, v24;
	v42 =	vadd.f32 v60, v42;
	v41 =	vadd.f32 v45, v41  }
0x62: {  	v50 =	vmul.f32 v44, v18;
	v51 =	vmul.f32 v44, v22;
	v40 =	vadd.f32 v62, v61  }
0x63: {  	v59 =	vmul.f32 v49, v15;
	v42 =	vadd.f32 v63, v42;
	v41 =	vadd.f32 v55, v41  }
0x64: {  	v53 =	vmul.f32 v37, v25;
	v52 =	vmul.f32 v49, v19;
	v40 =	vadd.f32 v50, v40  }
0x65: {  	v54 =	vmul.f32 v49, v23;
	v42 =	vadd.f32 v51, v42;
	v41 =	vadd.f32 v59, v41  }
0x66: {  	v56 =	vmul.f32 v38, v26;
	v55 =	vmul.f32 v36, v28;
	v40 =	vadd.f32 v52, v40  }
0x67: {  	v36 =	vmul.f32 v36, v32;
	v42 =	vadd.f32 v54, v42;
	v41 =	vadd.f32 v41, v48  }
0x68: {  	v57 =	vmul.f32 v37, v29;
	v37 =	vmul.f32 v37, v33;
	v40 =	vadd.f32 v40, v55  }
0x69: {  	v39 =	vmul.f32 v49, v39;
	v36 =	vadd.f32 v42, v36;
	v41 =	vadd.f32 v41, v53  }
0x6a: {  	v58 =	vmul.f32 v38, v30;
	v60 =	vmul.f32 v38, v34;
	v40 =	vadd.f32 v40, v57  }
0x6b: {  	v59 =	vmul.f32 v39, v27;
	v36 =	vadd.f32 v36, v37;
	v41 =	vadd.f32 v41, v56  }
0x6c: {  	v62 =	vmul.f32 v39, v31;
	v61 =	vadd.f32 v40, v58  }
0x6d: {  	v63 =	vmul.f32 v39, v35;
	v36 =	vadd.f32 v36, v60;
	v41 =	vadd.f32 v41, v59  }
0x6e: {  	v38 =	vadd.f32 v61, v62  }
0x6f: {  	v36 =	vadd.f32 v36, v63;
	(xrf2) =	vadd.scan.msk.f32 $0xffff, v41  }
0x70: {  	(xrf2) =	vadd.scan.msk.f32 $0xffff, v38  }
0x71: {  	s14 =	sadd.s32 $0xFFFFFBFD, s25;
	(xrf2) =	vadd.scan.msk.f32 $0xffff, v36  }
0x72: {  	v41 =	vmov s14;
	s14 =	sadd.s32 $0xFFFFFDFD, s25  }
0x73: {  	v42 =	vmov s14;
	s14 =	sadd.s32 $0xFFFFFFFD, s25;
	v36 =	vand.u32 $0xFFFFFFFC, v41  }
0x74: {  	v37 =	vand.u32 $0xFFFFFFFC, v42;
	v43 =	vmov s14;
	v36 =	vbroadcast v36, $0x0  }
0x75: {  	v37 =	vbroadcast v37, $0x0;
	v38 =	vand.u32 $0xFFFFFFFC, v43  }
0x76: {  	v38 =	vbroadcast v38, $0x0;
	_ =	sdelay $0x2  }
0x77: {  	v44, _, _ =	vpop (xrf2)  }
0x78: {  	[tilespmem:v36+s23+$0x0] =	vst.idx.msk vm0, v44;
	v45, _, _ =	vpop (xrf2)  }
0x79: {  	[tilespmem:v37+s23+$0x0] =	vst.idx.msk vm0, v45;
	v46, _, _ =	vpop (xrf2)  }
0x7a: {  	[tilespmem:v38+s23+$0x0] =	vst.idx.msk vm0, v46  }
0x7b: {  	v36 =	vld [tilespmem:s30+$0xFFFFFFC0]  }
0x7c: {  	v37 =	vld [tilespmem:s30+$0xFFFFFFD0]  }
0x7d: {  	v38 =	vld [tilespmem:s30+$0xFFFFFFE0]  }
0x7e: {  	v39 =	vld [tilespmem:s30+$0xFFFFFFF0]  }
0x7f: {  	v40 =	vld [tilespmem:s29+$0xFFFFFFC0]  }
0x80: {  	v43 =	vld [tilespmem:s29+$0xFFFFFFD0];
	_ =	sdelay $0x1  }
0x81: {  	v47 =	vmul.f32 v36, v0  }
0x82: {  	v48 =	vmul.f32 v37, v1;
	v49 =	vmul.f32 v38, v2  }
0x83: {  	v44 =	vld [tilespmem:s29+$0xFFFFFFE0];
	v50 =	vmul.f32 v39, v3;
	v51 =	vmul.f32 v40, v12  }
0x84: {  	v52 =	vmul.f32 v43, v13;
	v53 =	vmul.f32 v36, v4  }
0x85: {  	v54 =	vmul.f32 v37, v5;
	v55 =	vmul.f32 v36, v8;
	v41 =	vadd.f32 v48, v47  }
0x86: {  	v56 =	vmul.f32 v37, v9;
	v57 =	vmul.f32 v38, v6  }
0x87: {  	v58 =	vmul.f32 v38, v10;
	v46 =	vadd.f32 v54, v53;
	v41 =	vadd.f32 v49, v41  }
0x88: {  	v59 =	vmul.f32 v44, v14;
	v60 =	vmul.f32 v39, v7;
	v42 =	vadd.f32 v56, v55  }
0x89: {  	v61 =	vmul.f32 v39, v11;
	v46 =	vadd.f32 v57, v46;
	v41 =	vadd.f32 v50, v41  }
0x8a: {  	v62 =	vmul.f32 v40, v16;
	v36 =	vmul.f32 v40, v36;
	v42 =	vadd.f32 v58, v42  }
0x8b: {  	v37 =	vmul.f32 v43, v37;
	v49 =	vld [tilespmem:s29+$0xFFFFFFF0];
	v46 =	vadd.f32 v60, v46;
	v41 =	vadd.f32 v51, v41  }
0x8c: {  	v38 =	vmul.f32 v44, v38;
	v42 =	vadd.f32 v61, v42;
	v50 =	vmul.f32 v40, v20  }
0x8d: {  	v51 =	vadd.f32 v62, v46;
	v41 =	vadd.f32 v52, v41;
	v52 =	vmul.f32 v43, v17  }
0x8e: {  	v53 =	vmul.f32 v43, v21;
	v54 =	vmul.f32 v36, v24;
	v42 =	vadd.f32 v50, v42  }
0x8f: {  	v55 =	vmul.f32 v44, v18;
	v56 =	vmul.f32 v44, v22;
	v40 =	vadd.f32 v52, v51  }
0x90: {  	v63 =	vmul.f32 v49, v15;
	v42 =	vadd.f32 v53, v42;
	v41 =	vadd.f32 v59, v41  }
0x91: {  	v58 =	vmul.f32 v37, v25;
	v57 =	vmul.f32 v49, v19;
	v40 =	vadd.f32 v55, v40  }
0x92: {  	v42 =	vadd.f32 v56, v42;
	v59 =	vmul.f32 v49, v23;
	v41 =	vadd.f32 v63, v41  }
0x93: {  	v60 =	vmul.f32 v36, v28;
	v36 =	vmul.f32 v36, v32;
	v40 =	vadd.f32 v57, v40  }
0x94: {  	v61 =	vmul.f32 v38, v26;
	v42 =	vadd.f32 v59, v42;
	v41 =	vadd.f32 v41, v54  }
0x95: {  	v62 =	vmul.f32 v37, v29;
	v37 =	vmul.f32 v37, v33;
	v40 =	vadd.f32 v40, v60  }
0x96: {  	v39 =	vmul.f32 v49, v39;
	v36 =	vadd.f32 v42, v36;
	v41 =	vadd.f32 v41, v58  }
0x97: {  	v46 =	vmul.f32 v38, v34;
	v63 =	vmul.f32 v38, v30;
	v40 =	vadd.f32 v40, v62  }
0x98: {  	v45 =	vmul.f32 v39, v27;
	v36 =	vadd.f32 v36, v37;
	v41 =	vadd.f32 v41, v61  }
0x99: {  	v48 =	vmul.f32 v39, v31;
	v47 =	vadd.f32 v40, v63  }
0x9a: {  	v49 =	vmul.f32 v39, v35;
	v36 =	vadd.f32 v36, v46;
	v41 =	vadd.f32 v41, v45  }
0x9b: {  	v38 =	vadd.f32 v47, v48  }
0x9c: {  	v36 =	vadd.f32 v36, v49;
	(xrf2) =	vadd.scan.msk.f32 $0xffff, v41  }
0x9d: {  	(xrf2) =	vadd.scan.msk.f32 $0xffff, v38  }
0x9e: {  	s14 =	sadd.s32 $0xFFFFFBFE, s25;
	(xrf2) =	vadd.scan.msk.f32 $0xffff, v36  }
0x9f: {  	v50 =	vmov s14;
	s14 =	sadd.s32 $0xFFFFFDFE, s25  }
0xa0: {  	v51 =	vmov s14;
	s14 =	sadd.s32 $0xFFFFFFFE, s25;
	v36 =	vand.u32 $0xFFFFFFFD, v50  }
0xa1: {  	v52 =	vmov s14;
	v37 =	vand.u32 $0xFFFFFFFD, v51;
	v36 =	vbroadcast v36, $0x0  }
0xa2: {  	v37 =	vbroadcast v37, $0x0;
	v38 =	vand.u32 $0xFFFFFFFD, v52  }
0xa3: {  	v38 =	vbroadcast v38, $0x0;
	_ =	sdelay $0x2  }
0xa4: {  	v53, _, _ =	vpop (xrf2)  }
0xa5: {  	[tilespmem:v36+s23+$0x0] =	vst.idx.msk vm0, v53;
	v54, _, _ =	vpop (xrf2)  }
0xa6: {  	[tilespmem:v37+s23+$0x0] =	vst.idx.msk vm0, v54;
	v55, _, _ =	vpop (xrf2)  }
0xa7: {  	[tilespmem:v38+s23+$0x0] =	vst.idx.msk vm0, v55  }
0xa8: {  	v36 =	vld [tilespmem:s30+$0x0]  }
0xa9: {  	v37 =	vld [tilespmem:s30+$0x10]  }
0xaa: {  	v38 =	vld [tilespmem:s30+$0x20]  }
0xab: {  	v39 =	vld [tilespmem:s30+$0x30]  }
0xac: {  	v40 =	vld [tilespmem:s29+$0x0]  }
0xad: {  	v43 =	vld [tilespmem:s29+$0x10];
	_ =	sdelay $0x2  }
0xae: {  	v56 =	vmul.f32 v36, v0;
	v57 =	vmul.f32 v37, v1  }
0xaf: {  	v58 =	vmul.f32 v38, v2;
	v59 =	vmul.f32 v39, v3  }
0xb0: {  	v60 =	vmul.f32 v40, v12;
	v61 =	vmul.f32 v43, v13;
	v41 =	vadd.f32 v57, v56  }
0xb1: {  	v62 =	vmul.f32 v36, v4;
	v63 =	vmul.f32 v37, v5  }
0xb2: {  	v44 =	vld [tilespmem:s29+$0x20];
	v52 =	vmul.f32 v36, v8;
	v53 =	vmul.f32 v37, v9;
	v41 =	vadd.f32 v58, v41  }
0xb3: {  	v54 =	vmul.f32 v38, v6;
	v55 =	vmul.f32 v38, v10;
	v46 =	vadd.f32 v63, v62  }
0xb4: {  	v36 =	vmul.f32 v40, v36;
	v42 =	vadd.f32 v53, v52;
	v41 =	vadd.f32 v59, v41  }
0xb5: {  	v48 =	vmul.f32 v43, v21;
	v57 =	vmul.f32 v39, v7;
	v46 =	vadd.f32 v54, v46  }
0xb6: {  	v42 =	vadd.f32 v55, v42;
	v58 =	vmul.f32 v39, v11;
	v41 =	vadd.f32 v60, v41  }
0xb7: {  	v49 =	vld [tilespmem:s29+$0x30];
	v51 =	vmul.f32 v44, v18;
	v46 =	vadd.f32 v57, v46;
	v59 =	vmul.f32 v40, v16  }
0xb8: {  	v42 =	vadd.f32 v58, v42;
	v41 =	vadd.f32 v61, v41;
	v61 =	vmul.f32 v40, v20  }
0xb9: {  	v37 =	vmul.f32 v43, v37;
	v63 =	vmul.f32 v43, v17;
	v62 =	vadd.f32 v59, v46  }
0xba: {  	v38 =	vmul.f32 v44, v38;
	v56 =	vmul.f32 v44, v14;
	v42 =	vadd.f32 v61, v42  }
0xbb: {  	v50 =	vmul.f32 v36, v24;
	v52 =	vmul.f32 v44, v22;
	v40 =	vadd.f32 v63, v62  }
0xbc: {  	v60 =	vmul.f32 v49, v15;
	v41 =	vadd.f32 v56, v41;
	v42 =	vadd.f32 v48, v42  }
0xbd: {  	v53 =	vmul.f32 v49, v19;
	v54 =	vmul.f32 v37, v25;
	v40 =	vadd.f32 v51, v40  }
0xbe: {  	v55 =	vmul.f32 v49, v23;
	v41 =	vadd.f32 v60, v41;
	v42 =	vadd.f32 v52, v42  }
0xbf: {  	v39 =	vmul.f32 v49, v39;
	v56 =	vmul.f32 v36, v28;
	v40 =	vadd.f32 v53, v40  }
0xc0: {  	v36 =	vmul.f32 v36, v32;
	v41 =	vadd.f32 v41, v50;
	v42 =	vadd.f32 v55, v42  }
0xc1: {  	v57 =	vmul.f32 v38, v26;
	v58 =	vmul.f32 v37, v29;
	v40 =	vadd.f32 v40, v56  }
0xc2: {  	v37 =	vmul.f32 v37, v33;
	v41 =	vadd.f32 v41, v54;
	v36 =	vadd.f32 v42, v36  }
0xc3: {  	v59 =	vmul.f32 v38, v30;
	v61 =	vmul.f32 v38, v34;
	v40 =	vadd.f32 v40, v58  }
0xc4: {  	v60 =	vmul.f32 v39, v27;
	v41 =	vadd.f32 v41, v57;
	v36 =	vadd.f32 v36, v37  }
0xc5: {  	v63 =	vmul.f32 v39, v31;
	v62 =	vadd.f32 v40, v59  }
0xc6: {  	v42 =	vmul.f32 v39, v35;
	v41 =	vadd.f32 v41, v60;
	v36 =	vadd.f32 v36, v61  }
0xc7: {  	v38 =	vadd.f32 v62, v63  }
0xc8: {  	(xrf2) =	vadd.scan.msk.f32 $0xffff, v41;
	v36 =	vadd.f32 v36, v42  }
0xc9: {  	(xrf2) =	vadd.scan.msk.f32 $0xffff, v38  }
0xca: {  	s14 =	sadd.s32 $0xFFFFFBFF, s25;
	(xrf2) =	vadd.scan.msk.f32 $0xffff, v36  }
0xcb: {  	v43 =	vmov s14;
	s14 =	sadd.s32 $0xFFFFFDFF, s25  }
0xcc: {  	v44 =	vmov s14;
	s14 =	sadd.s32 $0xFFFFFFFF, s25;
	v36 =	vand.u32 $0xFFFFFFFE, v43  }
0xcd: {  	v45 =	vmov s14;
	v37 =	vand.u32 $0xFFFFFFFE, v44;
	v36 =	vbroadcast v36, $0x0  }
0xce: {  	v37 =	vbroadcast v37, $0x0;
	v38 =	vand.u32 $0xFFFFFFFE, v45  }
0xcf: {  	v38 =	vbroadcast v38, $0x0;
	_ =	sdelay $0x2  }
0xd0: {  	v46, _, _ =	vpop (xrf2)  }
0xd1: {  	[tilespmem:v36+s23+$0x0] =	vst.idx.msk vm0, v46;
	v47, _, _ =	vpop (xrf2)  }
0xd2: {  	[tilespmem:v37+s23+$0x0] =	vst.idx.msk vm0, v47;
	v48, _, _ =	vpop (xrf2)  }
0xd3: {  	[tilespmem:v38+s23+$0x0] =	vst.idx.msk vm0, v48  }
0xd4: {  	v36 =	vld [tilespmem:s30+$0x40]  }
0xd5: {  	v37 =	vld [tilespmem:s30+$0x50]  }
0xd6: {  	v38 =	vld [tilespmem:s30+$0x60]  }
0xd7: {  	v39 =	vld [tilespmem:s30+$0x70]  }
0xd8: {  	v40 =	vld [tilespmem:s29+$0x40]  }
0xd9: {  	v43 =	vld [tilespmem:s29+$0x50];
	_ =	sdelay $0x2  }
0xda: {  	v49 =	vmul.f32 v36, v0;
	v50 =	vmul.f32 v37, v1  }
0xdb: {  	v44 =	vld [tilespmem:s29+$0x60];
	v51 =	vmul.f32 v38, v2;
	v52 =	vmul.f32 v39, v3  }
0xdc: {  	v53 =	vmul.f32 v40, v12;
	v54 =	vmul.f32 v43, v13;
	v41 =	vadd.f32 v50, v49  }
0xdd: {  	v55 =	vmul.f32 v36, v4;
	v56 =	vmul.f32 v37, v5  }
0xde: {  	v57 =	vmul.f32 v36, v8;
	v58 =	vmul.f32 v37, v9;
	v41 =	vadd.f32 v51, v41  }
0xdf: {  	v59 =	vmul.f32 v38, v6;
	v60 =	vmul.f32 v38, v10;
	v46 =	vadd.f32 v56, v55  }
0xe0: {  	v61 =	vmul.f32 v44, v14;
	v42 =	vadd.f32 v58, v57;
	v41 =	vadd.f32 v52, v41  }
0xe1: {  	v62 =	vmul.f32 v39, v7;
	v63 =	vmul.f32 v39, v11;
	v46 =	vadd.f32 v59, v46  }
0xe2: {  	v36 =	vmul.f32 v40, v36;
	v42 =	vadd.f32 v60, v42;
	v41 =	vadd.f32 v53, v41  }
0xe3: {  	v37 =	vmul.f32 v43, v37;
	v49 =	vld [tilespmem:s29+$0x70];
	v46 =	vadd.f32 v62, v46;
	v52 =	vmul.f32 v40, v16  }
0xe4: {  	v42 =	vadd.f32 v63, v42;
	v41 =	vadd.f32 v54, v41;
	v54 =	vmul.f32 v40, v20  }
0xe5: {  	v38 =	vmul.f32 v44, v38;
	v56 =	vmul.f32 v43, v17;
	v55 =	vadd.f32 v52, v46  }
0xe6: {  	v57 =	vmul.f32 v43, v21;
	v58 =	vmul.f32 v36, v24;
	v42 =	vadd.f32 v54, v42  }
0xe7: {  	v59 =	vmul.f32 v44, v18;
	v60 =	vmul.f32 v44, v22;
	v40 =	vadd.f32 v56, v55  }
0xe8: {  	v53 =	vmul.f32 v49, v15;
	v41 =	vadd.f32 v61, v41;
	v42 =	vadd.f32 v57, v42  }
0xe9: {  	v48 =	vmul.f32 v36, v28;
	v40 =	vadd.f32 v59, v40;
	v61 =	vmul.f32 v49, v19  }
0xea: {  	v63 =	vmul.f32 v49, v23;
	v41 =	vadd.f32 v53, v41;
	v42 =	vadd.f32 v60, v42  }
0xeb: {  	v36 =	vmul.f32 v36, v32;
	v50 =	vmul.f32 v38, v26;
	v40 =	vadd.f32 v61, v40  }
0xec: {  	v62 =	vmul.f32 v37, v25;
	v41 =	vadd.f32 v41, v58;
	v42 =	vadd.f32 v63, v42  }
0xed: {  	v51 =	vmul.f32 v37, v29;
	v37 =	vmul.f32 v37, v33;
	v40 =	vadd.f32 v40, v48  }
0xee: {  	v39 =	vmul.f32 v49, v39;
	v41 =	vadd.f32 v41, v62;
	v36 =	vadd.f32 v42, v36  }
0xef: {  	v52 =	vmul.f32 v38, v30;
	v54 =	vmul.f32 v38, v34;
	v40 =	vadd.f32 v40, v51  }
0xf0: {  	v53 =	vmul.f32 v39, v27;
	v41 =	vadd.f32 v41, v50;
	v36 =	vadd.f32 v36, v37  }
0xf1: {  	v56 =	vmul.f32 v39, v31;
	v55 =	vadd.f32 v40, v52  }
0xf2: {  	v57 =	vmul.f32 v39, v35;
	v41 =	vadd.f32 v41, v53;
	v36 =	vadd.f32 v36, v54  }
0xf3: {  	v38 =	vadd.f32 v55, v56  }
0xf4: {  	(xrf2) =	vadd.scan.msk.f32 $0xffff, v41;
	v36 =	vadd.f32 v36, v57  }
0xf5: {  	(xrf2) =	vadd.scan.msk.f32 $0xffff, v38  }
0xf6: {  	(xrf2) =	vadd.scan.msk.f32 $0xffff, v36;
	_ =	sdelay $0x2  }
0xf7: {  	s14 =	sadd.s32 $0xFFFFFC00, s25  }
0xf8: {  	v58 =	vmov s14;
	s14 =	sadd.s32 $0xFFFFFE00, s25  }
0xf9: {  	v59 =	vmov s14  }
0xfa: {  	p0 =	sne.s32 s25, $0x47F;
	v60 =	vmov s25  }
.Ltmp0:
0xfb: {  	_ = 	snop;
	(pc) =	sbr.rel @p0 .LBB2_2-.Ltmp0, $4  }
0xfc: {  	v61, _, _ =	vpop (xrf2)  }
0xfd: {  	v62, _, _ =	vpop (xrf2);
	[tilespmem:v58+s23+$0x0] =	vst.idx.msk vm0, v61  }
0xfe: {  	[tilespmem:v59+s23+$0x0] =	vst.idx.msk vm0, v62;
	v63, _, _ =	vpop (xrf2)  }
0xff: {  	s30 =	sadd.s32 $0x100, s30;
	s29 =	sadd.s32 $0x100, s29;
	s25 =	sadd.s32 $0x4, s25;
	[tilespmem:v60+s23+$0x0] =	vst.idx.msk vm0, v63  }
0x100: {  	s14 =	simm.s32 $0x100  }
0x101: {  	[tilespmem:s16], [sflag:$0x5] =	stream.indirect.gather [hbm4b:s4+s15], $0x40, s14, s15, $0xb8;
	[tilespmem:$0x8C40] =	vst v63  }
0x102: {  	s25 =	simm.s32 $0x300  }
0x103: {  	[tilespmem:s17], [sflag:$0x6] =	stream.indirect.gather [hbm4b:s5+s15], $0x40, s25, s15, $0xb8;
	[tilespmem:$0x8C40] =	vst v63  }
0x104: {  	_ =	swait.ge [sflag:s26], $0x2000  }
0x105: {  	[sflag:s26] =	ssyncset.done $0x0  }
0x106: {  	[sflag:s26] =	ssyncadd.s32 $0xFFFFE000  }
0x107: {  	_ =	swait.ge [sflag:s28], $0x2000  }
0x108: {  	s29 =	simm.s32 $0x64F0;
	[sflag:s28] =	ssyncset.done $0x0  }
0x109: {  	s30 =	simm.s32 $0x24F0;
	s25 =	simm.s32 $0x483;
	[sflag:s28] =	ssyncadd.s32 $0xFFFFE000  }
.LBB2_4:
0x10a: {  	v36 =	vld [tilespmem:s30+$0xFFFFFF10]  }
0x10b: {  	v37 =	vld [tilespmem:s30+$0xFFFFFF20]  }
0x10c: {  	v38 =	vld [tilespmem:s30+$0xFFFFFF30]  }
0x10d: {  	v39 =	vld [tilespmem:s30+$0xFFFFFF40]  }
0x10e: {  	v40 =	vld [tilespmem:s29+$0xFFFFFF10]  }
0x10f: {  	v43 =	vld [tilespmem:s29+$0xFFFFFF20];
	_ =	sdelay $0x1  }
0x110: {  	v41 =	vmul.f32 v36, v0  }
0x111: {  	v44 =	vld [tilespmem:s29+$0xFFFFFF30];
	v42 =	vmul.f32 v37, v1;
	v49 =	vmul.f32 v38, v2  }
0x112: {  	v50 =	vmul.f32 v39, v3;
	v51 =	vmul.f32 v40, v12  }
0x113: {  	v45 =	vmul.f32 v43, v13;
	v46 =	vmul.f32 v36, v4  }
0x114: {  	v47 =	vmul.f32 v37, v5;
	v52 =	vmul.f32 v36, v8  }
0x115: {  	v48 =	vmul.f32 v37, v9;
	v53 =	vmul.f32 v38, v6;
	v41 =	vadd.f32 v42, v41  }
0x116: {  	v54 =	vmul.f32 v38, v10;
	v55 =	vmul.f32 v44, v14;
	v46 =	vadd.f32 v47, v46  }
0x117: {  	v56 =	vmul.f32 v39, v7;
	v42 =	vadd.f32 v48, v52;
	v41 =	vadd.f32 v49, v41  }
0x118: {  	v57 =	vmul.f32 v39, v11;
	v58 =	vmul.f32 v40, v16;
	v46 =	vadd.f32 v53, v46  }
0x119: {  	v60 =	vmul.f32 v40, v20;
	v42 =	vadd.f32 v54, v42;
	v41 =	vadd.f32 v50, v41  }
0x11a: {  	v36 =	vmul.f32 v40, v36;
	v62 =	vmul.f32 v43, v17;
	v49 =	vld [tilespmem:s29+$0xFFFFFF40];
	v46 =	vadd.f32 v56, v46  }
0x11b: {  	v63 =	vmul.f32 v43, v21;
	v42 =	vadd.f32 v57, v42;
	v41 =	vadd.f32 v51, v41  }
0x11c: {  	v37 =	vmul.f32 v43, v37;
	v38 =	vmul.f32 v44, v38;
	v61 =	vadd.f32 v58, v46  }
0x11d: {  	v48 =	vmul.f32 v36, v24;
	v42 =	vadd.f32 v60, v42;
	v41 =	vadd.f32 v45, v41  }
0x11e: {  	v50 =	vmul.f32 v44, v18;
	v51 =	vmul.f32 v44, v22;
	v40 =	vadd.f32 v62, v61  }
0x11f: {  	v59 =	vmul.f32 v49, v15;
	v42 =	vadd.f32 v63, v42;
	v41 =	vadd.f32 v55, v41  }
0x120: {  	v53 =	vmul.f32 v37, v25;
	v52 =	vmul.f32 v49, v19;
	v40 =	vadd.f32 v50, v40  }
0x121: {  	v54 =	vmul.f32 v49, v23;
	v42 =	vadd.f32 v51, v42;
	v41 =	vadd.f32 v59, v41  }
0x122: {  	v56 =	vmul.f32 v38, v26;
	v55 =	vmul.f32 v36, v28;
	v40 =	vadd.f32 v52, v40  }
0x123: {  	v36 =	vmul.f32 v36, v32;
	v42 =	vadd.f32 v54, v42;
	v41 =	vadd.f32 v41, v48  }
0x124: {  	v57 =	vmul.f32 v37, v29;
	v37 =	vmul.f32 v37, v33;
	v40 =	vadd.f32 v40, v55  }
0x125: {  	v39 =	vmul.f32 v49, v39;
	v36 =	vadd.f32 v42, v36;
	v41 =	vadd.f32 v41, v53  }
0x126: {  	v58 =	vmul.f32 v38, v30;
	v60 =	vmul.f32 v38, v34;
	v40 =	vadd.f32 v40, v57  }
0x127: {  	v59 =	vmul.f32 v39, v27;
	v36 =	vadd.f32 v36, v37;
	v41 =	vadd.f32 v41, v56  }
0x128: {  	v62 =	vmul.f32 v39, v31;
	v61 =	vadd.f32 v40, v58  }
0x129: {  	v63 =	vmul.f32 v39, v35;
	v36 =	vadd.f32 v36, v60;
	v41 =	vadd.f32 v41, v59  }
0x12a: {  	v38 =	vadd.f32 v61, v62  }
0x12b: {  	v36 =	vadd.f32 v36, v63;
	(xrf2) =	vadd.scan.msk.f32 $0xffff, v41  }
0x12c: {  	(xrf2) =	vadd.scan.msk.f32 $0xffff, v38  }
0x12d: {  	s14 =	sadd.s32 $0xFFFFFBFD, s25;
	(xrf2) =	vadd.scan.msk.f32 $0xffff, v36  }
0x12e: {  	v41 =	vmov s14;
	s14 =	sadd.s32 $0xFFFFFDFD, s25  }
0x12f: {  	v42 =	vmov s14;
	s14 =	sadd.s32 $0xFFFFFFFD, s25;
	v36 =	vand.u32 $0xFFFFFFFC, v41  }
0x130: {  	v37 =	vand.u32 $0xFFFFFFFC, v42;
	v43 =	vmov s14;
	v36 =	vbroadcast v36, $0x0  }
0x131: {  	v37 =	vbroadcast v37, $0x0;
	v38 =	vand.u32 $0xFFFFFFFC, v43  }
0x132: {  	v38 =	vbroadcast v38, $0x0;
	_ =	sdelay $0x2  }
0x133: {  	v44, _, _ =	vpop (xrf2)  }
0x134: {  	[tilespmem:v36+s23+$0x0] =	vst.idx.msk vm0, v44;
	v45, _, _ =	vpop (xrf2)  }
0x135: {  	[tilespmem:v37+s23+$0x0] =	vst.idx.msk vm0, v45;
	v46, _, _ =	vpop (xrf2)  }
0x136: {  	[tilespmem:v38+s23+$0x0] =	vst.idx.msk vm0, v46  }
0x137: {  	v36 =	vld [tilespmem:s30+$0xFFFFFF50]  }
0x138: {  	v37 =	vld [tilespmem:s30+$0xFFFFFF60]  }
0x139: {  	v38 =	vld [tilespmem:s30+$0xFFFFFF70]  }
0x13a: {  	v39 =	vld [tilespmem:s30+$0xFFFFFF80]  }
0x13b: {  	v40 =	vld [tilespmem:s29+$0xFFFFFF50]  }
0x13c: {  	v43 =	vld [tilespmem:s29+$0xFFFFFF60];
	_ =	sdelay $0x1  }
0x13d: {  	v47 =	vmul.f32 v36, v0  }
0x13e: {  	v48 =	vmul.f32 v37, v1;
	v49 =	vmul.f32 v38, v2  }
0x13f: {  	v44 =	vld [tilespmem:s29+$0xFFFFFF70];
	v50 =	vmul.f32 v39, v3;
	v51 =	vmul.f32 v40, v12  }
0x140: {  	v52 =	vmul.f32 v43, v13;
	v53 =	vmul.f32 v36, v4  }
0x141: {  	v54 =	vmul.f32 v37, v5;
	v55 =	vmul.f32 v36, v8;
	v41 =	vadd.f32 v48, v47  }
0x142: {  	v56 =	vmul.f32 v37, v9;
	v57 =	vmul.f32 v38, v6  }
0x143: {  	v58 =	vmul.f32 v38, v10;
	v46 =	vadd.f32 v54, v53;
	v41 =	vadd.f32 v49, v41  }
0x144: {  	v59 =	vmul.f32 v44, v14;
	v60 =	vmul.f32 v39, v7;
	v42 =	vadd.f32 v56, v55  }
0x145: {  	v61 =	vmul.f32 v39, v11;
	v46 =	vadd.f32 v57, v46;
	v41 =	vadd.f32 v50, v41  }
0x146: {  	v62 =	vmul.f32 v40, v16;
	v36 =	vmul.f32 v40, v36;
	v42 =	vadd.f32 v58, v42  }
0x147: {  	v37 =	vmul.f32 v43, v37;
	v49 =	vld [tilespmem:s29+$0xFFFFFF80];
	v46 =	vadd.f32 v60, v46;
	v41 =	vadd.f32 v51, v41  }
0x148: {  	v38 =	vmul.f32 v44, v38;
	v42 =	vadd.f32 v61, v42;
	v50 =	vmul.f32 v40, v20  }
0x149: {  	v51 =	vadd.f32 v62, v46;
	v41 =	vadd.f32 v52, v41;
	v52 =	vmul.f32 v43, v17  }
0x14a: {  	v53 =	vmul.f32 v43, v21;
	v54 =	vmul.f32 v36, v24;
	v42 =	vadd.f32 v50, v42  }
0x14b: {  	v55 =	vmul.f32 v44, v18;
	v56 =	vmul.f32 v44, v22;
	v40 =	vadd.f32 v52, v51  }
0x14c: {  	v63 =	vmul.f32 v49, v15;
	v42 =	vadd.f32 v53, v42;
	v41 =	vadd.f32 v59, v41  }
0x14d: {  	v58 =	vmul.f32 v37, v25;
	v57 =	vmul.f32 v49, v19;
	v40 =	vadd.f32 v55, v40  }
0x14e: {  	v42 =	vadd.f32 v56, v42;
	v59 =	vmul.f32 v49, v23;
	v41 =	vadd.f32 v63, v41  }
0x14f: {  	v60 =	vmul.f32 v36, v28;
	v36 =	vmul.f32 v36, v32;
	v40 =	vadd.f32 v57, v40  }
0x150: {  	v61 =	vmul.f32 v38, v26;
	v42 =	vadd.f32 v59, v42;
	v41 =	vadd.f32 v41, v54  }
0x151: {  	v62 =	vmul.f32 v37, v29;
	v37 =	vmul.f32 v37, v33;
	v40 =	vadd.f32 v40, v60  }
0x152: {  	v39 =	vmul.f32 v49, v39;
	v36 =	vadd.f32 v42, v36;
	v41 =	vadd.f32 v41, v58  }
0x153: {  	v46 =	vmul.f32 v38, v34;
	v63 =	vmul.f32 v38, v30;
	v40 =	vadd.f32 v40, v62  }
0x154: {  	v45 =	vmul.f32 v39, v27;
	v36 =	vadd.f32 v36, v37;
	v41 =	vadd.f32 v41, v61  }
0x155: {  	v48 =	vmul.f32 v39, v31;
	v47 =	vadd.f32 v40, v63  }
0x156: {  	v49 =	vmul.f32 v39, v35;
	v36 =	vadd.f32 v36, v46;
	v41 =	vadd.f32 v41, v45  }
0x157: {  	v38 =	vadd.f32 v47, v48  }
0x158: {  	v36 =	vadd.f32 v36, v49;
	(xrf2) =	vadd.scan.msk.f32 $0xffff, v41  }
0x159: {  	(xrf2) =	vadd.scan.msk.f32 $0xffff, v38  }
0x15a: {  	s14 =	sadd.s32 $0xFFFFFBFE, s25;
	(xrf2) =	vadd.scan.msk.f32 $0xffff, v36  }
0x15b: {  	v50 =	vmov s14;
	s14 =	sadd.s32 $0xFFFFFDFE, s25  }
0x15c: {  	v51 =	vmov s14;
	s14 =	sadd.s32 $0xFFFFFFFE, s25;
	v36 =	vand.u32 $0xFFFFFFFD, v50  }
0x15d: {  	v52 =	vmov s14;
	v37 =	vand.u32 $0xFFFFFFFD, v51;
	v36 =	vbroadcast v36, $0x0  }
0x15e: {  	v37 =	vbroadcast v37, $0x0;
	v38 =	vand.u32 $0xFFFFFFFD, v52  }
0x15f: {  	v38 =	vbroadcast v38, $0x0;
	_ =	sdelay $0x2  }
0x160: {  	v53, _, _ =	vpop (xrf2)  }
0x161: {  	[tilespmem:v36+s23+$0x0] =	vst.idx.msk vm0, v53;
	v54, _, _ =	vpop (xrf2)  }
0x162: {  	[tilespmem:v37+s23+$0x0] =	vst.idx.msk vm0, v54;
	v55, _, _ =	vpop (xrf2)  }
0x163: {  	[tilespmem:v38+s23+$0x0] =	vst.idx.msk vm0, v55  }
0x164: {  	v36 =	vld [tilespmem:s30+$0xFFFFFF90]  }
0x165: {  	v37 =	vld [tilespmem:s30+$0xFFFFFFA0]  }
0x166: {  	v38 =	vld [tilespmem:s30+$0xFFFFFFB0]  }
0x167: {  	v39 =	vld [tilespmem:s30+$0xFFFFFFC0]  }
0x168: {  	v40 =	vld [tilespmem:s29+$0xFFFFFF90]  }
0x169: {  	v43 =	vld [tilespmem:s29+$0xFFFFFFA0];
	_ =	sdelay $0x2  }
0x16a: {  	v56 =	vmul.f32 v36, v0;
	v57 =	vmul.f32 v37, v1  }
0x16b: {  	v58 =	vmul.f32 v38, v2;
	v59 =	vmul.f32 v39, v3  }
0x16c: {  	v60 =	vmul.f32 v40, v12;
	v61 =	vmul.f32 v43, v13;
	v41 =	vadd.f32 v57, v56  }
0x16d: {  	v62 =	vmul.f32 v36, v4;
	v63 =	vmul.f32 v37, v5  }
0x16e: {  	v44 =	vld [tilespmem:s29+$0xFFFFFFB0];
	v52 =	vmul.f32 v36, v8;
	v53 =	vmul.f32 v37, v9;
	v41 =	vadd.f32 v58, v41  }
0x16f: {  	v54 =	vmul.f32 v38, v6;
	v55 =	vmul.f32 v38, v10;
	v46 =	vadd.f32 v63, v62  }
0x170: {  	v36 =	vmul.f32 v40, v36;
	v42 =	vadd.f32 v53, v52;
	v41 =	vadd.f32 v59, v41  }
0x171: {  	v48 =	vmul.f32 v43, v21;
	v57 =	vmul.f32 v39, v7;
	v46 =	vadd.f32 v54, v46  }
0x172: {  	v42 =	vadd.f32 v55, v42;
	v58 =	vmul.f32 v39, v11;
	v41 =	vadd.f32 v60, v41  }
0x173: {  	v49 =	vld [tilespmem:s29+$0xFFFFFFC0];
	v51 =	vmul.f32 v44, v18;
	v46 =	vadd.f32 v57, v46;
	v59 =	vmul.f32 v40, v16  }
0x174: {  	v42 =	vadd.f32 v58, v42;
	v41 =	vadd.f32 v61, v41;
	v61 =	vmul.f32 v40, v20  }
0x175: {  	v37 =	vmul.f32 v43, v37;
	v63 =	vmul.f32 v43, v17;
	v62 =	vadd.f32 v59, v46  }
0x176: {  	v38 =	vmul.f32 v44, v38;
	v56 =	vmul.f32 v44, v14;
	v42 =	vadd.f32 v61, v42  }
0x177: {  	v50 =	vmul.f32 v36, v24;
	v52 =	vmul.f32 v44, v22;
	v40 =	vadd.f32 v63, v62  }
0x178: {  	v60 =	vmul.f32 v49, v15;
	v41 =	vadd.f32 v56, v41;
	v42 =	vadd.f32 v48, v42  }
0x179: {  	v53 =	vmul.f32 v49, v19;
	v54 =	vmul.f32 v37, v25;
	v40 =	vadd.f32 v51, v40  }
0x17a: {  	v55 =	vmul.f32 v49, v23;
	v41 =	vadd.f32 v60, v41;
	v42 =	vadd.f32 v52, v42  }
0x17b: {  	v39 =	vmul.f32 v49, v39;
	v56 =	vmul.f32 v36, v28;
	v40 =	vadd.f32 v53, v40  }
0x17c: {  	v36 =	vmul.f32 v36, v32;
	v41 =	vadd.f32 v41, v50;
	v42 =	vadd.f32 v55, v42  }
0x17d: {  	v57 =	vmul.f32 v38, v26;
	v58 =	vmul.f32 v37, v29;
	v40 =	vadd.f32 v40, v56  }
0x17e: {  	v37 =	vmul.f32 v37, v33;
	v41 =	vadd.f32 v41, v54;
	v36 =	vadd.f32 v42, v36  }
0x17f: {  	v59 =	vmul.f32 v38, v30;
	v61 =	vmul.f32 v38, v34;
	v40 =	vadd.f32 v40, v58  }
0x180: {  	v60 =	vmul.f32 v39, v27;
	v41 =	vadd.f32 v41, v57;
	v36 =	vadd.f32 v36, v37  }
0x181: {  	v63 =	vmul.f32 v39, v31;
	v62 =	vadd.f32 v40, v59  }
0x182: {  	v42 =	vmul.f32 v39, v35;
	v41 =	vadd.f32 v41, v60;
	v36 =	vadd.f32 v36, v61  }
0x183: {  	v38 =	vadd.f32 v62, v63  }
0x184: {  	(xrf2) =	vadd.scan.msk.f32 $0xffff, v41;
	v36 =	vadd.f32 v36, v42  }
0x185: {  	(xrf2) =	vadd.scan.msk.f32 $0xffff, v38  }
0x186: {  	s14 =	sadd.s32 $0xFFFFFBFF, s25;
	(xrf2) =	vadd.scan.msk.f32 $0xffff, v36  }
0x187: {  	v43 =	vmov s14;
	s14 =	sadd.s32 $0xFFFFFDFF, s25  }
0x188: {  	v44 =	vmov s14;
	s14 =	sadd.s32 $0xFFFFFFFF, s25;
	v36 =	vand.u32 $0xFFFFFFFE, v43  }
0x189: {  	v45 =	vmov s14;
	v37 =	vand.u32 $0xFFFFFFFE, v44;
	v36 =	vbroadcast v36, $0x0  }
0x18a: {  	v37 =	vbroadcast v37, $0x0;
	v38 =	vand.u32 $0xFFFFFFFE, v45  }
0x18b: {  	v38 =	vbroadcast v38, $0x0;
	_ =	sdelay $0x2  }
0x18c: {  	v46, _, _ =	vpop (xrf2)  }
0x18d: {  	[tilespmem:v36+s23+$0x0] =	vst.idx.msk vm0, v46;
	v47, _, _ =	vpop (xrf2)  }
0x18e: {  	[tilespmem:v37+s23+$0x0] =	vst.idx.msk vm0, v47;
	v48, _, _ =	vpop (xrf2)  }
0x18f: {  	[tilespmem:v38+s23+$0x0] =	vst.idx.msk vm0, v48  }
0x190: {  	v36 =	vld [tilespmem:s30+$0xFFFFFFD0]  }
0x191: {  	v37 =	vld [tilespmem:s30+$0xFFFFFFE0]  }
0x192: {  	v38 =	vld [tilespmem:s30+$0xFFFFFFF0]  }
0x193: {  	v39 =	vld [tilespmem:s30+$0x0]  }
0x194: {  	v40 =	vld [tilespmem:s29+$0xFFFFFFD0]  }
0x195: {  	v43 =	vld [tilespmem:s29+$0xFFFFFFE0];
	_ =	sdelay $0x2  }
0x196: {  	v49 =	vmul.f32 v36, v0;
	v50 =	vmul.f32 v37, v1  }
0x197: {  	v44 =	vld [tilespmem:s29+$0xFFFFFFF0];
	v51 =	vmul.f32 v38, v2;
	v52 =	vmul.f32 v39, v3  }
0x198: {  	v53 =	vmul.f32 v40, v12;
	v54 =	vmul.f32 v43, v13;
	v41 =	vadd.f32 v50, v49  }
0x199: {  	v55 =	vmul.f32 v36, v4;
	v56 =	vmul.f32 v37, v5  }
0x19a: {  	v57 =	vmul.f32 v36, v8;
	v58 =	vmul.f32 v37, v9;
	v41 =	vadd.f32 v51, v41  }
0x19b: {  	v59 =	vmul.f32 v38, v6;
	v60 =	vmul.f32 v38, v10;
	v46 =	vadd.f32 v56, v55  }
0x19c: {  	v61 =	vmul.f32 v44, v14;
	v42 =	vadd.f32 v58, v57;
	v41 =	vadd.f32 v52, v41  }
0x19d: {  	v62 =	vmul.f32 v39, v7;
	v63 =	vmul.f32 v39, v11;
	v46 =	vadd.f32 v59, v46  }
0x19e: {  	v36 =	vmul.f32 v40, v36;
	v42 =	vadd.f32 v60, v42;
	v41 =	vadd.f32 v53, v41  }
0x19f: {  	v37 =	vmul.f32 v43, v37;
	v49 =	vld [tilespmem:s29+$0x0];
	v46 =	vadd.f32 v62, v46;
	v52 =	vmul.f32 v40, v16  }
0x1a0: {  	v42 =	vadd.f32 v63, v42;
	v41 =	vadd.f32 v54, v41;
	v54 =	vmul.f32 v40, v20  }
0x1a1: {  	v38 =	vmul.f32 v44, v38;
	v56 =	vmul.f32 v43, v17;
	v55 =	vadd.f32 v52, v46  }
0x1a2: {  	v57 =	vmul.f32 v43, v21;
	v58 =	vmul.f32 v36, v24;
	v42 =	vadd.f32 v54, v42  }
0x1a3: {  	v59 =	vmul.f32 v44, v18;
	v60 =	vmul.f32 v44, v22;
	v40 =	vadd.f32 v56, v55  }
0x1a4: {  	v53 =	vmul.f32 v49, v15;
	v41 =	vadd.f32 v61, v41;
	v42 =	vadd.f32 v57, v42  }
0x1a5: {  	v48 =	vmul.f32 v36, v28;
	v40 =	vadd.f32 v59, v40;
	v61 =	vmul.f32 v49, v19  }
0x1a6: {  	v63 =	vmul.f32 v49, v23;
	v41 =	vadd.f32 v53, v41;
	v42 =	vadd.f32 v60, v42  }
0x1a7: {  	v36 =	vmul.f32 v36, v32;
	v50 =	vmul.f32 v38, v26;
	v40 =	vadd.f32 v61, v40  }
0x1a8: {  	v62 =	vmul.f32 v37, v25;
	v41 =	vadd.f32 v41, v58;
	v42 =	vadd.f32 v63, v42  }
0x1a9: {  	v51 =	vmul.f32 v37, v29;
	v37 =	vmul.f32 v37, v33;
	v40 =	vadd.f32 v40, v48  }
0x1aa: {  	v39 =	vmul.f32 v49, v39;
	v41 =	vadd.f32 v41, v62;
	v36 =	vadd.f32 v42, v36  }
0x1ab: {  	v52 =	vmul.f32 v38, v30;
	v54 =	vmul.f32 v38, v34;
	v40 =	vadd.f32 v40, v51  }
0x1ac: {  	v53 =	vmul.f32 v39, v27;
	v41 =	vadd.f32 v41, v50;
	v36 =	vadd.f32 v36, v37  }
0x1ad: {  	v56 =	vmul.f32 v39, v31;
	v55 =	vadd.f32 v40, v52  }
0x1ae: {  	v57 =	vmul.f32 v39, v35;
	v41 =	vadd.f32 v41, v53;
	v36 =	vadd.f32 v36, v54  }
0x1af: {  	v38 =	vadd.f32 v55, v56  }
0x1b0: {  	(xrf2) =	vadd.scan.msk.f32 $0xffff, v41;
	v36 =	vadd.f32 v36, v57  }
0x1b1: {  	(xrf2) =	vadd.scan.msk.f32 $0xffff, v38  }
0x1b2: {  	(xrf2) =	vadd.scan.msk.f32 $0xffff, v36;
	_ =	sdelay $0x2  }
0x1b3: {  	s14 =	sadd.s32 $0xFFFFFC00, s25  }
0x1b4: {  	v58 =	vmov s14;
	s14 =	sadd.s32 $0xFFFFFE00, s25  }
0x1b5: {  	v59 =	vmov s14  }
0x1b6: {  	p0 =	sne.s32 s25, $0x4FF;
	v60 =	vmov s25  }
.Ltmp1:
0x1b7: {  	_ = 	snop;
	(pc) =	sbr.rel @p0 .LBB2_4-.Ltmp1, $4  }
0x1b8: {  	v61, _, _ =	vpop (xrf2)  }
0x1b9: {  	v62, _, _ =	vpop (xrf2);
	[tilespmem:v58+s23+$0x0] =	vst.idx.msk vm0, v61  }
0x1ba: {  	[tilespmem:v59+s23+$0x0] =	vst.idx.msk vm0, v62;
	v63, _, _ =	vpop (xrf2)  }
0x1bb: {  	s30 =	sadd.s32 $0x100, s30;
	s29 =	sadd.s32 $0x100, s29;
	s25 =	sadd.s32 $0x4, s25;
	[tilespmem:v60+s23+$0x0] =	vst.idx.msk vm0, v63  }
0x1bc: {  	s14 =	simm.s32 $0x180  }
0x1bd: {  	[tilespmem:s18], [sflag:$0x7] =	stream.indirect.gather [hbm4b:s4+s15], $0x40, s14, s15, $0xb8;
	[tilespmem:$0x8C40] =	vst v63  }
0x1be: {  	s25 =	simm.s32 $0x380  }
0x1bf: {  	[tilespmem:s20], [sflag:$0x8] =	stream.indirect.gather [hbm4b:s5+s15], $0x40, s25, s15, $0xb8;
	[tilespmem:$0x8C40] =	vst v63  }
0x1c0: {  	_ =	swait.ge [sflag:s31], $0x2000  }
0x1c1: {  	[sflag:s31] =	ssyncset.done $0x0  }
0x1c2: {  	[sflag:s31] =	ssyncadd.s32 $0xFFFFE000  }
0x1c3: {  	_ =	swait.ge [sflag:s0], $0x2000  }
0x1c4: {  	s29 =	simm.s32 $0x480;
	[sflag:s0] =	ssyncset.done $0x0  }
0x1c5: {  	s30 =	simm.s32 $0x4480;
	s25 =	simm.s32 $0x503;
	[sflag:s0] =	ssyncadd.s32 $0xFFFFE000  }
.LBB2_6:
0x1c6: {  	v36 =	vld [tilespmem:s29+$0xFFFFFF80]  }
0x1c7: {  	v37 =	vld [tilespmem:s29+$0xFFFFFF90]  }
0x1c8: {  	v38 =	vld [tilespmem:s29+$0xFFFFFFA0]  }
0x1c9: {  	v39 =	vld [tilespmem:s29+$0xFFFFFFB0]  }
0x1ca: {  	v40 =	vld [tilespmem:s30+$0xFFFFFF80]  }
0x1cb: {  	v43 =	vld [tilespmem:s30+$0xFFFFFF90];
	_ =	sdelay $0x1  }
0x1cc: {  	v41 =	vmul.f32 v36, v0  }
0x1cd: {  	v44 =	vld [tilespmem:s30+$0xFFFFFFA0];
	v42 =	vmul.f32 v37, v1;
	v49 =	vmul.f32 v38, v2  }
0x1ce: {  	v50 =	vmul.f32 v39, v3;
	v51 =	vmul.f32 v40, v12  }
0x1cf: {  	v45 =	vmul.f32 v43, v13;
	v46 =	vmul.f32 v36, v4  }
0x1d0: {  	v47 =	vmul.f32 v37, v5;
	v52 =	vmul.f32 v36, v8  }
0x1d1: {  	v48 =	vmul.f32 v37, v9;
	v53 =	vmul.f32 v38, v6;
	v41 =	vadd.f32 v42, v41  }
0x1d2: {  	v54 =	vmul.f32 v38, v10;
	v55 =	vmul.f32 v44, v14;
	v46 =	vadd.f32 v47, v46  }
0x1d3: {  	v56 =	vmul.f32 v39, v7;
	v42 =	vadd.f32 v48, v52;
	v41 =	vadd.f32 v49, v41  }
0x1d4: {  	v57 =	vmul.f32 v39, v11;
	v58 =	vmul.f32 v40, v16;
	v46 =	vadd.f32 v53, v46  }
0x1d5: {  	v60 =	vmul.f32 v40, v20;
	v42 =	vadd.f32 v54, v42;
	v41 =	vadd.f32 v50, v41  }
0x1d6: {  	v36 =	vmul.f32 v40, v36;
	v62 =	vmul.f32 v43, v17;
	v49 =	vld [tilespmem:s30+$0xFFFFFFB0];
	v46 =	vadd.f32 v56, v46  }
0x1d7: {  	v63 =	vmul.f32 v43, v21;
	v42 =	vadd.f32 v57, v42;
	v41 =	vadd.f32 v51, v41  }
0x1d8: {  	v37 =	vmul.f32 v43, v37;
	v38 =	vmul.f32 v44, v38;
	v61 =	vadd.f32 v58, v46  }
0x1d9: {  	v48 =	vmul.f32 v36, v24;
	v42 =	vadd.f32 v60, v42;
	v41 =	vadd.f32 v45, v41  }
0x1da: {  	v50 =	vmul.f32 v44, v18;
	v51 =	vmul.f32 v44, v22;
	v40 =	vadd.f32 v62, v61  }
0x1db: {  	v59 =	vmul.f32 v49, v15;
	v42 =	vadd.f32 v63, v42;
	v41 =	vadd.f32 v55, v41  }
0x1dc: {  	v53 =	vmul.f32 v37, v25;
	v52 =	vmul.f32 v49, v19;
	v40 =	vadd.f32 v50, v40  }
0x1dd: {  	v54 =	vmul.f32 v49, v23;
	v42 =	vadd.f32 v51, v42;
	v41 =	vadd.f32 v59, v41  }
0x1de: {  	v56 =	vmul.f32 v38, v26;
	v55 =	vmul.f32 v36, v28;
	v40 =	vadd.f32 v52, v40  }
0x1df: {  	v36 =	vmul.f32 v36, v32;
	v42 =	vadd.f32 v54, v42;
	v41 =	vadd.f32 v41, v48  }
0x1e0: {  	v57 =	vmul.f32 v37, v29;
	v37 =	vmul.f32 v37, v33;
	v40 =	vadd.f32 v40, v55  }
0x1e1: {  	v39 =	vmul.f32 v49, v39;
	v36 =	vadd.f32 v42, v36;
	v41 =	vadd.f32 v41, v53  }
0x1e2: {  	v58 =	vmul.f32 v38, v30;
	v60 =	vmul.f32 v38, v34;
	v40 =	vadd.f32 v40, v57  }
0x1e3: {  	v59 =	vmul.f32 v39, v27;
	v36 =	vadd.f32 v36, v37;
	v41 =	vadd.f32 v41, v56  }
0x1e4: {  	v62 =	vmul.f32 v39, v31;
	v61 =	vadd.f32 v40, v58  }
0x1e5: {  	v63 =	vmul.f32 v39, v35;
	v36 =	vadd.f32 v36, v60;
	v41 =	vadd.f32 v41, v59  }
0x1e6: {  	v38 =	vadd.f32 v61, v62  }
0x1e7: {  	v36 =	vadd.f32 v36, v63;
	(xrf2) =	vadd.scan.msk.f32 $0xffff, v41  }
0x1e8: {  	(xrf2) =	vadd.scan.msk.f32 $0xffff, v38  }
0x1e9: {  	s14 =	sadd.s32 $0xFFFFFBFD, s25;
	(xrf2) =	vadd.scan.msk.f32 $0xffff, v36  }
0x1ea: {  	v41 =	vmov s14;
	s14 =	sadd.s32 $0xFFFFFDFD, s25  }
0x1eb: {  	v42 =	vmov s14;
	s14 =	sadd.s32 $0xFFFFFFFD, s25;
	v36 =	vand.u32 $0xFFFFFFFC, v41  }
0x1ec: {  	v37 =	vand.u32 $0xFFFFFFFC, v42;
	v43 =	vmov s14;
	v36 =	vbroadcast v36, $0x0  }
0x1ed: {  	v37 =	vbroadcast v37, $0x0;
	v38 =	vand.u32 $0xFFFFFFFC, v43  }
0x1ee: {  	v38 =	vbroadcast v38, $0x0;
	_ =	sdelay $0x2  }
0x1ef: {  	v44, _, _ =	vpop (xrf2)  }
0x1f0: {  	[tilespmem:v36+s23+$0x0] =	vst.idx.msk vm0, v44;
	v45, _, _ =	vpop (xrf2)  }
0x1f1: {  	[tilespmem:v37+s23+$0x0] =	vst.idx.msk vm0, v45;
	v46, _, _ =	vpop (xrf2)  }
0x1f2: {  	[tilespmem:v38+s23+$0x0] =	vst.idx.msk vm0, v46  }
0x1f3: {  	v36 =	vld [tilespmem:s29+$0xFFFFFFC0]  }
0x1f4: {  	v37 =	vld [tilespmem:s29+$0xFFFFFFD0]  }
0x1f5: {  	v38 =	vld [tilespmem:s29+$0xFFFFFFE0]  }
0x1f6: {  	v39 =	vld [tilespmem:s29+$0xFFFFFFF0]  }
0x1f7: {  	v40 =	vld [tilespmem:s30+$0xFFFFFFC0]  }
0x1f8: {  	v43 =	vld [tilespmem:s30+$0xFFFFFFD0];
	_ =	sdelay $0x1  }
0x1f9: {  	v47 =	vmul.f32 v36, v0  }
0x1fa: {  	v48 =	vmul.f32 v37, v1;
	v49 =	vmul.f32 v38, v2  }
0x1fb: {  	v44 =	vld [tilespmem:s30+$0xFFFFFFE0];
	v50 =	vmul.f32 v39, v3;
	v51 =	vmul.f32 v40, v12  }
0x1fc: {  	v52 =	vmul.f32 v43, v13;
	v53 =	vmul.f32 v36, v4  }
0x1fd: {  	v54 =	vmul.f32 v37, v5;
	v55 =	vmul.f32 v36, v8;
	v41 =	vadd.f32 v48, v47  }
0x1fe: {  	v56 =	vmul.f32 v37, v9;
	v57 =	vmul.f32 v38, v6  }
0x1ff: {  	v58 =	vmul.f32 v38, v10;
	v46 =	vadd.f32 v54, v53;
	v41 =	vadd.f32 v49, v41  }
0x200: {  	v59 =	vmul.f32 v44, v14;
	v60 =	vmul.f32 v39, v7;
	v42 =	vadd.f32 v56, v55  }
0x201: {  	v61 =	vmul.f32 v39, v11;
	v46 =	vadd.f32 v57, v46;
	v41 =	vadd.f32 v50, v41  }
0x202: {  	v62 =	vmul.f32 v40, v16;
	v36 =	vmul.f32 v40, v36;
	v42 =	vadd.f32 v58, v42  }
0x203: {  	v37 =	vmul.f32 v43, v37;
	v49 =	vld [tilespmem:s30+$0xFFFFFFF0];
	v46 =	vadd.f32 v60, v46;
	v41 =	vadd.f32 v51, v41  }
0x204: {  	v38 =	vmul.f32 v44, v38;
	v42 =	vadd.f32 v61, v42;
	v50 =	vmul.f32 v40, v20  }
0x205: {  	v51 =	vadd.f32 v62, v46;
	v41 =	vadd.f32 v52, v41;
	v52 =	vmul.f32 v43, v17  }
0x206: {  	v53 =	vmul.f32 v43, v21;
	v54 =	vmul.f32 v36, v24;
	v42 =	vadd.f32 v50, v42  }
0x207: {  	v55 =	vmul.f32 v44, v18;
	v56 =	vmul.f32 v44, v22;
	v40 =	vadd.f32 v52, v51  }
0x208: {  	v63 =	vmul.f32 v49, v15;
	v42 =	vadd.f32 v53, v42;
	v41 =	vadd.f32 v59, v41  }
0x209: {  	v58 =	vmul.f32 v37, v25;
	v57 =	vmul.f32 v49, v19;
	v40 =	vadd.f32 v55, v40  }
0x20a: {  	v42 =	vadd.f32 v56, v42;
	v59 =	vmul.f32 v49, v23;
	v41 =	vadd.f32 v63, v41  }
0x20b: {  	v60 =	vmul.f32 v36, v28;
	v36 =	vmul.f32 v36, v32;
	v40 =	vadd.f32 v57, v40  }
0x20c: {  	v61 =	vmul.f32 v38, v26;
	v42 =	vadd.f32 v59, v42;
	v41 =	vadd.f32 v41, v54  }
0x20d: {  	v62 =	vmul.f32 v37, v29;
	v37 =	vmul.f32 v37, v33;
	v40 =	vadd.f32 v40, v60  }
0x20e: {  	v39 =	vmul.f32 v49, v39;
	v36 =	vadd.f32 v42, v36;
	v41 =	vadd.f32 v41, v58  }
0x20f: {  	v46 =	vmul.f32 v38, v34;
	v63 =	vmul.f32 v38, v30;
	v40 =	vadd.f32 v40, v62  }
0x210: {  	v45 =	vmul.f32 v39, v27;
	v36 =	vadd.f32 v36, v37;
	v41 =	vadd.f32 v41, v61  }
0x211: {  	v48 =	vmul.f32 v39, v31;
	v47 =	vadd.f32 v40, v63  }
0x212: {  	v49 =	vmul.f32 v39, v35;
	v36 =	vadd.f32 v36, v46;
	v41 =	vadd.f32 v41, v45  }
0x213: {  	v38 =	vadd.f32 v47, v48  }
0x214: {  	v36 =	vadd.f32 v36, v49;
	(xrf2) =	vadd.scan.msk.f32 $0xffff, v41  }
0x215: {  	(xrf2) =	vadd.scan.msk.f32 $0xffff, v38  }
0x216: {  	s14 =	sadd.s32 $0xFFFFFBFE, s25;
	(xrf2) =	vadd.scan.msk.f32 $0xffff, v36  }
0x217: {  	v50 =	vmov s14;
	s14 =	sadd.s32 $0xFFFFFDFE, s25  }
0x218: {  	v51 =	vmov s14;
	s14 =	sadd.s32 $0xFFFFFFFE, s25;
	v36 =	vand.u32 $0xFFFFFFFD, v50  }
0x219: {  	v52 =	vmov s14;
	v37 =	vand.u32 $0xFFFFFFFD, v51;
	v36 =	vbroadcast v36, $0x0  }
0x21a: {  	v37 =	vbroadcast v37, $0x0;
	v38 =	vand.u32 $0xFFFFFFFD, v52  }
0x21b: {  	v38 =	vbroadcast v38, $0x0;
	_ =	sdelay $0x2  }
0x21c: {  	v53, _, _ =	vpop (xrf2)  }
0x21d: {  	[tilespmem:v36+s23+$0x0] =	vst.idx.msk vm0, v53;
	v54, _, _ =	vpop (xrf2)  }
0x21e: {  	[tilespmem:v37+s23+$0x0] =	vst.idx.msk vm0, v54;
	v55, _, _ =	vpop (xrf2)  }
0x21f: {  	[tilespmem:v38+s23+$0x0] =	vst.idx.msk vm0, v55  }
0x220: {  	v36 =	vld [tilespmem:s29+$0x0]  }
0x221: {  	v37 =	vld [tilespmem:s29+$0x10]  }
0x222: {  	v38 =	vld [tilespmem:s29+$0x20]  }
0x223: {  	v39 =	vld [tilespmem:s29+$0x30]  }
0x224: {  	v40 =	vld [tilespmem:s30+$0x0]  }
0x225: {  	v43 =	vld [tilespmem:s30+$0x10];
	_ =	sdelay $0x2  }
0x226: {  	v56 =	vmul.f32 v36, v0;
	v57 =	vmul.f32 v37, v1  }
0x227: {  	v58 =	vmul.f32 v38, v2;
	v59 =	vmul.f32 v39, v3  }
0x228: {  	v60 =	vmul.f32 v40, v12;
	v61 =	vmul.f32 v43, v13;
	v41 =	vadd.f32 v57, v56  }
0x229: {  	v62 =	vmul.f32 v36, v4;
	v63 =	vmul.f32 v37, v5  }
0x22a: {  	v44 =	vld [tilespmem:s30+$0x20];
	v52 =	vmul.f32 v36, v8;
	v53 =	vmul.f32 v37, v9;
	v41 =	vadd.f32 v58, v41  }
0x22b: {  	v54 =	vmul.f32 v38, v6;
	v55 =	vmul.f32 v38, v10;
	v46 =	vadd.f32 v63, v62  }
0x22c: {  	v36 =	vmul.f32 v40, v36;
	v42 =	vadd.f32 v53, v52;
	v41 =	vadd.f32 v59, v41  }
0x22d: {  	v48 =	vmul.f32 v43, v21;
	v57 =	vmul.f32 v39, v7;
	v46 =	vadd.f32 v54, v46  }
0x22e: {  	v42 =	vadd.f32 v55, v42;
	v58 =	vmul.f32 v39, v11;
	v41 =	vadd.f32 v60, v41  }
0x22f: {  	v49 =	vld [tilespmem:s30+$0x30];
	v51 =	vmul.f32 v44, v18;
	v46 =	vadd.f32 v57, v46;
	v59 =	vmul.f32 v40, v16  }
0x230: {  	v42 =	vadd.f32 v58, v42;
	v41 =	vadd.f32 v61, v41;
	v61 =	vmul.f32 v40, v20  }
0x231: {  	v37 =	vmul.f32 v43, v37;
	v63 =	vmul.f32 v43, v17;
	v62 =	vadd.f32 v59, v46  }
0x232: {  	v38 =	vmul.f32 v44, v38;
	v56 =	vmul.f32 v44, v14;
	v42 =	vadd.f32 v61, v42  }
0x233: {  	v50 =	vmul.f32 v36, v24;
	v52 =	vmul.f32 v44, v22;
	v40 =	vadd.f32 v63, v62  }
0x234: {  	v60 =	vmul.f32 v49, v15;
	v41 =	vadd.f32 v56, v41;
	v42 =	vadd.f32 v48, v42  }
0x235: {  	v53 =	vmul.f32 v49, v19;
	v54 =	vmul.f32 v37, v25;
	v40 =	vadd.f32 v51, v40  }
0x236: {  	v55 =	vmul.f32 v49, v23;
	v41 =	vadd.f32 v60, v41;
	v42 =	vadd.f32 v52, v42  }
0x237: {  	v39 =	vmul.f32 v49, v39;
	v56 =	vmul.f32 v36, v28;
	v40 =	vadd.f32 v53, v40  }
0x238: {  	v36 =	vmul.f32 v36, v32;
	v41 =	vadd.f32 v41, v50;
	v42 =	vadd.f32 v55, v42  }
0x239: {  	v57 =	vmul.f32 v38, v26;
	v58 =	vmul.f32 v37, v29;
	v40 =	vadd.f32 v40, v56  }
0x23a: {  	v37 =	vmul.f32 v37, v33;
	v41 =	vadd.f32 v41, v54;
	v36 =	vadd.f32 v42, v36  }
0x23b: {  	v59 =	vmul.f32 v38, v30;
	v61 =	vmul.f32 v38, v34;
	v40 =	vadd.f32 v40, v58  }
0x23c: {  	v60 =	vmul.f32 v39, v27;
	v41 =	vadd.f32 v41, v57;
	v36 =	vadd.f32 v36, v37  }
0x23d: {  	v63 =	vmul.f32 v39, v31;
	v62 =	vadd.f32 v40, v59  }
0x23e: {  	v42 =	vmul.f32 v39, v35;
	v41 =	vadd.f32 v41, v60;
	v36 =	vadd.f32 v36, v61  }
0x23f: {  	v38 =	vadd.f32 v62, v63  }
0x240: {  	(xrf2) =	vadd.scan.msk.f32 $0xffff, v41;
	v36 =	vadd.f32 v36, v42  }
0x241: {  	(xrf2) =	vadd.scan.msk.f32 $0xffff, v38  }
0x242: {  	s14 =	sadd.s32 $0xFFFFFBFF, s25;
	(xrf2) =	vadd.scan.msk.f32 $0xffff, v36  }
0x243: {  	v43 =	vmov s14;
	s14 =	sadd.s32 $0xFFFFFDFF, s25  }
0x244: {  	v44 =	vmov s14;
	s14 =	sadd.s32 $0xFFFFFFFF, s25;
	v36 =	vand.u32 $0xFFFFFFFE, v43  }
0x245: {  	v45 =	vmov s14;
	v37 =	vand.u32 $0xFFFFFFFE, v44;
	v36 =	vbroadcast v36, $0x0  }
0x246: {  	v37 =	vbroadcast v37, $0x0;
	v38 =	vand.u32 $0xFFFFFFFE, v45  }
0x247: {  	v38 =	vbroadcast v38, $0x0;
	_ =	sdelay $0x2  }
0x248: {  	v46, _, _ =	vpop (xrf2)  }
0x249: {  	[tilespmem:v36+s23+$0x0] =	vst.idx.msk vm0, v46;
	v47, _, _ =	vpop (xrf2)  }
0x24a: {  	[tilespmem:v37+s23+$0x0] =	vst.idx.msk vm0, v47;
	v48, _, _ =	vpop (xrf2)  }
0x24b: {  	[tilespmem:v38+s23+$0x0] =	vst.idx.msk vm0, v48  }
0x24c: {  	v36 =	vld [tilespmem:s29+$0x40]  }
0x24d: {  	v37 =	vld [tilespmem:s29+$0x50]  }
0x24e: {  	v38 =	vld [tilespmem:s29+$0x60]  }
0x24f: {  	v39 =	vld [tilespmem:s29+$0x70]  }
0x250: {  	v40 =	vld [tilespmem:s30+$0x40]  }
0x251: {  	v43 =	vld [tilespmem:s30+$0x50];
	_ =	sdelay $0x2  }
0x252: {  	v49 =	vmul.f32 v36, v0;
	v50 =	vmul.f32 v37, v1  }
0x253: {  	v44 =	vld [tilespmem:s30+$0x60];
	v51 =	vmul.f32 v38, v2;
	v52 =	vmul.f32 v39, v3  }
0x254: {  	v53 =	vmul.f32 v40, v12;
	v54 =	vmul.f32 v43, v13;
	v41 =	vadd.f32 v50, v49  }
0x255: {  	v55 =	vmul.f32 v36, v4;
	v56 =	vmul.f32 v37, v5  }
0x256: {  	v57 =	vmul.f32 v36, v8;
	v58 =	vmul.f32 v37, v9;
	v41 =	vadd.f32 v51, v41  }
0x257: {  	v59 =	vmul.f32 v38, v6;
	v60 =	vmul.f32 v38, v10;
	v46 =	vadd.f32 v56, v55  }
0x258: {  	v61 =	vmul.f32 v44, v14;
	v42 =	vadd.f32 v58, v57;
	v41 =	vadd.f32 v52, v41  }
0x259: {  	v62 =	vmul.f32 v39, v7;
	v63 =	vmul.f32 v39, v11;
	v46 =	vadd.f32 v59, v46  }
0x25a: {  	v36 =	vmul.f32 v40, v36;
	v42 =	vadd.f32 v60, v42;
	v41 =	vadd.f32 v53, v41  }
0x25b: {  	v37 =	vmul.f32 v43, v37;
	v49 =	vld [tilespmem:s30+$0x70];
	v46 =	vadd.f32 v62, v46;
	v52 =	vmul.f32 v40, v16  }
0x25c: {  	v42 =	vadd.f32 v63, v42;
	v41 =	vadd.f32 v54, v41;
	v54 =	vmul.f32 v40, v20  }
0x25d: {  	v38 =	vmul.f32 v44, v38;
	v56 =	vmul.f32 v43, v17;
	v55 =	vadd.f32 v52, v46  }
0x25e: {  	v57 =	vmul.f32 v43, v21;
	v58 =	vmul.f32 v36, v24;
	v42 =	vadd.f32 v54, v42  }
0x25f: {  	v59 =	vmul.f32 v44, v18;
	v60 =	vmul.f32 v44, v22;
	v40 =	vadd.f32 v56, v55  }
0x260: {  	v53 =	vmul.f32 v49, v15;
	v41 =	vadd.f32 v61, v41;
	v42 =	vadd.f32 v57, v42  }
0x261: {  	v48 =	vmul.f32 v36, v28;
	v40 =	vadd.f32 v59, v40;
	v61 =	vmul.f32 v49, v19  }
0x262: {  	v63 =	vmul.f32 v49, v23;
	v41 =	vadd.f32 v53, v41;
	v42 =	vadd.f32 v60, v42  }
0x263: {  	v36 =	vmul.f32 v36, v32;
	v50 =	vmul.f32 v38, v26;
	v40 =	vadd.f32 v61, v40  }
0x264: {  	v62 =	vmul.f32 v37, v25;
	v41 =	vadd.f32 v41, v58;
	v42 =	vadd.f32 v63, v42  }
0x265: {  	v51 =	vmul.f32 v37, v29;
	v37 =	vmul.f32 v37, v33;
	v40 =	vadd.f32 v40, v48  }
0x266: {  	v39 =	vmul.f32 v49, v39;
	v41 =	vadd.f32 v41, v62;
	v36 =	vadd.f32 v42, v36  }
0x267: {  	v52 =	vmul.f32 v38, v30;
	v54 =	vmul.f32 v38, v34;
	v40 =	vadd.f32 v40, v51  }
0x268: {  	v53 =	vmul.f32 v39, v27;
	v41 =	vadd.f32 v41, v50;
	v36 =	vadd.f32 v36, v37  }
0x269: {  	v56 =	vmul.f32 v39, v31;
	v55 =	vadd.f32 v40, v52  }
0x26a: {  	v57 =	vmul.f32 v39, v35;
	v41 =	vadd.f32 v41, v53;
	v36 =	vadd.f32 v36, v54  }
0x26b: {  	v38 =	vadd.f32 v55, v56  }
0x26c: {  	(xrf2) =	vadd.scan.msk.f32 $0xffff, v41;
	v36 =	vadd.f32 v36, v57  }
0x26d: {  	(xrf2) =	vadd.scan.msk.f32 $0xffff, v38  }
0x26e: {  	(xrf2) =	vadd.scan.msk.f32 $0xffff, v36;
	_ =	sdelay $0x2  }
0x26f: {  	s14 =	sadd.s32 $0xFFFFFC00, s25  }
0x270: {  	v58 =	vmov s14;
	s14 =	sadd.s32 $0xFFFFFE00, s25  }
0x271: {  	v59 =	vmov s14  }
0x272: {  	p0 =	sne.s32 s25, $0x57F;
	v60 =	vmov s25  }
.Ltmp2:
0x273: {  	_ = 	snop;
	(pc) =	sbr.rel @p0 .LBB2_6-.Ltmp2, $4  }
0x274: {  	v61, _, _ =	vpop (xrf2)  }
0x275: {  	v62, _, _ =	vpop (xrf2);
	[tilespmem:v58+s23+$0x0] =	vst.idx.msk vm0, v61  }
0x276: {  	[tilespmem:v59+s23+$0x0] =	vst.idx.msk vm0, v62;
	v63, _, _ =	vpop (xrf2)  }
0x277: {  	s29 =	sadd.s32 $0x100, s29;
	s30 =	sadd.s32 $0x100, s30;
	s25 =	sadd.s32 $0x4, s25;
	[tilespmem:v60+s23+$0x0] =	vst.idx.msk vm0, v63  }
0x278: {  	_ =	swait.ge [sflag:s2], $0x2000  }
0x279: {  	[sflag:s2] =	ssyncset.done $0x0  }
0x27a: {  	[sflag:s2] =	ssyncadd.s32 $0xFFFFE000  }
0x27b: {  	_ =	swait.ge [sflag:s1], $0x2000  }
0x27c: {  	s25 =	simm.s32 $0x583;
	[sflag:s1] =	ssyncset.done $0x0  }
0x27d: {  	s29 =	simm.s32 $0x64F0;
	s30 =	simm.s32 $0x24F0;
	[sflag:s1] =	ssyncadd.s32 $0xFFFFE000  }
.LBB2_8:
0x27e: {  	v36 =	vld [tilespmem:s30+$0xFFFFFF10]  }
0x27f: {  	v37 =	vld [tilespmem:s30+$0xFFFFFF20]  }
0x280: {  	v38 =	vld [tilespmem:s30+$0xFFFFFF30]  }
0x281: {  	v39 =	vld [tilespmem:s30+$0xFFFFFF40]  }
0x282: {  	v40 =	vld [tilespmem:s29+$0xFFFFFF10]  }
0x283: {  	v43 =	vld [tilespmem:s29+$0xFFFFFF20];
	_ =	sdelay $0x1  }
0x284: {  	v41 =	vmul.f32 v36, v0  }
0x285: {  	v44 =	vld [tilespmem:s29+$0xFFFFFF30];
	v42 =	vmul.f32 v37, v1;
	v49 =	vmul.f32 v38, v2  }
0x286: {  	v50 =	vmul.f32 v39, v3;
	v51 =	vmul.f32 v40, v12  }
0x287: {  	v45 =	vmul.f32 v43, v13;
	v46 =	vmul.f32 v36, v4  }
0x288: {  	v47 =	vmul.f32 v37, v5;
	v52 =	vmul.f32 v36, v8  }
0x289: {  	v48 =	vmul.f32 v37, v9;
	v53 =	vmul.f32 v38, v6;
	v41 =	vadd.f32 v42, v41  }
0x28a: {  	v54 =	vmul.f32 v38, v10;
	v55 =	vmul.f32 v44, v14;
	v46 =	vadd.f32 v47, v46  }
0x28b: {  	v56 =	vmul.f32 v39, v7;
	v42 =	vadd.f32 v48, v52;
	v41 =	vadd.f32 v49, v41  }
0x28c: {  	v57 =	vmul.f32 v39, v11;
	v58 =	vmul.f32 v40, v16;
	v46 =	vadd.f32 v53, v46  }
0x28d: {  	v60 =	vmul.f32 v40, v20;
	v42 =	vadd.f32 v54, v42;
	v41 =	vadd.f32 v50, v41  }
0x28e: {  	v36 =	vmul.f32 v40, v36;
	v62 =	vmul.f32 v43, v17;
	v49 =	vld [tilespmem:s29+$0xFFFFFF40];
	v46 =	vadd.f32 v56, v46  }
0x28f: {  	v63 =	vmul.f32 v43, v21;
	v42 =	vadd.f32 v57, v42;
	v41 =	vadd.f32 v51, v41  }
0x290: {  	v37 =	vmul.f32 v43, v37;
	v38 =	vmul.f32 v44, v38;
	v61 =	vadd.f32 v58, v46  }
0x291: {  	v48 =	vmul.f32 v36, v24;
	v42 =	vadd.f32 v60, v42;
	v41 =	vadd.f32 v45, v41  }
0x292: {  	v50 =	vmul.f32 v44, v18;
	v51 =	vmul.f32 v44, v22;
	v40 =	vadd.f32 v62, v61  }
0x293: {  	v59 =	vmul.f32 v49, v15;
	v42 =	vadd.f32 v63, v42;
	v41 =	vadd.f32 v55, v41  }
0x294: {  	v53 =	vmul.f32 v37, v25;
	v52 =	vmul.f32 v49, v19;
	v40 =	vadd.f32 v50, v40  }
0x295: {  	v54 =	vmul.f32 v49, v23;
	v42 =	vadd.f32 v51, v42;
	v41 =	vadd.f32 v59, v41  }
0x296: {  	v56 =	vmul.f32 v38, v26;
	v55 =	vmul.f32 v36, v28;
	v40 =	vadd.f32 v52, v40  }
0x297: {  	v36 =	vmul.f32 v36, v32;
	v42 =	vadd.f32 v54, v42;
	v41 =	vadd.f32 v41, v48  }
0x298: {  	v57 =	vmul.f32 v37, v29;
	v37 =	vmul.f32 v37, v33;
	v40 =	vadd.f32 v40, v55  }
0x299: {  	v39 =	vmul.f32 v49, v39;
	v36 =	vadd.f32 v42, v36;
	v41 =	vadd.f32 v41, v53  }
0x29a: {  	v58 =	vmul.f32 v38, v30;
	v60 =	vmul.f32 v38, v34;
	v40 =	vadd.f32 v40, v57  }
0x29b: {  	v59 =	vmul.f32 v39, v27;
	v36 =	vadd.f32 v36, v37;
	v41 =	vadd.f32 v41, v56  }
0x29c: {  	v62 =	vmul.f32 v39, v31;
	v61 =	vadd.f32 v40, v58  }
0x29d: {  	v63 =	vmul.f32 v39, v35;
	v36 =	vadd.f32 v36, v60;
	v41 =	vadd.f32 v41, v59  }
0x29e: {  	v38 =	vadd.f32 v61, v62  }
0x29f: {  	v36 =	vadd.f32 v36, v63;
	(xrf2) =	vadd.scan.msk.f32 $0xffff, v41  }
0x2a0: {  	(xrf2) =	vadd.scan.msk.f32 $0xffff, v38  }
0x2a1: {  	s14 =	sadd.s32 $0xFFFFFBFD, s25;
	(xrf2) =	vadd.scan.msk.f32 $0xffff, v36  }
0x2a2: {  	v41 =	vmov s14;
	s14 =	sadd.s32 $0xFFFFFDFD, s25  }
0x2a3: {  	v42 =	vmov s14;
	s14 =	sadd.s32 $0xFFFFFFFD, s25;
	v36 =	vand.u32 $0xFFFFFFFC, v41  }
0x2a4: {  	v37 =	vand.u32 $0xFFFFFFFC, v42;
	v43 =	vmov s14;
	v36 =	vbroadcast v36, $0x0  }
0x2a5: {  	v37 =	vbroadcast v37, $0x0;
	v38 =	vand.u32 $0xFFFFFFFC, v43  }
0x2a6: {  	v38 =	vbroadcast v38, $0x0;
	_ =	sdelay $0x2  }
0x2a7: {  	v44, _, _ =	vpop (xrf2)  }
0x2a8: {  	[tilespmem:v36+s23+$0x0] =	vst.idx.msk vm0, v44;
	v45, _, _ =	vpop (xrf2)  }
0x2a9: {  	[tilespmem:v37+s23+$0x0] =	vst.idx.msk vm0, v45;
	v46, _, _ =	vpop (xrf2)  }
0x2aa: {  	[tilespmem:v38+s23+$0x0] =	vst.idx.msk vm0, v46  }
0x2ab: {  	v36 =	vld [tilespmem:s30+$0xFFFFFF50]  }
0x2ac: {  	v37 =	vld [tilespmem:s30+$0xFFFFFF60]  }
0x2ad: {  	v38 =	vld [tilespmem:s30+$0xFFFFFF70]  }
0x2ae: {  	v39 =	vld [tilespmem:s30+$0xFFFFFF80]  }
0x2af: {  	v40 =	vld [tilespmem:s29+$0xFFFFFF50]  }
0x2b0: {  	v43 =	vld [tilespmem:s29+$0xFFFFFF60];
	_ =	sdelay $0x1  }
0x2b1: {  	v47 =	vmul.f32 v36, v0  }
0x2b2: {  	v48 =	vmul.f32 v37, v1;
	v49 =	vmul.f32 v38, v2  }
0x2b3: {  	v44 =	vld [tilespmem:s29+$0xFFFFFF70];
	v50 =	vmul.f32 v39, v3;
	v51 =	vmul.f32 v40, v12  }
0x2b4: {  	v52 =	vmul.f32 v43, v13;
	v53 =	vmul.f32 v36, v4  }
0x2b5: {  	v54 =	vmul.f32 v37, v5;
	v55 =	vmul.f32 v36, v8;
	v41 =	vadd.f32 v48, v47  }
0x2b6: {  	v56 =	vmul.f32 v37, v9;
	v57 =	vmul.f32 v38, v6  }
0x2b7: {  	v58 =	vmul.f32 v38, v10;
	v46 =	vadd.f32 v54, v53;
	v41 =	vadd.f32 v49, v41  }
0x2b8: {  	v59 =	vmul.f32 v44, v14;
	v60 =	vmul.f32 v39, v7;
	v42 =	vadd.f32 v56, v55  }
0x2b9: {  	v61 =	vmul.f32 v39, v11;
	v46 =	vadd.f32 v57, v46;
	v41 =	vadd.f32 v50, v41  }
0x2ba: {  	v62 =	vmul.f32 v40, v16;
	v36 =	vmul.f32 v40, v36;
	v42 =	vadd.f32 v58, v42  }
0x2bb: {  	v37 =	vmul.f32 v43, v37;
	v49 =	vld [tilespmem:s29+$0xFFFFFF80];
	v46 =	vadd.f32 v60, v46;
	v41 =	vadd.f32 v51, v41  }
0x2bc: {  	v38 =	vmul.f32 v44, v38;
	v42 =	vadd.f32 v61, v42;
	v50 =	vmul.f32 v40, v20  }
0x2bd: {  	v51 =	vadd.f32 v62, v46;
	v41 =	vadd.f32 v52, v41;
	v52 =	vmul.f32 v43, v17  }
0x2be: {  	v53 =	vmul.f32 v43, v21;
	v54 =	vmul.f32 v36, v24;
	v42 =	vadd.f32 v50, v42  }
0x2bf: {  	v55 =	vmul.f32 v44, v18;
	v56 =	vmul.f32 v44, v22;
	v40 =	vadd.f32 v52, v51  }
0x2c0: {  	v63 =	vmul.f32 v49, v15;
	v42 =	vadd.f32 v53, v42;
	v41 =	vadd.f32 v59, v41  }
0x2c1: {  	v58 =	vmul.f32 v37, v25;
	v57 =	vmul.f32 v49, v19;
	v40 =	vadd.f32 v55, v40  }
0x2c2: {  	v42 =	vadd.f32 v56, v42;
	v59 =	vmul.f32 v49, v23;
	v41 =	vadd.f32 v63, v41  }
0x2c3: {  	v60 =	vmul.f32 v36, v28;
	v36 =	vmul.f32 v36, v32;
	v40 =	vadd.f32 v57, v40  }
0x2c4: {  	v61 =	vmul.f32 v38, v26;
	v42 =	vadd.f32 v59, v42;
	v41 =	vadd.f32 v41, v54  }
0x2c5: {  	v62 =	vmul.f32 v37, v29;
	v37 =	vmul.f32 v37, v33;
	v40 =	vadd.f32 v40, v60  }
0x2c6: {  	v39 =	vmul.f32 v49, v39;
	v36 =	vadd.f32 v42, v36;
	v41 =	vadd.f32 v41, v58  }
0x2c7: {  	v46 =	vmul.f32 v38, v34;
	v63 =	vmul.f32 v38, v30;
	v40 =	vadd.f32 v40, v62  }
0x2c8: {  	v45 =	vmul.f32 v39, v27;
	v36 =	vadd.f32 v36, v37;
	v41 =	vadd.f32 v41, v61  }
0x2c9: {  	v48 =	vmul.f32 v39, v31;
	v47 =	vadd.f32 v40, v63  }
0x2ca: {  	v49 =	vmul.f32 v39, v35;
	v36 =	vadd.f32 v36, v46;
	v41 =	vadd.f32 v41, v45  }
0x2cb: {  	v38 =	vadd.f32 v47, v48  }
0x2cc: {  	v36 =	vadd.f32 v36, v49;
	(xrf2) =	vadd.scan.msk.f32 $0xffff, v41  }
0x2cd: {  	(xrf2) =	vadd.scan.msk.f32 $0xffff, v38  }
0x2ce: {  	s14 =	sadd.s32 $0xFFFFFBFE, s25;
	(xrf2) =	vadd.scan.msk.f32 $0xffff, v36  }
0x2cf: {  	v50 =	vmov s14;
	s14 =	sadd.s32 $0xFFFFFDFE, s25  }
0x2d0: {  	v51 =	vmov s14;
	s14 =	sadd.s32 $0xFFFFFFFE, s25;
	v36 =	vand.u32 $0xFFFFFFFD, v50  }
0x2d1: {  	v52 =	vmov s14;
	v37 =	vand.u32 $0xFFFFFFFD, v51;
	v36 =	vbroadcast v36, $0x0  }
0x2d2: {  	v37 =	vbroadcast v37, $0x0;
	v38 =	vand.u32 $0xFFFFFFFD, v52  }
0x2d3: {  	v38 =	vbroadcast v38, $0x0;
	_ =	sdelay $0x2  }
0x2d4: {  	v53, _, _ =	vpop (xrf2)  }
0x2d5: {  	[tilespmem:v36+s23+$0x0] =	vst.idx.msk vm0, v53;
	v54, _, _ =	vpop (xrf2)  }
0x2d6: {  	[tilespmem:v37+s23+$0x0] =	vst.idx.msk vm0, v54;
	v55, _, _ =	vpop (xrf2)  }
0x2d7: {  	[tilespmem:v38+s23+$0x0] =	vst.idx.msk vm0, v55  }
0x2d8: {  	v36 =	vld [tilespmem:s30+$0xFFFFFF90]  }
0x2d9: {  	v37 =	vld [tilespmem:s30+$0xFFFFFFA0]  }
0x2da: {  	v38 =	vld [tilespmem:s30+$0xFFFFFFB0]  }
0x2db: {  	v39 =	vld [tilespmem:s30+$0xFFFFFFC0]  }
0x2dc: {  	v40 =	vld [tilespmem:s29+$0xFFFFFF90]  }
0x2dd: {  	v43 =	vld [tilespmem:s29+$0xFFFFFFA0];
	_ =	sdelay $0x2  }
0x2de: {  	v56 =	vmul.f32 v36, v0;
	v57 =	vmul.f32 v37, v1  }
0x2df: {  	v58 =	vmul.f32 v38, v2;
	v59 =	vmul.f32 v39, v3  }
0x2e0: {  	v60 =	vmul.f32 v40, v12;
	v61 =	vmul.f32 v43, v13;
	v41 =	vadd.f32 v57, v56  }
0x2e1: {  	v62 =	vmul.f32 v36, v4;
	v63 =	vmul.f32 v37, v5  }
0x2e2: {  	v44 =	vld [tilespmem:s29+$0xFFFFFFB0];
	v52 =	vmul.f32 v36, v8;
	v53 =	vmul.f32 v37, v9;
	v41 =	vadd.f32 v58, v41  }
0x2e3: {  	v54 =	vmul.f32 v38, v6;
	v55 =	vmul.f32 v38, v10;
	v46 =	vadd.f32 v63, v62  }
0x2e4: {  	v36 =	vmul.f32 v40, v36;
	v42 =	vadd.f32 v53, v52;
	v41 =	vadd.f32 v59, v41  }
0x2e5: {  	v48 =	vmul.f32 v43, v21;
	v57 =	vmul.f32 v39, v7;
	v46 =	vadd.f32 v54, v46  }
0x2e6: {  	v42 =	vadd.f32 v55, v42;
	v58 =	vmul.f32 v39, v11;
	v41 =	vadd.f32 v60, v41  }
0x2e7: {  	v49 =	vld [tilespmem:s29+$0xFFFFFFC0];
	v51 =	vmul.f32 v44, v18;
	v46 =	vadd.f32 v57, v46;
	v59 =	vmul.f32 v40, v16  }
0x2e8: {  	v42 =	vadd.f32 v58, v42;
	v41 =	vadd.f32 v61, v41;
	v61 =	vmul.f32 v40, v20  }
0x2e9: {  	v37 =	vmul.f32 v43, v37;
	v63 =	vmul.f32 v43, v17;
	v62 =	vadd.f32 v59, v46  }
0x2ea: {  	v38 =	vmul.f32 v44, v38;
	v56 =	vmul.f32 v44, v14;
	v42 =	vadd.f32 v61, v42  }
0x2eb: {  	v50 =	vmul.f32 v36, v24;
	v52 =	vmul.f32 v44, v22;
	v40 =	vadd.f32 v63, v62  }
0x2ec: {  	v60 =	vmul.f32 v49, v15;
	v41 =	vadd.f32 v56, v41;
	v42 =	vadd.f32 v48, v42  }
0x2ed: {  	v53 =	vmul.f32 v49, v19;
	v54 =	vmul.f32 v37, v25;
	v40 =	vadd.f32 v51, v40  }
0x2ee: {  	v55 =	vmul.f32 v49, v23;
	v41 =	vadd.f32 v60, v41;
	v42 =	vadd.f32 v52, v42  }
0x2ef: {  	v39 =	vmul.f32 v49, v39;
	v56 =	vmul.f32 v36, v28;
	v40 =	vadd.f32 v53, v40  }
0x2f0: {  	v36 =	vmul.f32 v36, v32;
	v41 =	vadd.f32 v41, v50;
	v42 =	vadd.f32 v55, v42  }
0x2f1: {  	v57 =	vmul.f32 v38, v26;
	v58 =	vmul.f32 v37, v29;
	v40 =	vadd.f32 v40, v56  }
0x2f2: {  	v37 =	vmul.f32 v37, v33;
	v41 =	vadd.f32 v41, v54;
	v36 =	vadd.f32 v42, v36  }
0x2f3: {  	v59 =	vmul.f32 v38, v30;
	v61 =	vmul.f32 v38, v34;
	v40 =	vadd.f32 v40, v58  }
0x2f4: {  	v60 =	vmul.f32 v39, v27;
	v41 =	vadd.f32 v41, v57;
	v36 =	vadd.f32 v36, v37  }
0x2f5: {  	v63 =	vmul.f32 v39, v31;
	v62 =	vadd.f32 v40, v59  }
0x2f6: {  	v42 =	vmul.f32 v39, v35;
	v41 =	vadd.f32 v41, v60;
	v36 =	vadd.f32 v36, v61  }
0x2f7: {  	v38 =	vadd.f32 v62, v63  }
0x2f8: {  	(xrf2) =	vadd.scan.msk.f32 $0xffff, v41;
	v36 =	vadd.f32 v36, v42  }
0x2f9: {  	(xrf2) =	vadd.scan.msk.f32 $0xffff, v38  }
0x2fa: {  	s14 =	sadd.s32 $0xFFFFFBFF, s25;
	(xrf2) =	vadd.scan.msk.f32 $0xffff, v36  }
0x2fb: {  	v43 =	vmov s14;
	s14 =	sadd.s32 $0xFFFFFDFF, s25  }
0x2fc: {  	v44 =	vmov s14;
	s14 =	sadd.s32 $0xFFFFFFFF, s25;
	v36 =	vand.u32 $0xFFFFFFFE, v43  }
0x2fd: {  	v45 =	vmov s14;
	v37 =	vand.u32 $0xFFFFFFFE, v44;
	v36 =	vbroadcast v36, $0x0  }
0x2fe: {  	v37 =	vbroadcast v37, $0x0;
	v38 =	vand.u32 $0xFFFFFFFE, v45  }
0x2ff: {  	v38 =	vbroadcast v38, $0x0;
	_ =	sdelay $0x2  }
0x300: {  	v46, _, _ =	vpop (xrf2)  }
0x301: {  	[tilespmem:v36+s23+$0x0] =	vst.idx.msk vm0, v46;
	v47, _, _ =	vpop (xrf2)  }
0x302: {  	[tilespmem:v37+s23+$0x0] =	vst.idx.msk vm0, v47;
	v48, _, _ =	vpop (xrf2)  }
0x303: {  	[tilespmem:v38+s23+$0x0] =	vst.idx.msk vm0, v48  }
0x304: {  	v36 =	vld [tilespmem:s30+$0xFFFFFFD0]  }
0x305: {  	v37 =	vld [tilespmem:s30+$0xFFFFFFE0]  }
0x306: {  	v38 =	vld [tilespmem:s30+$0xFFFFFFF0]  }
0x307: {  	v39 =	vld [tilespmem:s30+$0x0]  }
0x308: {  	v40 =	vld [tilespmem:s29+$0xFFFFFFD0]  }
0x309: {  	v43 =	vld [tilespmem:s29+$0xFFFFFFE0];
	_ =	sdelay $0x2  }
0x30a: {  	v49 =	vmul.f32 v36, v0;
	v50 =	vmul.f32 v37, v1  }
0x30b: {  	v44 =	vld [tilespmem:s29+$0xFFFFFFF0];
	v51 =	vmul.f32 v38, v2;
	v52 =	vmul.f32 v39, v3  }
0x30c: {  	v53 =	vmul.f32 v40, v12;
	v54 =	vmul.f32 v43, v13;
	v41 =	vadd.f32 v50, v49  }
0x30d: {  	v55 =	vmul.f32 v36, v4;
	v56 =	vmul.f32 v37, v5  }
0x30e: {  	v57 =	vmul.f32 v36, v8;
	v58 =	vmul.f32 v37, v9;
	v41 =	vadd.f32 v51, v41  }
0x30f: {  	v59 =	vmul.f32 v38, v6;
	v60 =	vmul.f32 v38, v10;
	v46 =	vadd.f32 v56, v55  }
0x310: {  	v61 =	vmul.f32 v44, v14;
	v42 =	vadd.f32 v58, v57;
	v41 =	vadd.f32 v52, v41  }
0x311: {  	v62 =	vmul.f32 v39, v7;
	v63 =	vmul.f32 v39, v11;
	v46 =	vadd.f32 v59, v46  }
0x312: {  	v36 =	vmul.f32 v40, v36;
	v42 =	vadd.f32 v60, v42;
	v41 =	vadd.f32 v53, v41  }
0x313: {  	v37 =	vmul.f32 v43, v37;
	v49 =	vld [tilespmem:s29+$0x0];
	v46 =	vadd.f32 v62, v46;
	v52 =	vmul.f32 v40, v16  }
0x314: {  	v42 =	vadd.f32 v63, v42;
	v41 =	vadd.f32 v54, v41;
	v54 =	vmul.f32 v40, v20  }
0x315: {  	v38 =	vmul.f32 v44, v38;
	v56 =	vmul.f32 v43, v17;
	v55 =	vadd.f32 v52, v46  }
0x316: {  	v57 =	vmul.f32 v43, v21;
	v58 =	vmul.f32 v36, v24;
	v42 =	vadd.f32 v54, v42  }
0x317: {  	v59 =	vmul.f32 v44, v18;
	v60 =	vmul.f32 v44, v22;
	v40 =	vadd.f32 v56, v55  }
0x318: {  	v53 =	vmul.f32 v49, v15;
	v41 =	vadd.f32 v61, v41;
	v42 =	vadd.f32 v57, v42  }
0x319: {  	v48 =	vmul.f32 v36, v28;
	v40 =	vadd.f32 v59, v40;
	v61 =	vmul.f32 v49, v19  }
0x31a: {  	v63 =	vmul.f32 v49, v23;
	v41 =	vadd.f32 v53, v41;
	v42 =	vadd.f32 v60, v42  }
0x31b: {  	v36 =	vmul.f32 v36, v32;
	v50 =	vmul.f32 v38, v26;
	v40 =	vadd.f32 v61, v40  }
0x31c: {  	v62 =	vmul.f32 v37, v25;
	v41 =	vadd.f32 v41, v58;
	v42 =	vadd.f32 v63, v42  }
0x31d: {  	v51 =	vmul.f32 v37, v29;
	v37 =	vmul.f32 v37, v33;
	v40 =	vadd.f32 v40, v48  }
0x31e: {  	v39 =	vmul.f32 v49, v39;
	v41 =	vadd.f32 v41, v62;
	v36 =	vadd.f32 v42, v36  }
0x31f: {  	v52 =	vmul.f32 v38, v30;
	v54 =	vmul.f32 v38, v34;
	v40 =	vadd.f32 v40, v51  }
0x320: {  	v53 =	vmul.f32 v39, v27;
	v41 =	vadd.f32 v41, v50;
	v36 =	vadd.f32 v36, v37  }
0x321: {  	v56 =	vmul.f32 v39, v31;
	v55 =	vadd.f32 v40, v52  }
0x322: {  	v57 =	vmul.f32 v39, v35;
	v41 =	vadd.f32 v41, v53;
	v36 =	vadd.f32 v36, v54  }
0x323: {  	v38 =	vadd.f32 v55, v56  }
0x324: {  	(xrf2) =	vadd.scan.msk.f32 $0xffff, v41;
	v36 =	vadd.f32 v36, v57  }
0x325: {  	(xrf2) =	vadd.scan.msk.f32 $0xffff, v38  }
0x326: {  	(xrf2) =	vadd.scan.msk.f32 $0xffff, v36;
	_ =	sdelay $0x2  }
0x327: {  	s14 =	sadd.s32 $0xFFFFFC00, s25  }
0x328: {  	v58 =	vmov s14;
	s14 =	sadd.s32 $0xFFFFFE00, s25  }
0x329: {  	v59 =	vmov s14  }
0x32a: {  	p0 =	sne.s32 s25, $0x5FF;
	v60 =	vmov s25  }
.Ltmp3:
0x32b: {  	_ = 	snop;
	(pc) =	sbr.rel @p0 .LBB2_8-.Ltmp3, $4  }
0x32c: {  	v61, _, _ =	vpop (xrf2)  }
0x32d: {  	v62, _, _ =	vpop (xrf2);
	[tilespmem:v58+s23+$0x0] =	vst.idx.msk vm0, v61  }
0x32e: {  	[tilespmem:v59+s23+$0x0] =	vst.idx.msk vm0, v62;
	v63, _, _ =	vpop (xrf2)  }
0x32f: {  	s30 =	sadd.s32 $0x100, s30;
	s29 =	sadd.s32 $0x100, s29;
	s25 =	sadd.s32 $0x4, s25;
	[tilespmem:v60+s23+$0x0] =	vst.idx.msk vm0, v63  }
0x330: {  	[hbm4b:s6+s3] =	stream.linear.scatter [tilespmem:s23], [sflag:$0x9], $0x200, $0x38;
	[tilespmem:$0x8C40] =	vst v63  }
0x331: {  	_ =	swait.ge [sflag:s12], $0x200  }
0x332: {  	[sflag:s12] =	ssyncset.done $0x0  }
0x333: {  	s14 =	simm.s32 $0x8840;
	[sflag:s12] =	ssyncadd.s32 $0xFFFFFE00  }
0x334: {  	[hbm4b:s9+s3] =	stream.linear.scatter [tilespmem:s14], [sflag:$0x9], $0x200, $0x38;
	[tilespmem:$0x8C40] =	vst v63  }
0x335: {  	s24 =	sadd.s32 $0x1, s24;
	_ =	swait.ge [sflag:s12], $0x200  }
0x336: {  	p0 =	sne.s32 s24, s11;
	[sflag:s12] =	ssyncset.done $0x0  }
.Ltmp4:
0x337: {  	[sflag:s12] =	ssyncadd.s32 $0xFFFFFE00;
	(pc) =	sbr.rel @p0 .LBB2_1-.Ltmp4, $4  }
0x338: {  	[hbm4b:s10+s3] =	stream.linear.scatter [tilespmem:s19], [sflag:$0x9], $0x200, $0x38;
	[tilespmem:$0x8C40] =	vst v63  }
0x339: {  	_ =	swait.ge [sflag:s12], $0x200  }
0x33a: {  	[sflag:s12] =	ssyncset.done $0x0  }
0x33b: {  	[sflag:s12] =	ssyncadd.s32 $0xFFFFFE00  }
0x33c: {  	_ =	sfence.sel $0x180000  }
0x33d: {  	[bflag:$0x0] =	sbarrier.arrive $0xFFFF  }
0x33e: {  	_ =	strace $0x90000047  }
0x33f: {  	s0 =	stileid.u32;
	[bflag:$0x2] =	sbarrier.arrive $0xFFFF  }
0x340: {  	p0 =	sne.s32 s0, $0x0;
	s0 =	rddreg [dreg:$0x5]  }
0x341: {  	s0 =	sadd.s32 @!p0 $0x100000, s0  }
0x342: {  	[sflag:s0] =	ssyncadd.tile.s32 @!p0 $0x1;
	_ =	shalt  }
.Lfunc_end2:
_tile_overlayer_lowered:
.L_overlay_start_2:
0x343: {  	(tag) =	ssettag $0x2  }
0x344: {  	s0 =	rddreg [dreg:$0x0];
	s2 =	stileid.u32  }
0x345: {  	s1 =	rddreg [dreg:$0x1];
	p0 =	sne.s32 s2, $0x0  }
0x346: {  	s3 =	rddreg [dreg:$0x2];
	[bflag:$0x3] =	sbarrier.arrive $0xFFFF;
	s2 =	simm.s32 @!p0 $0x1C09  }
0x347: {  	[timem:s3], [sflag:s2] =	dma.local @!p0 [hbm:s0], s1  }
0x348: {  	s0 =	simm.s32 @!p0 $0x9  }
0x349: {  	_ =	swait.ge @!p0 [sflag:s0], s1  }
0x34a: {  	s1 =	ssub.s32 @!p0 $0x0, s1;
	[sflag:s0] =	ssyncset.done @!p0 $0x0  }
0x34b: {  	[sflag:s0] =	ssyncadd.s32 @!p0 s1  }
0x34c: {  	[bflag:$0x3] =	sbarrier.arrive $0xFFFF  }
0x34d: {  	_ =	shalt  }

</sc_bundles>
